<compile_context>
chip_gen: v7x
topology: tpu7x:2x2x1
jax: 0.10.2.dev20260603
libtpu: 0.0.44.dev20260713+nightly
codegen_flags: <defaults>
</compile_context>

<pallas_src>
import functools

import jax
import jax.numpy as jnp
from jax import lax
from jax.experimental import pallas as pl
from jax.experimental.pallas import tpu as pltpu
from jax.experimental.pallas import tpu_sc as plsc

_B = 16384
_U = 1000000
_CHU = 16384
_GRID_PACK = (_U + _CHU - 1) // _CHU
_RP = _GRID_PACK * (_CHU // 4)
_UPAD = _RP * 4
_NC = 2
_NS = 16
_NW = _NC * _NS
_BPW = _B // _NW
_CH = 128
_NCH = _BPW // _CH
_FG = 32
_FM = 128


def _pack_body(xu_ref, xi_ref, ou_ref, oi_ref):
    q_span = _CHU // 4
    eye = jnp.eye(128, dtype=jnp.float32)
    j = pl.program_id(0)
    valid = _U - j * _CHU
    col = lax.broadcasted_iota(jnp.int32, (32, _CHU), 1)
    in_bounds = col < valid
    for x_ref, o_ref in ((xu_ref, ou_ref), (xi_ref, oi_ref)):
        x = jnp.where(in_bounds, x_ref[...], 0.0)
        xc = jnp.concatenate([x[:, q * q_span:(q + 1) * q_span]
                              for q in range(4)], axis=0)
        o_ref[...] = jax.lax.dot_general(
            xc, eye, (((0,), (0,)), ((), ())),
            preferred_element_type=jnp.float32)


def _pack_tables(eug, eig):
    pu, pi = pl.pallas_call(
        _pack_body,
        grid=(_GRID_PACK,),
        in_specs=[pl.BlockSpec((32, _CHU), lambda j: (0, j)),
                  pl.BlockSpec((32, _CHU), lambda j: (0, j))],
        out_specs=[pl.BlockSpec((_CHU // 4, 128), lambda j: (j, 0)),
                   pl.BlockSpec((_CHU // 4, 128), lambda j: (j, 0))],
        out_shape=[jax.ShapeDtypeStruct((_RP, 128), jnp.float32),
                   jax.ShapeDtypeStruct((_RP, 128), jnp.float32)],
    )(eug.T, eig.T)
    return pu.reshape(_UPAD, 32), pi.reshape(_UPAD, 32)


def _mesh():
    return plsc.VectorSubcoreMesh(core_axis_name="c", subcore_axis_name="s",
                                  num_cores=_NC, num_subcores=_NS)


def _wid():
    return lax.axis_index("s") * _NC + lax.axis_index("c")


def _gmf_body(user_hbm, item_hbm, eug, eig, gmf_out,
              idx_u, idx_i, vid_u, vid_i, gu_v, gi_v, sem):
    wid = _wid()
    pltpu.sync_copy(user_hbm.at[wid], idx_u)
    pltpu.sync_copy(item_hbm.at[wid], idx_i)

    sb = _CHU.bit_length() - 1
    ss = sb - 2
    sm = (1 << ss) - 1

    def remap(k, carry):
        for src, dst in ((idx_u, vid_u), (idx_i, vid_i)):
            for c in range(_NCH):
                v = src[c, pl.ds(k * 16, 16)]
                vrow = (jax.lax.shift_left(jax.lax.shift_right_logical(v, sb),
                                           sb)
                        + jax.lax.shift_left(v & sm, 2)
                        + (jax.lax.shift_right_logical(v, ss) & 3))
                dst[c, pl.ds(k * 16, 16)] = vrow
        return carry

    lax.fori_loop(0, _CH // 16, remap, 0)
    descs = []
    for c in range(_NCH):
        descs.append(pltpu.async_copy(eug.at[vid_u.at[c]], gu_v.at[c], sem))
        descs.append(pltpu.async_copy(eig.at[vid_i.at[c]], gi_v.at[c], sem))
    for d in descs:
        d.wait()

    def mul_row(r, carry):
        for c in range(_NCH):
            for j in range(_FG // 16):
                sl = pl.ds(j * 16, 16)
                gu_v[c, r, sl] = gu_v[c, r, sl] * gi_v[c, r, sl]
        return carry

    lax.fori_loop(0, _CH, mul_row, 0)
    pltpu.sync_copy(gu_v, gmf_out.at[wid])


def _sc_gmf(user3, item3, eug, eig):
    k = functools.partial(
        pl.kernel, mesh=_mesh(),
        compiler_params=pltpu.CompilerParams(use_tc_tiling_on_sc=False),
        out_type=jax.ShapeDtypeStruct((_NW, _NCH, _CH, _FG), jnp.float32),
        scratch_types=[
            pltpu.VMEM((_NCH, _CH), jnp.int32),
            pltpu.VMEM((_NCH, _CH), jnp.int32),
            pltpu.VMEM((_NCH, _CH), jnp.int32),
            pltpu.VMEM((_NCH, _CH), jnp.int32),
            pltpu.VMEM((_NCH, _CH, _FG), jnp.float32),
            pltpu.VMEM((_NCH, _CH, _FG), jnp.float32),
            pltpu.SemaphoreType.DMA,
        ],
    )(_gmf_body)
    return k(user3, item3, eug, eig).reshape(_B, _FG)


def _mlp_gather_body(user_hbm, item_hbm, eum, eim, mu_out, mi_out,
                     idx_u, idx_i, bufs_u, bufs_i, sem_u, sem_i):
    wid = _wid()
    base = wid * _BPW
    for c in range(_NCH):
        pltpu.sync_copy(user_hbm.at[pl.ds(base + c * _CH, _CH)], idx_u.at[c])
        pltpu.sync_copy(item_hbm.at[pl.ds(base + c * _CH, _CH)], idx_i.at[c])
    du = [None, None]
    di = [None, None]
    du[0] = pltpu.async_copy(eum.at[idx_u.at[0]], bufs_u.at[0], sem_u.at[0])
    di[0] = pltpu.async_copy(eim.at[idx_i.at[0]], bufs_i.at[0], sem_i.at[0])
    for c in range(_NCH):
        s = c % 2
        if c + 1 < _NCH:
            n = (c + 1) % 2
            du[n] = pltpu.async_copy(eum.at[idx_u.at[c + 1]], bufs_u.at[n],
                                     sem_u.at[n])
            di[n] = pltpu.async_copy(eim.at[idx_i.at[c + 1]], bufs_i.at[n],
                                     sem_i.at[n])
        du[s].wait()
        pltpu.sync_copy(bufs_u.at[s], mu_out.at[pl.ds(base + c * _CH, _CH)])
        di[s].wait()
        pltpu.sync_copy(bufs_i.at[s], mi_out.at[pl.ds(base + c * _CH, _CH)])


def _sc_mlp_gather(user, item, eum, eim):
    k = functools.partial(
        pl.kernel, mesh=_mesh(),
        out_type=(
            jax.ShapeDtypeStruct((_B, _FM), jnp.float32),
            jax.ShapeDtypeStruct((_B, _FM), jnp.float32),
        ),
        scratch_types=[
            pltpu.VMEM((_NCH, _CH), jnp.int32),
            pltpu.VMEM((_NCH, _CH), jnp.int32),
            pltpu.VMEM((2, _CH, _FM), jnp.float32),
            pltpu.VMEM((2, _CH, _FM), jnp.float32),
            pltpu.SemaphoreType.DMA((2,)),
            pltpu.SemaphoreType.DMA((2,)),
        ],
    )(_mlp_gather_body)
    return k(user, item, eum, eim)


_BLK = 2048


def _mlp_body(mu_ref, mi_ref, gmf_ref, w1a, w1b, b1, w2, b2, w3, b3,
              wpa, wpb, bp, out_ref):
    x = jnp.dot(mu_ref[...], w1a[...], preferred_element_type=jnp.float32)
    x = x + jnp.dot(mi_ref[...], w1b[...], preferred_element_type=jnp.float32)
    x = jnp.maximum(x + b1[...], 0.0)
    x = jnp.maximum(jnp.dot(x, w2[...], preferred_element_type=jnp.float32)
                    + b2[...], 0.0)
    x = jnp.maximum(jnp.dot(x, w3[...], preferred_element_type=jnp.float32)
                    + b3[...], 0.0)
    out = jax.lax.dot_general(wpa[...], gmf_ref[...], (((0,), (1,)), ((), ())),
                              preferred_element_type=jnp.float32)
    out = out + jax.lax.dot_general(wpb[...], x, (((0,), (1,)), ((), ())),
                                    preferred_element_type=jnp.float32)
    out_ref[pl.ds(pl.program_id(0), 1), :] = out + bp[...]


def _tc_mlp(mu, mi, gmf, W1, b1, W2, b2, W3, b3, Wp, bp):
    full = lambda shape: pl.BlockSpec(shape, lambda i: (0, 0))
    grid = (_B // _BLK,)
    return pl.pallas_call(
        _mlp_body,
        grid=grid,
        in_specs=[
            pl.BlockSpec((_BLK, _FM), lambda i: (i, 0)),
            pl.BlockSpec((_BLK, _FM), lambda i: (i, 0)),
            pl.BlockSpec((_BLK, _FG), lambda i: (i, 0)),
            full((128, 128)), full((128, 128)), full((1, 128)),
            full((128, 64)), full((1, 64)),
            full((64, 32)), full((1, 32)),
            full((32, 1)), full((32, 1)), full((1, 1)),
        ],
        out_specs=pl.BlockSpec((_B // _BLK, _BLK), lambda i: (0, 0)),
        out_shape=jax.ShapeDtypeStruct((_B // _BLK, _BLK), jnp.float32),
    )(mu, mi, gmf,
      W1[:128], W1[128:], b1.reshape(1, -1),
      W2, b2.reshape(1, -1), W3, b3.reshape(1, -1),
      Wp[:32], Wp[32:], bp.reshape(1, 1))


def kernel(user, item, embed_user_GMF, embed_item_GMF, embed_user_MLP,
           embed_item_MLP, W1, b1, W2, b2, W3, b3, Wp, bp):
    user = user.astype(jnp.int32)
    item = item.astype(jnp.int32)
    mu, mi = _sc_mlp_gather(user, item, embed_user_MLP, embed_item_MLP)
    pug, pig = _pack_tables(embed_user_GMF, embed_item_GMF)
    gmf = _sc_gmf(user.reshape(_NW, _NCH, _CH), item.reshape(_NW, _NCH, _CH),
                  pug, pig)
    out = _tc_mlp(mu, mi, gmf, W1, b1, W2, b2, W3, b3, Wp, bp)
    return out.reshape(-1)

# --- scband reference (transcript-rebuilt; emitter-appended) ---
"""Pipeline reference for scband-ncf-article-18339510354637 (READ-ONLY COPY).

The authoritative reference and input builder live on the scoring server;
editing this copy changes nothing except your own understanding.
"""

import jax, jax.numpy as jnp
import numpy as np

U = 1000000
I = 1000000
F = 32          # factor_num
NL = 3          # num_layers
MD = F * 2 ** (NL - 1)  # 128, MLP embedding dim
B = 16384


def _xavier(key, fan_in, fan_out):
    limit = float(np.sqrt(6.0 / (fan_in + fan_out)))
    return jax.random.uniform(key, (fan_in, fan_out), minval=-limit, maxval=limit, dtype=jnp.float32)


def setup_inputs(seed: int = 0) -> dict:
    key = jax.random.key(seed)
    ks = jax.random.split(key, 12)
    user = jax.random.randint(ks[0], (B,), 0, U, dtype=jnp.int64 if jax.config.read('jax_enable_x64') else jnp.int32)
    item = jax.random.randint(ks[1], (B,), 0, I, dtype=jnp.int64 if jax.config.read('jax_enable_x64') else jnp.int32)
    embed_user_GMF = jax.random.normal(ks[2], (U, F), dtype=jnp.float32) * 0.01
    embed_item_GMF = jax.random.normal(ks[3], (I, F), dtype=jnp.float32) * 0.01
    embed_user_MLP = jax.random.normal(ks[4], (U, MD), dtype=jnp.float32) * 0.01
    embed_item_MLP = jax.random.normal(ks[5], (I, MD), dtype=jnp.float32) * 0.01
    # MLP: layer i has input F*2^(NL-i), output half of that
    W1 = _xavier(ks[6], 256, 128); b1 = jnp.zeros((128,), jnp.float32)
    W2 = _xavier(ks[7], 128, 64);  b2 = jnp.zeros((64,), jnp.float32)
    W3 = _xavier(ks[8], 64, 32);   b3 = jnp.zeros((32,), jnp.float32)
    # predict layer: input F*2 = 64 for NeuMF
    Wp = _xavier(ks[9], 64, 1);    bp = jnp.zeros((1,), jnp.float32)
    return {
        'user': user, 'item': item,
        'embed_user_GMF': embed_user_GMF, 'embed_item_GMF': embed_item_GMF,
        'embed_user_MLP': embed_user_MLP, 'embed_item_MLP': embed_item_MLP,
        'W1': W1, 'b1': b1, 'W2': W2, 'b2': b2, 'W3': W3, 'b3': b3,
        'Wp': Wp, 'bp': bp,
    }


def reference(user, item, embed_user_GMF, embed_item_GMF, embed_user_MLP, embed_item_MLP,
              W1, b1, W2, b2, W3, b3, Wp, bp):
    # GMF branch
    gu = jnp.take(embed_user_GMF, user, axis=0)
    gi = jnp.take(embed_item_GMF, item, axis=0)
    output_GMF = gu * gi
    # MLP branch
    mu = jnp.take(embed_user_MLP, user, axis=0)
    mi = jnp.take(embed_item_MLP, item, axis=0)
    x = jnp.concatenate([mu, mi], axis=-1)
    x = jax.nn.relu(x @ W1 + b1)
    x = jax.nn.relu(x @ W2 + b2)
    x = jax.nn.relu(x @ W3 + b3)
    output_MLP = x
    concat = jnp.concatenate([output_GMF, output_MLP], axis=-1)
    prediction = concat @ Wp + bp
    return prediction.reshape(-1)

if __name__ == "__main__":
    import jax
    _d = setup_inputs()
    print(jax.jit(kernel)(*tuple(_d.values())))

</pallas_src>

<mosaic_0001>
#map = affine_map<(d0, d1) -> (0, 0, 0)>
#map1 = affine_map<(d0, d1) -> (0, 0)>
#map2 = affine_map<(d0, d1) -> (0, 0, 0, 0)>
module attributes {stable_mosaic.version = 14 : i64} {
  func.func @_gmf_body(%arg0: i32, %arg1: i32, %arg2: memref<32x4x128xi32, #tpu.memory_space<hbm>>, %arg3: memref<32x4x128xi32, #tpu.memory_space<hbm>>, %arg4: memref<1015808x32xf32, #tpu.memory_space<hbm>>, %arg5: memref<1015808x32xf32, #tpu.memory_space<hbm>>, %arg6: memref<32x4x128x32xf32, #tpu.memory_space<hbm>>, %arg7: memref<4x128xi32, #tpu.memory_space<vmem>>, %arg8: memref<4x128xi32, #tpu.memory_space<vmem>>, %arg9: memref<4x128xi32, #tpu.memory_space<vmem>>, %arg10: memref<4x128xi32, #tpu.memory_space<vmem>>, %arg11: memref<4x128x32xf32, #tpu.memory_space<vmem>>, %arg12: memref<4x128x32xf32, #tpu.memory_space<vmem>>, %arg13: memref<!tpu.dma_semaphore, #tpu.memory_space<semaphore_mem>>) attributes {dimension_semantics = [#tpu.dimension_semantics<core_parallel>, #tpu.dimension_semantics<subcore_parallel>], iteration_bounds = array<i64: 2, 16>, scalar_prefetch = 0 : i64, scratch_operands = 7 : i64, tpu.core_type = #tpu.core_type<sc_vector_subcore>, window_params = [{transform_indices = #map}, {transform_indices = #map}, {transform_indices = #map1}, {transform_indices = #map1}, {transform_indices = #map2}]} {
    %mul3A = arith.constant 2 : i32
    %mul3A_0 = arith.muli %arg1, %mul3A : i32
    %add3A = arith.addi %mul3A_0, %arg0 : i32
    "tpu.region"() ({
      %run_scoped3A = tpu.sem_alloc : memref<!tpu.dma_semaphore, #tpu.memory_space<semaphore_mem>>
      %dma_start3A_202 = arith.constant 0 : i32
      %dma_start3A_203 = arith.constant 0 : i32
      %dma_start3A_204 = tpu.memref_slice %arg2[%add3A, %dma_start3A_202, %dma_start3A_203] : memref<32x4x128xi32, #tpu.memory_space<hbm>> -> memref<1x4x128xi32, #tpu.memory_space<hbm>>
      %dma_start3A_205 = tpu.memref_squeeze %dma_start3A_204 : memref<1x4x128xi32, #tpu.memory_space<hbm>> -> memref<4x128xi32, #tpu.memory_space<hbm>>
      %dma_start3A_206 = arith.constant 0 : i32
      %dma_start3A_207 = arith.constant 0 : i32
      %dma_start3A_208 = tpu.memref_slice %arg2[%add3A, %dma_start3A_206, %dma_start3A_207] : memref<32x4x128xi32, #tpu.memory_space<hbm>> -> memref<1x4x128xi32, #tpu.memory_space<hbm>>
      %dma_start3A_209 = tpu.memref_squeeze %dma_start3A_208 : memref<1x4x128xi32, #tpu.memory_space<hbm>> -> memref<4x128xi32, #tpu.memory_space<hbm>>
      tpu.enqueue_dma source(%dma_start3A_209 : memref<4x128xi32, #tpu.memory_space<hbm>>) target(%arg7 : memref<4x128xi32, #tpu.memory_space<vmem>>) target_semaphore(%run_scoped3A : memref<!tpu.dma_semaphore, #tpu.memory_space<semaphore_mem>>)
      %dma_wait3A_210 = arith.constant 0 : i32
      %dma_wait3A_211 = arith.constant 0 : i32
      %dma_wait3A_212 = tpu.memref_slice %arg2[%add3A, %dma_wait3A_210, %dma_wait3A_211] : memref<32x4x128xi32, #tpu.memory_space<hbm>> -> memref<1x4x128xi32, #tpu.memory_space<hbm>>
      %dma_wait3A_213 = tpu.memref_squeeze %dma_wait3A_212 : memref<1x4x128xi32, #tpu.memory_space<hbm>> -> memref<4x128xi32, #tpu.memory_space<hbm>>
      %dma_wait3A_214 = arith.constant 0 : i32
      %dma_wait3A_215 = arith.constant 0 : i32
      %dma_wait3A_216 = tpu.memref_slice %arg2[%add3A, %dma_wait3A_214, %dma_wait3A_215] : memref<32x4x128xi32, #tpu.memory_space<hbm>> -> memref<1x4x128xi32, #tpu.memory_space<hbm>>
      %dma_wait3A_217 = tpu.memref_squeeze %dma_wait3A_216 : memref<1x4x128xi32, #tpu.memory_space<hbm>> -> memref<4x128xi32, #tpu.memory_space<hbm>>
      tpu.wait_dma2 semaphore(%run_scoped3A : memref<!tpu.dma_semaphore, #tpu.memory_space<semaphore_mem>>) src(%dma_wait3A_217 : memref<4x128xi32, #tpu.memory_space<hbm>>) dst(%arg7 : memref<4x128xi32, #tpu.memory_space<vmem>>)
      tpu.yield
    }) : () -> ()
    "tpu.region"() ({
      %run_scoped3A = tpu.sem_alloc : memref<!tpu.dma_semaphore, #tpu.memory_space<semaphore_mem>>
      %dma_start3A_202 = arith.constant 0 : i32
      %dma_start3A_203 = arith.constant 0 : i32
      %dma_start3A_204 = tpu.memref_slice %arg3[%add3A, %dma_start3A_202, %dma_start3A_203] : memref<32x4x128xi32, #tpu.memory_space<hbm>> -> memref<1x4x128xi32, #tpu.memory_space<hbm>>
      %dma_start3A_205 = tpu.memref_squeeze %dma_start3A_204 : memref<1x4x128xi32, #tpu.memory_space<hbm>> -> memref<4x128xi32, #tpu.memory_space<hbm>>
      %dma_start3A_206 = arith.constant 0 : i32
      %dma_start3A_207 = arith.constant 0 : i32
      %dma_start3A_208 = tpu.memref_slice %arg3[%add3A, %dma_start3A_206, %dma_start3A_207] : memref<32x4x128xi32, #tpu.memory_space<hbm>> -> memref<1x4x128xi32, #tpu.memory_space<hbm>>
      %dma_start3A_209 = tpu.memref_squeeze %dma_start3A_208 : memref<1x4x128xi32, #tpu.memory_space<hbm>> -> memref<4x128xi32, #tpu.memory_space<hbm>>
      tpu.enqueue_dma source(%dma_start3A_209 : memref<4x128xi32, #tpu.memory_space<hbm>>) target(%arg8 : memref<4x128xi32, #tpu.memory_space<vmem>>) target_semaphore(%run_scoped3A : memref<!tpu.dma_semaphore, #tpu.memory_space<semaphore_mem>>)
      %dma_wait3A_210 = arith.constant 0 : i32
      %dma_wait3A_211 = arith.constant 0 : i32
      %dma_wait3A_212 = tpu.memref_slice %arg3[%add3A, %dma_wait3A_210, %dma_wait3A_211] : memref<32x4x128xi32, #tpu.memory_space<hbm>> -> memref<1x4x128xi32, #tpu.memory_space<hbm>>
      %dma_wait3A_213 = tpu.memref_squeeze %dma_wait3A_212 : memref<1x4x128xi32, #tpu.memory_space<hbm>> -> memref<4x128xi32, #tpu.memory_space<hbm>>
      %dma_wait3A_214 = arith.constant 0 : i32
      %dma_wait3A_215 = arith.constant 0 : i32
      %dma_wait3A_216 = tpu.memref_slice %arg3[%add3A, %dma_wait3A_214, %dma_wait3A_215] : memref<32x4x128xi32, #tpu.memory_space<hbm>> -> memref<1x4x128xi32, #tpu.memory_space<hbm>>
      %dma_wait3A_217 = tpu.memref_squeeze %dma_wait3A_216 : memref<1x4x128xi32, #tpu.memory_space<hbm>> -> memref<4x128xi32, #tpu.memory_space<hbm>>
      tpu.wait_dma2 semaphore(%run_scoped3A : memref<!tpu.dma_semaphore, #tpu.memory_space<semaphore_mem>>) src(%dma_wait3A_217 : memref<4x128xi32, #tpu.memory_space<hbm>>) dst(%arg8 : memref<4x128xi32, #tpu.memory_space<vmem>>)
      tpu.yield
    }) : () -> ()
    %scan3A = arith.constant 0 : i32
    %scan3A_1 = arith.constant 0 : i32
    %scan3A_2 = arith.constant 8 : i32
    %scan3A_3 = arith.addi %scan3A_1, %scan3A_2 : i32
    %scan3A_4 = arith.constant 1 : i32
    scf.for %scan3A_202 = %scan3A_1 to %scan3A_3 step %scan3A_4  : i32 {
      %mul3A_203 = arith.constant 16 : i32
      %mul3A_204 = arith.muli %scan3A_202, %mul3A_203 : i32
      %get3A = arith.constant 0 : i32
      %get3A_205 = arith.index_cast %get3A : i32 to index
      %get3A_206 = arith.index_cast %mul3A_204 : i32 to index
      %get3A_207 = tpu.vector_load %arg7[%get3A_205, %get3A_206] {strides = array<i32>} : memref<4x128xi32, #tpu.memory_space<vmem>>, vector<1x16xi32>,
      %get3A_208 = vector.shape_cast %get3A_207 : vector<1x16xi32> to vector<16xi32>
      %shift_right_logical3A = arith.constant 14 : i32
      %shift_right_logical3A_209 = vector.broadcast %shift_right_logical3A : i32 to vector<16xi32>
      %shift_right_logical3A_210 = arith.shrui %get3A_208, %shift_right_logical3A_209 : vector<16xi32>
      %shift_left3A = arith.constant 14 : i32
      %shift_left3A_211 = vector.broadcast %shift_left3A : i32 to vector<16xi32>
      %shift_left3A_212 = arith.shli %shift_right_logical3A_210, %shift_left3A_211 : vector<16xi32>
      %and3A = arith.constant 4095 : i32
      %and3A_213 = vector.broadcast %and3A : i32 to vector<16xi32>
      %and3A_214 = arith.andi %get3A_208, %and3A_213 : vector<16xi32>
      %shift_left3A_215 = arith.constant 2 : i32
      %shift_left3A_216 = vector.broadcast %shift_left3A_215 : i32 to vector<16xi32>
      %shift_left3A_217 = arith.shli %and3A_214, %shift_left3A_216 : vector<16xi32>
      %add3A_218 = arith.addi %shift_left3A_212, %shift_left3A_217 : vector<16xi32>
      %shift_right_logical3A_219 = arith.constant 12 : i32
      %shift_right_logical3A_220 = vector.broadcast %shift_right_logical3A_219 : i32 to vector<16xi32>
      %shift_right_logical3A_221 = arith.shrui %get3A_208, %shift_right_logical3A_220 : vector<16xi32>
      %and3A_222 = arith.constant 3 : i32
      %and3A_223 = vector.broadcast %and3A_222 : i32 to vector<16xi32>
      %and3A_224 = arith.andi %shift_right_logical3A_221, %and3A_223 : vector<16xi32>
      %add3A_225 = arith.addi %add3A_218, %and3A_224 : vector<16xi32>
      %mul3A_226 = arith.constant 16 : i32
      %mul3A_227 = arith.muli %scan3A_202, %mul3A_226 : i32
      %swap3A = arith.constant 0 : i32
      %swap3A_228 = arith.index_cast %swap3A : i32 to index
      %swap3A_229 = arith.index_cast %mul3A_227 : i32 to index
      %swap3A_230 = tpu.vector_load %arg9[%swap3A_228, %swap3A_229] {strides = array<i32>} : memref<4x128xi32, #tpu.memory_space<vmem>>, vector<1x16xi32>,
      %swap3A_231 = vector.shape_cast %swap3A_230 : vector<1x16xi32> to vector<16xi32>
      %swap3A_232 = vector.shape_cast %add3A_225 : vector<16xi32> to vector<1x16xi32>
      tpu.vector_store %arg9[%swap3A_228, %swap3A_229], %swap3A_232 {strides = array<i32>} : memref<4x128xi32, #tpu.memory_space<vmem>>, vector<1x16xi32>,
      %mul3A_233 = arith.constant 16 : i32
      %mul3A_234 = arith.muli %scan3A_202, %mul3A_233 : i32
      %get3A_235 = arith.constant 1 : i32
      %get3A_236 = arith.index_cast %get3A_235 : i32 to index
      %get3A_237 = arith.index_cast %mul3A_234 : i32 to index
      %get3A_238 = tpu.vector_load %arg7[%get3A_236, %get3A_237] {strides = array<i32>} : memref<4x128xi32, #tpu.memory_space<vmem>>, vector<1x16xi32>,
      %get3A_239 = vector.shape_cast %get3A_238 : vector<1x16xi32> to vector<16xi32>
      %shift_right_logical3A_240 = arith.constant 14 : i32
      %shift_right_logical3A_241 = vector.broadcast %shift_right_logical3A_240 : i32 to vector<16xi32>
      %shift_right_logical3A_242 = arith.shrui %get3A_239, %shift_right_logical3A_241 : vector<16xi32>
      %shift_left3A_243 = arith.constant 14 : i32
      %shift_left3A_244 = vector.broadcast %shift_left3A_243 : i32 to vector<16xi32>
      %shift_left3A_245 = arith.shli %shift_right_logical3A_242, %shift_left3A_244 : vector<16xi32>
      %and3A_246 = arith.constant 4095 : i32
      %and3A_247 = vector.broadcast %and3A_246 : i32 to vector<16xi32>
      %and3A_248 = arith.andi %get3A_239, %and3A_247 : vector<16xi32>
      %shift_left3A_249 = arith.constant 2 : i32
      %shift_left3A_250 = vector.broadcast %shift_left3A_249 : i32 to vector<16xi32>
      %shift_left3A_251 = arith.shli %and3A_248, %shift_left3A_250 : vector<16xi32>
      %add3A_252 = arith.addi %shift_left3A_245, %shift_left3A_251 : vector<16xi32>
      %shift_right_logical3A_253 = arith.constant 12 : i32
      %shift_right_logical3A_254 = vector.broadcast %shift_right_logical3A_253 : i32 to vector<16xi32>
      %shift_right_logical3A_255 = arith.shrui %get3A_239, %shift_right_logical3A_254 : vector<16xi32>
      %and3A_256 = arith.constant 3 : i32
      %and3A_257 = vector.broadcast %and3A_256 : i32 to vector<16xi32>
      %and3A_258 = arith.andi %shift_right_logical3A_255, %and3A_257 : vector<16xi32>
      %add3A_259 = arith.addi %add3A_252, %and3A_258 : vector<16xi32>
      %mul3A_260 = arith.constant 16 : i32
      %mul3A_261 = arith.muli %scan3A_202, %mul3A_260 : i32
      %swap3A_262 = arith.constant 1 : i32
      %swap3A_263 = arith.index_cast %swap3A_262 : i32 to index
      %swap3A_264 = arith.index_cast %mul3A_261 : i32 to index
      %swap3A_265 = tpu.vector_load %arg9[%swap3A_263, %swap3A_264] {strides = array<i32>} : memref<4x128xi32, #tpu.memory_space<vmem>>, vector<1x16xi32>,
      %swap3A_266 = vector.shape_cast %swap3A_265 : vector<1x16xi32> to vector<16xi32>
      %swap3A_267 = vector.shape_cast %add3A_259 : vector<16xi32> to vector<1x16xi32>
      tpu.vector_store %arg9[%swap3A_263, %swap3A_264], %swap3A_267 {strides = array<i32>} : memref<4x128xi32, #tpu.memory_space<vmem>>, vector<1x16xi32>,
      %mul3A_268 = arith.constant 16 : i32
      %mul3A_269 = arith.muli %scan3A_202, %mul3A_268 : i32
      %get3A_270 = arith.constant 2 : i32
      %get3A_271 = arith.index_cast %get3A_270 : i32 to index
      %get3A_272 = arith.index_cast %mul3A_269 : i32 to index
      %get3A_273 = tpu.vector_load %arg7[%get3A_271, %get3A_272] {strides = array<i32>} : memref<4x128xi32, #tpu.memory_space<vmem>>, vector<1x16xi32>,
      %get3A_274 = vector.shape_cast %get3A_273 : vector<1x16xi32> to vector<16xi32>
      %shift_right_logical3A_275 = arith.constant 14 : i32
      %shift_right_logical3A_276 = vector.broadcast %shift_right_logical3A_275 : i32 to vector<16xi32>
      %shift_right_logical3A_277 = arith.shrui %get3A_274, %shift_right_logical3A_276 : vector<16xi32>
      %shift_left3A_278 = arith.constant 14 : i32
      %shift_left3A_279 = vector.broadcast %shift_left3A_278 : i32 to vector<16xi32>
      %shift_left3A_280 = arith.shli %shift_right_logical3A_277, %shift_left3A_279 : vector<16xi32>
      %and3A_281 = arith.constant 4095 : i32
      %and3A_282 = vector.broadcast %and3A_281 : i32 to vector<16xi32>
      %and3A_283 = arith.andi %get3A_274, %and3A_282 : vector<16xi32>
      %shift_left3A_284 = arith.constant 2 : i32
      %shift_left3A_285 = vector.broadcast %shift_left3A_284 : i32 to vector<16xi32>
      %shift_left3A_286 = arith.shli %and3A_283, %shift_left3A_285 : vector<16xi32>
      %add3A_287 = arith.addi %shift_left3A_280, %shift_left3A_286 : vector<16xi32>
      %shift_right_logical3A_288 = arith.constant 12 : i32
      %shift_right_logical3A_289 = vector.broadcast %shift_right_logical3A_288 : i32 to vector<16xi32>
      %shift_right_logical3A_290 = arith.shrui %get3A_274, %shift_right_logical3A_289 : vector<16xi32>
      %and3A_291 = arith.constant 3 : i32
      %and3A_292 = vector.broadcast %and3A_291 : i32 to vector<16xi32>
      %and3A_293 = arith.andi %shift_right_logical3A_290, %and3A_292 : vector<16xi32>
      %add3A_294 = arith.addi %add3A_287, %and3A_293 : vector<16xi32>
      %mul3A_295 = arith.constant 16 : i32
      %mul3A_296 = arith.muli %scan3A_202, %mul3A_295 : i32
      %swap3A_297 = arith.constant 2 : i32
      %swap3A_298 = arith.index_cast %swap3A_297 : i32 to index
      %swap3A_299 = arith.index_cast %mul3A_296 : i32 to index
      %swap3A_300 = tpu.vector_load %arg9[%swap3A_298, %swap3A_299] {strides = array<i32>} : memref<4x128xi32, #tpu.memory_space<vmem>>, vector<1x16xi32>,
      %swap3A_301 = vector.shape_cast %swap3A_300 : vector<1x16xi32> to vector<16xi32>
      %swap3A_302 = vector.shape_cast %add3A_294 : vector<16xi32> to vector<1x16xi32>
      tpu.vector_store %arg9[%swap3A_298, %swap3A_299], %swap3A_302 {strides = array<i32>} : memref<4x128xi32, #tpu.memory_space<vmem>>, vector<1x16xi32>,
      %mul3A_303 = arith.constant 16 : i32
      %mul3A_304 = arith.muli %scan3A_202, %mul3A_303 : i32
      %get3A_305 = arith.constant 3 : i32
      %get3A_306 = arith.index_cast %get3A_305 : i32 to index
      %get3A_307 = arith.index_cast %mul3A_304 : i32 to index
      %get3A_308 = tpu.vector_load %arg7[%get3A_306, %get3A_307] {strides = array<i32>} : memref<4x128xi32, #tpu.memory_space<vmem>>, vector<1x16xi32>,
      %get3A_309 = vector.shape_cast %get3A_308 : vector<1x16xi32> to vector<16xi32>
      %shift_right_logical3A_310 = arith.constant 14 : i32
      %shift_right_logical3A_311 = vector.broadcast %shift_right_logical3A_310 : i32 to vector<16xi32>
      %shift_right_logical3A_312 = arith.shrui %get3A_309, %shift_right_logical3A_311 : vector<16xi32>
      %shift_left3A_313 = arith.constant 14 : i32
      %shift_left3A_314 = vector.broadcast %shift_left3A_313 : i32 to vector<16xi32>
      %shift_left3A_315 = arith.shli %shift_right_logical3A_312, %shift_left3A_314 : vector<16xi32>
      %and3A_316 = arith.constant 4095 : i32
      %and3A_317 = vector.broadcast %and3A_316 : i32 to vector<16xi32>
      %and3A_318 = arith.andi %get3A_309, %and3A_317 : vector<16xi32>
      %shift_left3A_319 = arith.constant 2 : i32
      %shift_left3A_320 = vector.broadcast %shift_left3A_319 : i32 to vector<16xi32>
      %shift_left3A_321 = arith.shli %and3A_318, %shift_left3A_320 : vector<16xi32>
      %add3A_322 = arith.addi %shift_left3A_315, %shift_left3A_321 : vector<16xi32>
      %shift_right_logical3A_323 = arith.constant 12 : i32
      %shift_right_logical3A_324 = vector.broadcast %shift_right_logical3A_323 : i32 to vector<16xi32>
      %shift_right_logical3A_325 = arith.shrui %get3A_309, %shift_right_logical3A_324 : vector<16xi32>
      %and3A_326 = arith.constant 3 : i32
      %and3A_327 = vector.broadcast %and3A_326 : i32 to vector<16xi32>
      %and3A_328 = arith.andi %shift_right_logical3A_325, %and3A_327 : vector<16xi32>
      %add3A_329 = arith.addi %add3A_322, %and3A_328 : vector<16xi32>
      %mul3A_330 = arith.constant 16 : i32
      %mul3A_331 = arith.muli %scan3A_202, %mul3A_330 : i32
      %swap3A_332 = arith.constant 3 : i32
      %swap3A_333 = arith.index_cast %swap3A_332 : i32 to index
      %swap3A_334 = arith.index_cast %mul3A_331 : i32 to index
      %swap3A_335 = tpu.vector_load %arg9[%swap3A_333, %swap3A_334] {strides = array<i32>} : memref<4x128xi32, #tpu.memory_space<vmem>>, vector<1x16xi32>,
      %swap3A_336 = vector.shape_cast %swap3A_335 : vector<1x16xi32> to vector<16xi32>
      %swap3A_337 = vector.shape_cast %add3A_329 : vector<16xi32> to vector<1x16xi32>
      tpu.vector_store %arg9[%swap3A_333, %swap3A_334], %swap3A_337 {strides = array<i32>} : memref<4x128xi32, #tpu.memory_space<vmem>>, vector<1x16xi32>,
      %mul3A_338 = arith.constant 16 : i32
      %mul3A_339 = arith.muli %scan3A_202, %mul3A_338 : i32
      %get3A_340 = arith.constant 0 : i32
      %get3A_341 = arith.index_cast %get3A_340 : i32 to index
      %get3A_342 = arith.index_cast %mul3A_339 : i32 to index
      %get3A_343 = tpu.vector_load %arg8[%get3A_341, %get3A_342] {strides = array<i32>} : memref<4x128xi32, #tpu.memory_space<vmem>>, vector<1x16xi32>,
      %get3A_344 = vector.shape_cast %get3A_343 : vector<1x16xi32> to vector<16xi32>
      %shift_right_logical3A_345 = arith.constant 14 : i32
      %shift_right_logical3A_346 = vector.broadcast %shift_right_logical3A_345 : i32 to vector<16xi32>
      %shift_right_logical3A_347 = arith.shrui %get3A_344, %shift_right_logical3A_346 : vector<16xi32>
      %shift_left3A_348 = arith.constant 14 : i32
      %shift_left3A_349 = vector.broadcast %shift_left3A_348 : i32 to vector<16xi32>
      %shift_left3A_350 = arith.shli %shift_right_logical3A_347, %shift_left3A_349 : vector<16xi32>
      %and3A_351 = arith.constant 4095 : i32
      %and3A_352 = vector.broadcast %and3A_351 : i32 to vector<16xi32>
      %and3A_353 = arith.andi %get3A_344, %and3A_352 : vector<16xi32>
      %shift_left3A_354 = arith.constant 2 : i32
      %shift_left3A_355 = vector.broadcast %shift_left3A_354 : i32 to vector<16xi32>
      %shift_left3A_356 = arith.shli %and3A_353, %shift_left3A_355 : vector<16xi32>
      %add3A_357 = arith.addi %shift_left3A_350, %shift_left3A_356 : vector<16xi32>
      %shift_right_logical3A_358 = arith.constant 12 : i32
      %shift_right_logical3A_359 = vector.broadcast %shift_right_logical3A_358 : i32 to vector<16xi32>
      %shift_right_logical3A_360 = arith.shrui %get3A_344, %shift_right_logical3A_359 : vector<16xi32>
      %and3A_361 = arith.constant 3 : i32
      %and3A_362 = vector.broadcast %and3A_361 : i32 to vector<16xi32>
      %and3A_363 = arith.andi %shift_right_logical3A_360, %and3A_362 : vector<16xi32>
      %add3A_364 = arith.addi %add3A_357, %and3A_363 : vector<16xi32>
      %mul3A_365 = arith.constant 16 : i32
      %mul3A_366 = arith.muli %scan3A_202, %mul3A_365 : i32
      %swap3A_367 = arith.constant 0 : i32
      %swap3A_368 = arith.index_cast %swap3A_367 : i32 to index
      %swap3A_369 = arith.index_cast %mul3A_366 : i32 to index
      %swap3A_370 = tpu.vector_load %arg10[%swap3A_368, %swap3A_369] {strides = array<i32>} : memref<4x128xi32, #tpu.memory_space<vmem>>, vector<1x16xi32>,
      %swap3A_371 = vector.shape_cast %swap3A_370 : vector<1x16xi32> to vector<16xi32>
      %swap3A_372 = vector.shape_cast %add3A_364 : vector<16xi32> to vector<1x16xi32>
      tpu.vector_store %arg10[%swap3A_368, %swap3A_369], %swap3A_372 {strides = array<i32>} : memref<4x128xi32, #tpu.memory_space<vmem>>, vector<1x16xi32>,
      %mul3A_373 = arith.constant 16 : i32
      %mul3A_374 = arith.muli %scan3A_202, %mul3A_373 : i32
      %get3A_375 = arith.constant 1 : i32
      %get3A_376 = arith.index_cast %get3A_375 : i32 to index
      %get3A_377 = arith.index_cast %mul3A_374 : i32 to index
      %get3A_378 = tpu.vector_load %arg8[%get3A_376, %get3A_377] {strides = array<i32>} : memref<4x128xi32, #tpu.memory_space<vmem>>, vector<1x16xi32>,
      %get3A_379 = vector.shape_cast %get3A_378 : vector<1x16xi32> to vector<16xi32>
      %shift_right_logical3A_380 = arith.constant 14 : i32
      %shift_right_logical3A_381 = vector.broadcast %shift_right_logical3A_380 : i32 to vector<16xi32>
      %shift_right_logical3A_382 = arith.shrui %get3A_379, %shift_right_logical3A_381 : vector<16xi32>
      %shift_left3A_383 = arith.constant 14 : i32
      %shift_left3A_384 = vector.broadcast %shift_left3A_383 : i32 to vector<16xi32>
      %shift_left3A_385 = arith.shli %shift_right_logical3A_382, %shift_left3A_384 : vector<16xi32>
      %and3A_386 = arith.constant 4095 : i32
      %and3A_387 = vector.broadcast %and3A_386 : i32 to vector<16xi32>
      %and3A_388 = arith.andi %get3A_379, %and3A_387 : vector<16xi32>
      %shift_left3A_389 = arith.constant 2 : i32
      %shift_left3A_390 = vector.broadcast %shift_left3A_389 : i32 to vector<16xi32>
      %shift_left3A_391 = arith.shli %and3A_388, %shift_left3A_390 : vector<16xi32>
      %add3A_392 = arith.addi %shift_left3A_385, %shift_left3A_391 : vector<16xi32>
      %shift_right_logical3A_393 = arith.constant 12 : i32
      %shift_right_logical3A_394 = vector.broadcast %shift_right_logical3A_393 : i32 to vector<16xi32>
      %shift_right_logical3A_395 = arith.shrui %get3A_379, %shift_right_logical3A_394 : vector<16xi32>
      %and3A_396 = arith.constant 3 : i32
      %and3A_397 = vector.broadcast %and3A_396 : i32 to vector<16xi32>
      %and3A_398 = arith.andi %shift_right_logical3A_395, %and3A_397 : vector<16xi32>
      %add3A_399 = arith.addi %add3A_392, %and3A_398 : vector<16xi32>
      %mul3A_400 = arith.constant 16 : i32
      %mul3A_401 = arith.muli %scan3A_202, %mul3A_400 : i32
      %swap3A_402 = arith.constant 1 : i32
      %swap3A_403 = arith.index_cast %swap3A_402 : i32 to index
      %swap3A_404 = arith.index_cast %mul3A_401 : i32 to index
      %swap3A_405 = tpu.vector_load %arg10[%swap3A_403, %swap3A_404] {strides = array<i32>} : memref<4x128xi32, #tpu.memory_space<vmem>>, vector<1x16xi32>,
      %swap3A_406 = vector.shape_cast %swap3A_405 : vector<1x16xi32> to vector<16xi32>
      %swap3A_407 = vector.shape_cast %add3A_399 : vector<16xi32> to vector<1x16xi32>
      tpu.vector_store %arg10[%swap3A_403, %swap3A_404], %swap3A_407 {strides = array<i32>} : memref<4x128xi32, #tpu.memory_space<vmem>>, vector<1x16xi32>,
      %mul3A_408 = arith.constant 16 : i32
      %mul3A_409 = arith.muli %scan3A_202, %mul3A_408 : i32
      %get3A_410 = arith.constant 2 : i32
      %get3A_411 = arith.index_cast %get3A_410 : i32 to index
      %get3A_412 = arith.index_cast %mul3A_409 : i32 to index
      %get3A_413 = tpu.vector_load %arg8[%get3A_411, %get3A_412] {strides = array<i32>} : memref<4x128xi32, #tpu.memory_space<vmem>>, vector<1x16xi32>,
      %get3A_414 = vector.shape_cast %get3A_413 : vector<1x16xi32> to vector<16xi32>
      %shift_right_logical3A_415 = arith.constant 14 : i32
      %shift_right_logical3A_416 = vector.broadcast %shift_right_logical3A_415 : i32 to vector<16xi32>
      %shift_right_logical3A_417 = arith.shrui %get3A_414, %shift_right_logical3A_416 : vector<16xi32>
      %shift_left3A_418 = arith.constant 14 : i32
      %shift_left3A_419 = vector.broadcast %shift_left3A_418 : i32 to vector<16xi32>
      %shift_left3A_420 = arith.shli %shift_right_logical3A_417, %shift_left3A_419 : vector<16xi32>
      %and3A_421 = arith.constant 4095 : i32
      %and3A_422 = vector.broadcast %and3A_421 : i32 to vector<16xi32>
      %and3A_423 = arith.andi %get3A_414, %and3A_422 : vector<16xi32>
      %shift_left3A_424 = arith.constant 2 : i32
      %shift_left3A_425 = vector.broadcast %shift_left3A_424 : i32 to vector<16xi32>
      %shift_left3A_426 = arith.shli %and3A_423, %shift_left3A_425 : vector<16xi32>
      %add3A_427 = arith.addi %shift_left3A_420, %shift_left3A_426 : vector<16xi32>
      %shift_right_logical3A_428 = arith.constant 12 : i32
      %shift_right_logical3A_429 = vector.broadcast %shift_right_logical3A_428 : i32 to vector<16xi32>
      %shift_right_logical3A_430 = arith.shrui %get3A_414, %shift_right_logical3A_429 : vector<16xi32>
      %and3A_431 = arith.constant 3 : i32
      %and3A_432 = vector.broadcast %and3A_431 : i32 to vector<16xi32>
      %and3A_433 = arith.andi %shift_right_logical3A_430, %and3A_432 : vector<16xi32>
      %add3A_434 = arith.addi %add3A_427, %and3A_433 : vector<16xi32>
      %mul3A_435 = arith.constant 16 : i32
      %mul3A_436 = arith.muli %scan3A_202, %mul3A_435 : i32
      %swap3A_437 = arith.constant 2 : i32
      %swap3A_438 = arith.index_cast %swap3A_437 : i32 to index
      %swap3A_439 = arith.index_cast %mul3A_436 : i32 to index
      %swap3A_440 = tpu.vector_load %arg10[%swap3A_438, %swap3A_439] {strides = array<i32>} : memref<4x128xi32, #tpu.memory_space<vmem>>, vector<1x16xi32>,
      %swap3A_441 = vector.shape_cast %swap3A_440 : vector<1x16xi32> to vector<16xi32>
      %swap3A_442 = vector.shape_cast %add3A_434 : vector<16xi32> to vector<1x16xi32>
      tpu.vector_store %arg10[%swap3A_438, %swap3A_439], %swap3A_442 {strides = array<i32>} : memref<4x128xi32, #tpu.memory_space<vmem>>, vector<1x16xi32>,
      %mul3A_443 = arith.constant 16 : i32
      %mul3A_444 = arith.muli %scan3A_202, %mul3A_443 : i32
      %get3A_445 = arith.constant 3 : i32
      %get3A_446 = arith.index_cast %get3A_445 : i32 to index
      %get3A_447 = arith.index_cast %mul3A_444 : i32 to index
      %get3A_448 = tpu.vector_load %arg8[%get3A_446, %get3A_447] {strides = array<i32>} : memref<4x128xi32, #tpu.memory_space<vmem>>, vector<1x16xi32>,
      %get3A_449 = vector.shape_cast %get3A_448 : vector<1x16xi32> to vector<16xi32>
      %shift_right_logical3A_450 = arith.constant 14 : i32
      %shift_right_logical3A_451 = vector.broadcast %shift_right_logical3A_450 : i32 to vector<16xi32>
      %shift_right_logical3A_452 = arith.shrui %get3A_449, %shift_right_logical3A_451 : vector<16xi32>
      %shift_left3A_453 = arith.constant 14 : i32
      %shift_left3A_454 = vector.broadcast %shift_left3A_453 : i32 to vector<16xi32>
      %shift_left3A_455 = arith.shli %shift_right_logical3A_452, %shift_left3A_454 : vector<16xi32>
      %and3A_456 = arith.constant 4095 : i32
      %and3A_457 = vector.broadcast %and3A_456 : i32 to vector<16xi32>
      %and3A_458 = arith.andi %get3A_449, %and3A_457 : vector<16xi32>
      %shift_left3A_459 = arith.constant 2 : i32
      %shift_left3A_460 = vector.broadcast %shift_left3A_459 : i32 to vector<16xi32>
      %shift_left3A_461 = arith.shli %and3A_458, %shift_left3A_460 : vector<16xi32>
      %add3A_462 = arith.addi %shift_left3A_455, %shift_left3A_461 : vector<16xi32>
      %shift_right_logical3A_463 = arith.constant 12 : i32
      %shift_right_logical3A_464 = vector.broadcast %shift_right_logical3A_463 : i32 to vector<16xi32>
      %shift_right_logical3A_465 = arith.shrui %get3A_449, %shift_right_logical3A_464 : vector<16xi32>
      %and3A_466 = arith.constant 3 : i32
      %and3A_467 = vector.broadcast %and3A_466 : i32 to vector<16xi32>
      %and3A_468 = arith.andi %shift_right_logical3A_465, %and3A_467 : vector<16xi32>
      %add3A_469 = arith.addi %add3A_462, %and3A_468 : vector<16xi32>
      %mul3A_470 = arith.constant 16 : i32
      %mul3A_471 = arith.muli %scan3A_202, %mul3A_470 : i32
      %swap3A_472 = arith.constant 3 : i32
      %swap3A_473 = arith.index_cast %swap3A_472 : i32 to index
      %swap3A_474 = arith.index_cast %mul3A_471 : i32 to index
      %swap3A_475 = tpu.vector_load %arg10[%swap3A_473, %swap3A_474] {strides = array<i32>} : memref<4x128xi32, #tpu.memory_space<vmem>>, vector<1x16xi32>,
      %swap3A_476 = vector.shape_cast %swap3A_475 : vector<1x16xi32> to vector<16xi32>
      %swap3A_477 = vector.shape_cast %add3A_469 : vector<16xi32> to vector<1x16xi32>
      tpu.vector_store %arg10[%swap3A_473, %swap3A_474], %swap3A_477 {strides = array<i32>} : memref<4x128xi32, #tpu.memory_space<vmem>>, vector<1x16xi32>,
    }
    %scan3A_5 = arith.constant 8 : i32
    %dma_start3A = arith.constant 0 : i32
    %dma_start3A_6 = arith.constant 0 : i32
    %dma_start3A_7 = arith.constant 0 : i32
    %dma_start3A_8 = arith.constant 0 : i32
    %dma_start3A_9 = tpu.memref_slice %arg11[%dma_start3A_6, %dma_start3A_7, %dma_start3A_8] : memref<4x128x32xf32, #tpu.memory_space<vmem>> -> memref<1x128x32xf32, #tpu.memory_space<vmem>>
    %dma_start3A_10 = tpu.memref_squeeze %dma_start3A_9 : memref<1x128x32xf32, #tpu.memory_space<vmem>> -> memref<128x32xf32, #tpu.memory_space<vmem>>
    %dma_start3A_11 = arith.constant 0 : i32
    %dma_start3A_12 = tpu.memref_slice %arg9[%dma_start3A, %dma_start3A_11] : memref<4x128xi32, #tpu.memory_space<vmem>> -> memref<1x128xi32, #tpu.memory_space<vmem>>
    %dma_start3A_13 = tpu.memref_squeeze %dma_start3A_12 : memref<1x128xi32, #tpu.memory_space<vmem>> -> memref<128xi32, #tpu.memory_space<vmem>>
    %dma_start3A_14 = arith.constant 0 : i32
    %dma_start3A_15 = arith.constant 0 : i32
    %dma_start3A_16 = tpu.memref_slice %arg4[%dma_start3A_14, %dma_start3A_15] : memref<1015808x32xf32, #tpu.memory_space<hbm>> -> memref<1015808x32xf32, #tpu.memory_space<hbm>>
    tpu.enqueue_indirect_dma source(%dma_start3A_16 : memref<1015808x32xf32, #tpu.memory_space<hbm>>) target(%dma_start3A_10 : memref<128x32xf32, #tpu.memory_space<vmem>>) offsets(%dma_start3A_13 : memref<128xi32, #tpu.memory_space<vmem>>) semaphore(%arg13 : memref<!tpu.dma_semaphore, #tpu.memory_space<semaphore_mem>>)
    %dma_start3A_17 = arith.constant 0 : i32
    %dma_start3A_18 = arith.constant 0 : i32
    %dma_start3A_19 = arith.constant 0 : i32
    %dma_start3A_20 = arith.constant 0 : i32
    %dma_start3A_21 = tpu.memref_slice %arg12[%dma_start3A_18, %dma_start3A_19, %dma_start3A_20] : memref<4x128x32xf32, #tpu.memory_space<vmem>> -> memref<1x128x32xf32, #tpu.memory_space<vmem>>
    %dma_start3A_22 = tpu.memref_squeeze %dma_start3A_21 : memref<1x128x32xf32, #tpu.memory_space<vmem>> -> memref<128x32xf32, #tpu.memory_space<vmem>>
    %dma_start3A_23 = arith.constant 0 : i32
    %dma_start3A_24 = tpu.memref_slice %arg10[%dma_start3A_17, %dma_start3A_23] : memref<4x128xi32, #tpu.memory_space<vmem>> -> memref<1x128xi32, #tpu.memory_space<vmem>>
    %dma_start3A_25 = tpu.memref_squeeze %dma_start3A_24 : memref<1x128xi32, #tpu.memory_space<vmem>> -> memref<128xi32, #tpu.memory_space<vmem>>
    %dma_start3A_26 = arith.constant 0 : i32
    %dma_start3A_27 = arith.constant 0 : i32
    %dma_start3A_28 = tpu.memref_slice %arg5[%dma_start3A_26, %dma_start3A_27] : memref<1015808x32xf32, #tpu.memory_space<hbm>> -> memref<1015808x32xf32, #tpu.memory_space<hbm>>
    tpu.enqueue_indirect_dma source(%dma_start3A_28 : memref<1015808x32xf32, #tpu.memory_space<hbm>>) target(%dma_start3A_22 : memref<128x32xf32, #tpu.memory_space<vmem>>) offsets(%dma_start3A_25 : memref<128xi32, #tpu.memory_space<vmem>>) semaphore(%arg13 : memref<!tpu.dma_semaphore, #tpu.memory_space<semaphore_mem>>)
    %dma_start3A_29 = arith.constant 1 : i32
    %dma_start3A_30 = arith.constant 1 : i32
    %dma_start3A_31 = arith.constant 0 : i32
    %dma_start3A_32 = arith.constant 0 : i32
    %dma_start3A_33 = tpu.memref_slice %arg11[%dma_start3A_30, %dma_start3A_31, %dma_start3A_32] : memref<4x128x32xf32, #tpu.memory_space<vmem>> -> memref<1x128x32xf32, #tpu.memory_space<vmem>>
    %dma_start3A_34 = tpu.memref_squeeze %dma_start3A_33 : memref<1x128x32xf32, #tpu.memory_space<vmem>> -> memref<128x32xf32, #tpu.memory_space<vmem>>
    %dma_start3A_35 = arith.constant 0 : i32
    %dma_start3A_36 = tpu.memref_slice %arg9[%dma_start3A_29, %dma_start3A_35] : memref<4x128xi32, #tpu.memory_space<vmem>> -> memref<1x128xi32, #tpu.memory_space<vmem>>
    %dma_start3A_37 = tpu.memref_squeeze %dma_start3A_36 : memref<1x128xi32, #tpu.memory_space<vmem>> -> memref<128xi32, #tpu.memory_space<vmem>>
    %dma_start3A_38 = arith.constant 0 : i32
    %dma_start3A_39 = arith.constant 0 : i32
    %dma_start3A_40 = tpu.memref_slice %arg4[%dma_start3A_38, %dma_start3A_39] : memref<1015808x32xf32, #tpu.memory_space<hbm>> -> memref<1015808x32xf32, #tpu.memory_space<hbm>>
    tpu.enqueue_indirect_dma source(%dma_start3A_40 : memref<1015808x32xf32, #tpu.memory_space<hbm>>) target(%dma_start3A_34 : memref<128x32xf32, #tpu.memory_space<vmem>>) offsets(%dma_start3A_37 : memref<128xi32, #tpu.memory_space<vmem>>) semaphore(%arg13 : memref<!tpu.dma_semaphore, #tpu.memory_space<semaphore_mem>>)
    %dma_start3A_41 = arith.constant 1 : i32
    %dma_start3A_42 = arith.constant 1 : i32
    %dma_start3A_43 = arith.constant 0 : i32
    %dma_start3A_44 = arith.constant 0 : i32
    %dma_start3A_45 = tpu.memref_slice %arg12[%dma_start3A_42, %dma_start3A_43, %dma_start3A_44] : memref<4x128x32xf32, #tpu.memory_space<vmem>> -> memref<1x128x32xf32, #tpu.memory_space<vmem>>
    %dma_start3A_46 = tpu.memref_squeeze %dma_start3A_45 : memref<1x128x32xf32, #tpu.memory_space<vmem>> -> memref<128x32xf32, #tpu.memory_space<vmem>>
    %dma_start3A_47 = arith.constant 0 : i32
    %dma_start3A_48 = tpu.memref_slice %arg10[%dma_start3A_41, %dma_start3A_47] : memref<4x128xi32, #tpu.memory_space<vmem>> -> memref<1x128xi32, #tpu.memory_space<vmem>>
    %dma_start3A_49 = tpu.memref_squeeze %dma_start3A_48 : memref<1x128xi32, #tpu.memory_space<vmem>> -> memref<128xi32, #tpu.memory_space<vmem>>
    %dma_start3A_50 = arith.constant 0 : i32
    %dma_start3A_51 = arith.constant 0 : i32
    %dma_start3A_52 = tpu.memref_slice %arg5[%dma_start3A_50, %dma_start3A_51] : memref<1015808x32xf32, #tpu.memory_space<hbm>> -> memref<1015808x32xf32, #tpu.memory_space<hbm>>
    tpu.enqueue_indirect_dma source(%dma_start3A_52 : memref<1015808x32xf32, #tpu.memory_space<hbm>>) target(%dma_start3A_46 : memref<128x32xf32, #tpu.memory_space<vmem>>) offsets(%dma_start3A_49 : memref<128xi32, #tpu.memory_space<vmem>>) semaphore(%arg13 : memref<!tpu.dma_semaphore, #tpu.memory_space<semaphore_mem>>)
    %dma_start3A_53 = arith.constant 2 : i32
    %dma_start3A_54 = arith.constant 2 : i32
    %dma_start3A_55 = arith.constant 0 : i32
    %dma_start3A_56 = arith.constant 0 : i32
    %dma_start3A_57 = tpu.memref_slice %arg11[%dma_start3A_54, %dma_start3A_55, %dma_start3A_56] : memref<4x128x32xf32, #tpu.memory_space<vmem>> -> memref<1x128x32xf32, #tpu.memory_space<vmem>>
    %dma_start3A_58 = tpu.memref_squeeze %dma_start3A_57 : memref<1x128x32xf32, #tpu.memory_space<vmem>> -> memref<128x32xf32, #tpu.memory_space<vmem>>
    %dma_start3A_59 = arith.constant 0 : i32
    %dma_start3A_60 = tpu.memref_slice %arg9[%dma_start3A_53, %dma_start3A_59] : memref<4x128xi32, #tpu.memory_space<vmem>> -> memref<1x128xi32, #tpu.memory_space<vmem>>
    %dma_start3A_61 = tpu.memref_squeeze %dma_start3A_60 : memref<1x128xi32, #tpu.memory_space<vmem>> -> memref<128xi32, #tpu.memory_space<vmem>>
    %dma_start3A_62 = arith.constant 0 : i32
    %dma_start3A_63 = arith.constant 0 : i32
    %dma_start3A_64 = tpu.memref_slice %arg4[%dma_start3A_62, %dma_start3A_63] : memref<1015808x32xf32, #tpu.memory_space<hbm>> -> memref<1015808x32xf32, #tpu.memory_space<hbm>>
    tpu.enqueue_indirect_dma source(%dma_start3A_64 : memref<1015808x32xf32, #tpu.memory_space<hbm>>) target(%dma_start3A_58 : memref<128x32xf32, #tpu.memory_space<vmem>>) offsets(%dma_start3A_61 : memref<128xi32, #tpu.memory_space<vmem>>) semaphore(%arg13 : memref<!tpu.dma_semaphore, #tpu.memory_space<semaphore_mem>>)
    %dma_start3A_65 = arith.constant 2 : i32
    %dma_start3A_66 = arith.constant 2 : i32
    %dma_start3A_67 = arith.constant 0 : i32
    %dma_start3A_68 = arith.constant 0 : i32
    %dma_start3A_69 = tpu.memref_slice %arg12[%dma_start3A_66, %dma_start3A_67, %dma_start3A_68] : memref<4x128x32xf32, #tpu.memory_space<vmem>> -> memref<1x128x32xf32, #tpu.memory_space<vmem>>
    %dma_start3A_70 = tpu.memref_squeeze %dma_start3A_69 : memref<1x128x32xf32, #tpu.memory_space<vmem>> -> memref<128x32xf32, #tpu.memory_space<vmem>>
    %dma_start3A_71 = arith.constant 0 : i32
    %dma_start3A_72 = tpu.memref_slice %arg10[%dma_start3A_65, %dma_start3A_71] : memref<4x128xi32, #tpu.memory_space<vmem>> -> memref<1x128xi32, #tpu.memory_space<vmem>>
    %dma_start3A_73 = tpu.memref_squeeze %dma_start3A_72 : memref<1x128xi32, #tpu.memory_space<vmem>> -> memref<128xi32, #tpu.memory_space<vmem>>
    %dma_start3A_74 = arith.constant 0 : i32
    %dma_start3A_75 = arith.constant 0 : i32
    %dma_start3A_76 = tpu.memref_slice %arg5[%dma_start3A_74, %dma_start3A_75] : memref<1015808x32xf32, #tpu.memory_space<hbm>> -> memref<1015808x32xf32, #tpu.memory_space<hbm>>
    tpu.enqueue_indirect_dma source(%dma_start3A_76 : memref<1015808x32xf32, #tpu.memory_space<hbm>>) target(%dma_start3A_70 : memref<128x32xf32, #tpu.memory_space<vmem>>) offsets(%dma_start3A_73 : memref<128xi32, #tpu.memory_space<vmem>>) semaphore(%arg13 : memref<!tpu.dma_semaphore, #tpu.memory_space<semaphore_mem>>)
    %dma_start3A_77 = arith.constant 3 : i32
    %dma_start3A_78 = arith.constant 3 : i32
    %dma_start3A_79 = arith.constant 0 : i32
    %dma_start3A_80 = arith.constant 0 : i32
    %dma_start3A_81 = tpu.memref_slice %arg11[%dma_start3A_78, %dma_start3A_79, %dma_start3A_80] : memref<4x128x32xf32, #tpu.memory_space<vmem>> -> memref<1x128x32xf32, #tpu.memory_space<vmem>>
    %dma_start3A_82 = tpu.memref_squeeze %dma_start3A_81 : memref<1x128x32xf32, #tpu.memory_space<vmem>> -> memref<128x32xf32, #tpu.memory_space<vmem>>
    %dma_start3A_83 = arith.constant 0 : i32
    %dma_start3A_84 = tpu.memref_slice %arg9[%dma_start3A_77, %dma_start3A_83] : memref<4x128xi32, #tpu.memory_space<vmem>> -> memref<1x128xi32, #tpu.memory_space<vmem>>
    %dma_start3A_85 = tpu.memref_squeeze %dma_start3A_84 : memref<1x128xi32, #tpu.memory_space<vmem>> -> memref<128xi32, #tpu.memory_space<vmem>>
    %dma_start3A_86 = arith.constant 0 : i32
    %dma_start3A_87 = arith.constant 0 : i32
    %dma_start3A_88 = tpu.memref_slice %arg4[%dma_start3A_86, %dma_start3A_87] : memref<1015808x32xf32, #tpu.memory_space<hbm>> -> memref<1015808x32xf32, #tpu.memory_space<hbm>>
    tpu.enqueue_indirect_dma source(%dma_start3A_88 : memref<1015808x32xf32, #tpu.memory_space<hbm>>) target(%dma_start3A_82 : memref<128x32xf32, #tpu.memory_space<vmem>>) offsets(%dma_start3A_85 : memref<128xi32, #tpu.memory_space<vmem>>) semaphore(%arg13 : memref<!tpu.dma_semaphore, #tpu.memory_space<semaphore_mem>>)
    %dma_start3A_89 = arith.constant 3 : i32
    %dma_start3A_90 = arith.constant 3 : i32
    %dma_start3A_91 = arith.constant 0 : i32
    %dma_start3A_92 = arith.constant 0 : i32
    %dma_start3A_93 = tpu.memref_slice %arg12[%dma_start3A_90, %dma_start3A_91, %dma_start3A_92] : memref<4x128x32xf32, #tpu.memory_space<vmem>> -> memref<1x128x32xf32, #tpu.memory_space<vmem>>
    %dma_start3A_94 = tpu.memref_squeeze %dma_start3A_93 : memref<1x128x32xf32, #tpu.memory_space<vmem>> -> memref<128x32xf32, #tpu.memory_space<vmem>>
    %dma_start3A_95 = arith.constant 0 : i32
    %dma_start3A_96 = tpu.memref_slice %arg10[%dma_start3A_89, %dma_start3A_95] : memref<4x128xi32, #tpu.memory_space<vmem>> -> memref<1x128xi32, #tpu.memory_space<vmem>>
    %dma_start3A_97 = tpu.memref_squeeze %dma_start3A_96 : memref<1x128xi32, #tpu.memory_space<vmem>> -> memref<128xi32, #tpu.memory_space<vmem>>
    %dma_start3A_98 = arith.constant 0 : i32
    %dma_start3A_99 = arith.constant 0 : i32
    %dma_start3A_100 = tpu.memref_slice %arg5[%dma_start3A_98, %dma_start3A_99] : memref<1015808x32xf32, #tpu.memory_space<hbm>> -> memref<1015808x32xf32, #tpu.memory_space<hbm>>
    tpu.enqueue_indirect_dma source(%dma_start3A_100 : memref<1015808x32xf32, #tpu.memory_space<hbm>>) target(%dma_start3A_94 : memref<128x32xf32, #tpu.memory_space<vmem>>) offsets(%dma_start3A_97 : memref<128xi32, #tpu.memory_space<vmem>>) semaphore(%arg13 : memref<!tpu.dma_semaphore, #tpu.memory_space<semaphore_mem>>)
    %dma_wait3A = arith.constant 0 : i32
    %dma_wait3A_101 = arith.constant 0 : i32
    %dma_wait3A_102 = arith.constant 0 : i32
    %dma_wait3A_103 = arith.constant 0 : i32
    %dma_wait3A_104 = tpu.memref_slice %arg11[%dma_wait3A_101, %dma_wait3A_102, %dma_wait3A_103] : memref<4x128x32xf32, #tpu.memory_space<vmem>> -> memref<1x128x32xf32, #tpu.memory_space<vmem>>
    %dma_wait3A_105 = tpu.memref_squeeze %dma_wait3A_104 : memref<1x128x32xf32, #tpu.memory_space<vmem>> -> memref<128x32xf32, #tpu.memory_space<vmem>>
    %dma_wait3A_106 = arith.constant 0 : i32
    %dma_wait3A_107 = tpu.memref_slice %arg9[%dma_wait3A, %dma_wait3A_106] : memref<4x128xi32, #tpu.memory_space<vmem>> -> memref<1x128xi32, #tpu.memory_space<vmem>>
    %dma_wait3A_108 = tpu.memref_squeeze %dma_wait3A_107 : memref<1x128xi32, #tpu.memory_space<vmem>> -> memref<128xi32, #tpu.memory_space<vmem>>
    %dma_wait3A_109 = arith.constant 0 : i32
    %dma_wait3A_110 = arith.constant 0 : i32
    %dma_wait3A_111 = tpu.memref_slice %arg4[%dma_wait3A_109, %dma_wait3A_110] : memref<1015808x32xf32, #tpu.memory_space<hbm>> -> memref<1015808x32xf32, #tpu.memory_space<hbm>>
    tpu.wait_indirect_dma semaphore(%arg13 : memref<!tpu.dma_semaphore, #tpu.memory_space<semaphore_mem>>) src(%dma_wait3A_111 : memref<1015808x32xf32, #tpu.memory_space<hbm>>) dst(%dma_wait3A_105 : memref<128x32xf32, #tpu.memory_space<vmem>>)
    %dma_wait3A_112 = arith.constant 0 : i32
    %dma_wait3A_113 = arith.constant 0 : i32
    %dma_wait3A_114 = arith.constant 0 : i32
    %dma_wait3A_115 = arith.constant 0 : i32
    %dma_wait3A_116 = tpu.memref_slice %arg12[%dma_wait3A_113, %dma_wait3A_114, %dma_wait3A_115] : memref<4x128x32xf32, #tpu.memory_space<vmem>> -> memref<1x128x32xf32, #tpu.memory_space<vmem>>
    %dma_wait3A_117 = tpu.memref_squeeze %dma_wait3A_116 : memref<1x128x32xf32, #tpu.memory_space<vmem>> -> memref<128x32xf32, #tpu.memory_space<vmem>>
    %dma_wait3A_118 = arith.constant 0 : i32
    %dma_wait3A_119 = tpu.memref_slice %arg10[%dma_wait3A_112, %dma_wait3A_118] : memref<4x128xi32, #tpu.memory_space<vmem>> -> memref<1x128xi32, #tpu.memory_space<vmem>>
    %dma_wait3A_120 = tpu.memref_squeeze %dma_wait3A_119 : memref<1x128xi32, #tpu.memory_space<vmem>> -> memref<128xi32, #tpu.memory_space<vmem>>
    %dma_wait3A_121 = arith.constant 0 : i32
    %dma_wait3A_122 = arith.constant 0 : i32
    %dma_wait3A_123 = tpu.memref_slice %arg5[%dma_wait3A_121, %dma_wait3A_122] : memref<1015808x32xf32, #tpu.memory_space<hbm>> -> memref<1015808x32xf32, #tpu.memory_space<hbm>>
    tpu.wait_indirect_dma semaphore(%arg13 : memref<!tpu.dma_semaphore, #tpu.memory_space<semaphore_mem>>) src(%dma_wait3A_123 : memref<1015808x32xf32, #tpu.memory_space<hbm>>) dst(%dma_wait3A_117 : memref<128x32xf32, #tpu.memory_space<vmem>>)
    %dma_wait3A_124 = arith.constant 1 : i32
    %dma_wait3A_125 = arith.constant 1 : i32
    %dma_wait3A_126 = arith.constant 0 : i32
    %dma_wait3A_127 = arith.constant 0 : i32
    %dma_wait3A_128 = tpu.memref_slice %arg11[%dma_wait3A_125, %dma_wait3A_126, %dma_wait3A_127] : memref<4x128x32xf32, #tpu.memory_space<vmem>> -> memref<1x128x32xf32, #tpu.memory_space<vmem>>
    %dma_wait3A_129 = tpu.memref_squeeze %dma_wait3A_128 : memref<1x128x32xf32, #tpu.memory_space<vmem>> -> memref<128x32xf32, #tpu.memory_space<vmem>>
    %dma_wait3A_130 = arith.constant 0 : i32
    %dma_wait3A_131 = tpu.memref_slice %arg9[%dma_wait3A_124, %dma_wait3A_130] : memref<4x128xi32, #tpu.memory_space<vmem>> -> memref<1x128xi32, #tpu.memory_space<vmem>>
    %dma_wait3A_132 = tpu.memref_squeeze %dma_wait3A_131 : memref<1x128xi32, #tpu.memory_space<vmem>> -> memref<128xi32, #tpu.memory_space<vmem>>
    %dma_wait3A_133 = arith.constant 0 : i32
    %dma_wait3A_134 = arith.constant 0 : i32
    %dma_wait3A_135 = tpu.memref_slice %arg4[%dma_wait3A_133, %dma_wait3A_134] : memref<1015808x32xf32, #tpu.memory_space<hbm>> -> memref<1015808x32xf32, #tpu.memory_space<hbm>>
    tpu.wait_indirect_dma semaphore(%arg13 : memref<!tpu.dma_semaphore, #tpu.memory_space<semaphore_mem>>) src(%dma_wait3A_135 : memref<1015808x32xf32, #tpu.memory_space<hbm>>) dst(%dma_wait3A_129 : memref<128x32xf32, #tpu.memory_space<vmem>>)
    %dma_wait3A_136 = arith.constant 1 : i32
    %dma_wait3A_137 = arith.constant 1 : i32
    %dma_wait3A_138 = arith.constant 0 : i32
    %dma_wait3A_139 = arith.constant 0 : i32
    %dma_wait3A_140 = tpu.memref_slice %arg12[%dma_wait3A_137, %dma_wait3A_138, %dma_wait3A_139] : memref<4x128x32xf32, #tpu.memory_space<vmem>> -> memref<1x128x32xf32, #tpu.memory_space<vmem>>
    %dma_wait3A_141 = tpu.memref_squeeze %dma_wait3A_140 : memref<1x128x32xf32, #tpu.memory_space<vmem>> -> memref<128x32xf32, #tpu.memory_space<vmem>>
    %dma_wait3A_142 = arith.constant 0 : i32
    %dma_wait3A_143 = tpu.memref_slice %arg10[%dma_wait3A_136, %dma_wait3A_142] : memref<4x128xi32, #tpu.memory_space<vmem>> -> memref<1x128xi32, #tpu.memory_space<vmem>>
    %dma_wait3A_144 = tpu.memref_squeeze %dma_wait3A_143 : memref<1x128xi32, #tpu.memory_space<vmem>> -> memref<128xi32, #tpu.memory_space<vmem>>
    %dma_wait3A_145 = arith.constant 0 : i32
    %dma_wait3A_146 = arith.constant 0 : i32
    %dma_wait3A_147 = tpu.memref_slice %arg5[%dma_wait3A_145, %dma_wait3A_146] : memref<1015808x32xf32, #tpu.memory_space<hbm>> -> memref<1015808x32xf32, #tpu.memory_space<hbm>>
    tpu.wait_indirect_dma semaphore(%arg13 : memref<!tpu.dma_semaphore, #tpu.memory_space<semaphore_mem>>) src(%dma_wait3A_147 : memref<1015808x32xf32, #tpu.memory_space<hbm>>) dst(%dma_wait3A_141 : memref<128x32xf32, #tpu.memory_space<vmem>>)
    %dma_wait3A_148 = arith.constant 2 : i32
    %dma_wait3A_149 = arith.constant 2 : i32
    %dma_wait3A_150 = arith.constant 0 : i32
    %dma_wait3A_151 = arith.constant 0 : i32
    %dma_wait3A_152 = tpu.memref_slice %arg11[%dma_wait3A_149, %dma_wait3A_150, %dma_wait3A_151] : memref<4x128x32xf32, #tpu.memory_space<vmem>> -> memref<1x128x32xf32, #tpu.memory_space<vmem>>
    %dma_wait3A_153 = tpu.memref_squeeze %dma_wait3A_152 : memref<1x128x32xf32, #tpu.memory_space<vmem>> -> memref<128x32xf32, #tpu.memory_space<vmem>>
    %dma_wait3A_154 = arith.constant 0 : i32
    %dma_wait3A_155 = tpu.memref_slice %arg9[%dma_wait3A_148, %dma_wait3A_154] : memref<4x128xi32, #tpu.memory_space<vmem>> -> memref<1x128xi32, #tpu.memory_space<vmem>>
    %dma_wait3A_156 = tpu.memref_squeeze %dma_wait3A_155 : memref<1x128xi32, #tpu.memory_space<vmem>> -> memref<128xi32, #tpu.memory_space<vmem>>
    %dma_wait3A_157 = arith.constant 0 : i32
    %dma_wait3A_158 = arith.constant 0 : i32
    %dma_wait3A_159 = tpu.memref_slice %arg4[%dma_wait3A_157, %dma_wait3A_158] : memref<1015808x32xf32, #tpu.memory_space<hbm>> -> memref<1015808x32xf32, #tpu.memory_space<hbm>>
    tpu.wait_indirect_dma semaphore(%arg13 : memref<!tpu.dma_semaphore, #tpu.memory_space<semaphore_mem>>) src(%dma_wait3A_159 : memref<1015808x32xf32, #tpu.memory_space<hbm>>) dst(%dma_wait3A_153 : memref<128x32xf32, #tpu.memory_space<vmem>>)
    %dma_wait3A_160 = arith.constant 2 : i32
    %dma_wait3A_161 = arith.constant 2 : i32
    %dma_wait3A_162 = arith.constant 0 : i32
    %dma_wait3A_163 = arith.constant 0 : i32
    %dma_wait3A_164 = tpu.memref_slice %arg12[%dma_wait3A_161, %dma_wait3A_162, %dma_wait3A_163] : memref<4x128x32xf32, #tpu.memory_space<vmem>> -> memref<1x128x32xf32, #tpu.memory_space<vmem>>
    %dma_wait3A_165 = tpu.memref_squeeze %dma_wait3A_164 : memref<1x128x32xf32, #tpu.memory_space<vmem>> -> memref<128x32xf32, #tpu.memory_space<vmem>>
    %dma_wait3A_166 = arith.constant 0 : i32
    %dma_wait3A_167 = tpu.memref_slice %arg10[%dma_wait3A_160, %dma_wait3A_166] : memref<4x128xi32, #tpu.memory_space<vmem>> -> memref<1x128xi32, #tpu.memory_space<vmem>>
    %dma_wait3A_168 = tpu.memref_squeeze %dma_wait3A_167 : memref<1x128xi32, #tpu.memory_space<vmem>> -> memref<128xi32, #tpu.memory_space<vmem>>
    %dma_wait3A_169 = arith.constant 0 : i32
    %dma_wait3A_170 = arith.constant 0 : i32
    %dma_wait3A_171 = tpu.memref_slice %arg5[%dma_wait3A_169, %dma_wait3A_170] : memref<1015808x32xf32, #tpu.memory_space<hbm>> -> memref<1015808x32xf32, #tpu.memory_space<hbm>>
    tpu.wait_indirect_dma semaphore(%arg13 : memref<!tpu.dma_semaphore, #tpu.memory_space<semaphore_mem>>) src(%dma_wait3A_171 : memref<1015808x32xf32, #tpu.memory_space<hbm>>) dst(%dma_wait3A_165 : memref<128x32xf32, #tpu.memory_space<vmem>>)
    %dma_wait3A_172 = arith.constant 3 : i32
    %dma_wait3A_173 = arith.constant 3 : i32
    %dma_wait3A_174 = arith.constant 0 : i32
    %dma_wait3A_175 = arith.constant 0 : i32
    %dma_wait3A_176 = tpu.memref_slice %arg11[%dma_wait3A_173, %dma_wait3A_174, %dma_wait3A_175] : memref<4x128x32xf32, #tpu.memory_space<vmem>> -> memref<1x128x32xf32, #tpu.memory_space<vmem>>
    %dma_wait3A_177 = tpu.memref_squeeze %dma_wait3A_176 : memref<1x128x32xf32, #tpu.memory_space<vmem>> -> memref<128x32xf32, #tpu.memory_space<vmem>>
    %dma_wait3A_178 = arith.constant 0 : i32
    %dma_wait3A_179 = tpu.memref_slice %arg9[%dma_wait3A_172, %dma_wait3A_178] : memref<4x128xi32, #tpu.memory_space<vmem>> -> memref<1x128xi32, #tpu.memory_space<vmem>>
    %dma_wait3A_180 = tpu.memref_squeeze %dma_wait3A_179 : memref<1x128xi32, #tpu.memory_space<vmem>> -> memref<128xi32, #tpu.memory_space<vmem>>
    %dma_wait3A_181 = arith.constant 0 : i32
    %dma_wait3A_182 = arith.constant 0 : i32
    %dma_wait3A_183 = tpu.memref_slice %arg4[%dma_wait3A_181, %dma_wait3A_182] : memref<1015808x32xf32, #tpu.memory_space<hbm>> -> memref<1015808x32xf32, #tpu.memory_space<hbm>>
    tpu.wait_indirect_dma semaphore(%arg13 : memref<!tpu.dma_semaphore, #tpu.memory_space<semaphore_mem>>) src(%dma_wait3A_183 : memref<1015808x32xf32, #tpu.memory_space<hbm>>) dst(%dma_wait3A_177 : memref<128x32xf32, #tpu.memory_space<vmem>>)
    %dma_wait3A_184 = arith.constant 3 : i32
    %dma_wait3A_185 = arith.constant 3 : i32
    %dma_wait3A_186 = arith.constant 0 : i32
    %dma_wait3A_187 = arith.constant 0 : i32
    %dma_wait3A_188 = tpu.memref_slice %arg12[%dma_wait3A_185, %dma_wait3A_186, %dma_wait3A_187] : memref<4x128x32xf32, #tpu.memory_space<vmem>> -> memref<1x128x32xf32, #tpu.memory_space<vmem>>
    %dma_wait3A_189 = tpu.memref_squeeze %dma_wait3A_188 : memref<1x128x32xf32, #tpu.memory_space<vmem>> -> memref<128x32xf32, #tpu.memory_space<vmem>>
    %dma_wait3A_190 = arith.constant 0 : i32
    %dma_wait3A_191 = tpu.memref_slice %arg10[%dma_wait3A_184, %dma_wait3A_190] : memref<4x128xi32, #tpu.memory_space<vmem>> -> memref<1x128xi32, #tpu.memory_space<vmem>>
    %dma_wait3A_192 = tpu.memref_squeeze %dma_wait3A_191 : memref<1x128xi32, #tpu.memory_space<vmem>> -> memref<128xi32, #tpu.memory_space<vmem>>
    %dma_wait3A_193 = arith.constant 0 : i32
    %dma_wait3A_194 = arith.constant 0 : i32
    %dma_wait3A_195 = tpu.memref_slice %arg5[%dma_wait3A_193, %dma_wait3A_194] : memref<1015808x32xf32, #tpu.memory_space<hbm>> -> memref<1015808x32xf32, #tpu.memory_space<hbm>>
    tpu.wait_indirect_dma semaphore(%arg13 : memref<!tpu.dma_semaphore, #tpu.memory_space<semaphore_mem>>) src(%dma_wait3A_195 : memref<1015808x32xf32, #tpu.memory_space<hbm>>) dst(%dma_wait3A_189 : memref<128x32xf32, #tpu.memory_space<vmem>>)
    %scan3A_196 = arith.constant 0 : i32
    %scan3A_197 = arith.constant 0 : i32
    %scan3A_198 = arith.constant 128 : i32
    %scan3A_199 = arith.addi %scan3A_197, %scan3A_198 : i32
    %scan3A_200 = arith.constant 1 : i32
    scf.for %scan3A_202 = %scan3A_197 to %scan3A_199 step %scan3A_200  : i32 {
      %get3A = arith.constant 0 : i32
      %get3A_203 = arith.index_cast %get3A : i32 to index
      %get3A_204 = arith.index_cast %scan3A_202 : i32 to index
      %get3A_205 = arith.constant 0 : index
      %get3A_206 = tpu.vector_load %arg11[%get3A_203, %get3A_204, %get3A_205] {strides = array<i32>} : memref<4x128x32xf32, #tpu.memory_space<vmem>>, vector<1x1x16xf32>,
      %get3A_207 = vector.shape_cast %get3A_206 : vector<1x1x16xf32> to vector<16xf32>
      %get3A_208 = arith.constant 0 : i32
      %get3A_209 = arith.index_cast %get3A_208 : i32 to index
      %get3A_210 = arith.index_cast %scan3A_202 : i32 to index
      %get3A_211 = arith.constant 0 : index
      %get3A_212 = tpu.vector_load %arg12[%get3A_209, %get3A_210, %get3A_211] {strides = array<i32>} : memref<4x128x32xf32, #tpu.memory_space<vmem>>, vector<1x1x16xf32>,
      %get3A_213 = vector.shape_cast %get3A_212 : vector<1x1x16xf32> to vector<16xf32>
      %mul3A_214 = arith.mulf %get3A_207, %get3A_213 : vector<16xf32>
      %swap3A = arith.constant 0 : i32
      %swap3A_215 = arith.index_cast %swap3A : i32 to index
      %swap3A_216 = arith.index_cast %scan3A_202 : i32 to index
      %swap3A_217 = arith.constant 0 : index
      %swap3A_218 = tpu.vector_load %arg11[%swap3A_215, %swap3A_216, %swap3A_217] {strides = array<i32>} : memref<4x128x32xf32, #tpu.memory_space<vmem>>, vector<1x1x16xf32>,
      %swap3A_219 = vector.shape_cast %swap3A_218 : vector<1x1x16xf32> to vector<16xf32>
      %swap3A_220 = vector.shape_cast %mul3A_214 : vector<16xf32> to vector<1x1x16xf32>
      tpu.vector_store %arg11[%swap3A_215, %swap3A_216, %swap3A_217], %swap3A_220 {strides = array<i32>} : memref<4x128x32xf32, #tpu.memory_space<vmem>>, vector<1x1x16xf32>,
      %get3A_221 = arith.constant 0 : i32
      %get3A_222 = arith.index_cast %get3A_221 : i32 to index
      %get3A_223 = arith.index_cast %scan3A_202 : i32 to index
      %get3A_224 = arith.constant 16 : index
      %get3A_225 = tpu.vector_load %arg11[%get3A_222, %get3A_223, %get3A_224] {strides = array<i32>} : memref<4x128x32xf32, #tpu.memory_space<vmem>>, vector<1x1x16xf32>,
      %get3A_226 = vector.shape_cast %get3A_225 : vector<1x1x16xf32> to vector<16xf32>
      %get3A_227 = arith.constant 0 : i32
      %get3A_228 = arith.index_cast %get3A_227 : i32 to index
      %get3A_229 = arith.index_cast %scan3A_202 : i32 to index
      %get3A_230 = arith.constant 16 : index
      %get3A_231 = tpu.vector_load %arg12[%get3A_228, %get3A_229, %get3A_230] {strides = array<i32>} : memref<4x128x32xf32, #tpu.memory_space<vmem>>, vector<1x1x16xf32>,
      %get3A_232 = vector.shape_cast %get3A_231 : vector<1x1x16xf32> to vector<16xf32>
      %mul3A_233 = arith.mulf %get3A_226, %get3A_232 : vector<16xf32>
      %swap3A_234 = arith.constant 0 : i32
      %swap3A_235 = arith.index_cast %swap3A_234 : i32 to index
      %swap3A_236 = arith.index_cast %scan3A_202 : i32 to index
      %swap3A_237 = arith.constant 16 : index
      %swap3A_238 = tpu.vector_load %arg11[%swap3A_235, %swap3A_236, %swap3A_237] {strides = array<i32>} : memref<4x128x32xf32, #tpu.memory_space<vmem>>, vector<1x1x16xf32>,
      %swap3A_239 = vector.shape_cast %swap3A_238 : vector<1x1x16xf32> to vector<16xf32>
      %swap3A_240 = vector.shape_cast %mul3A_233 : vector<16xf32> to vector<1x1x16xf32>
      tpu.vector_store %arg11[%swap3A_235, %swap3A_236, %swap3A_237], %swap3A_240 {strides = array<i32>} : memref<4x128x32xf32, #tpu.memory_space<vmem>>, vector<1x1x16xf32>,
      %get3A_241 = arith.constant 1 : i32
      %get3A_242 = arith.index_cast %get3A_241 : i32 to index
      %get3A_243 = arith.index_cast %scan3A_202 : i32 to index
      %get3A_244 = arith.constant 0 : index
      %get3A_245 = tpu.vector_load %arg11[%get3A_242, %get3A_243, %get3A_244] {strides = array<i32>} : memref<4x128x32xf32, #tpu.memory_space<vmem>>, vector<1x1x16xf32>,
      %get3A_246 = vector.shape_cast %get3A_245 : vector<1x1x16xf32> to vector<16xf32>
      %get3A_247 = arith.constant 1 : i32
      %get3A_248 = arith.index_cast %get3A_247 : i32 to index
      %get3A_249 = arith.index_cast %scan3A_202 : i32 to index
      %get3A_250 = arith.constant 0 : index
      %get3A_251 = tpu.vector_load %arg12[%get3A_248, %get3A_249, %get3A_250] {strides = array<i32>} : memref<4x128x32xf32, #tpu.memory_space<vmem>>, vector<1x1x16xf32>,
      %get3A_252 = vector.shape_cast %get3A_251 : vector<1x1x16xf32> to vector<16xf32>
      %mul3A_253 = arith.mulf %get3A_246, %get3A_252 : vector<16xf32>
      %swap3A_254 = arith.constant 1 : i32
      %swap3A_255 = arith.index_cast %swap3A_254 : i32 to index
      %swap3A_256 = arith.index_cast %scan3A_202 : i32 to index
      %swap3A_257 = arith.constant 0 : index
      %swap3A_258 = tpu.vector_load %arg11[%swap3A_255, %swap3A_256, %swap3A_257] {strides = array<i32>} : memref<4x128x32xf32, #tpu.memory_space<vmem>>, vector<1x1x16xf32>,
      %swap3A_259 = vector.shape_cast %swap3A_258 : vector<1x1x16xf32> to vector<16xf32>
      %swap3A_260 = vector.shape_cast %mul3A_253 : vector<16xf32> to vector<1x1x16xf32>
      tpu.vector_store %arg11[%swap3A_255, %swap3A_256, %swap3A_257], %swap3A_260 {strides = array<i32>} : memref<4x128x32xf32, #tpu.memory_space<vmem>>, vector<1x1x16xf32>,
      %get3A_261 = arith.constant 1 : i32
      %get3A_262 = arith.index_cast %get3A_261 : i32 to index
      %get3A_263 = arith.index_cast %scan3A_202 : i32 to index
      %get3A_264 = arith.constant 16 : index
      %get3A_265 = tpu.vector_load %arg11[%get3A_262, %get3A_263, %get3A_264] {strides = array<i32>} : memref<4x128x32xf32, #tpu.memory_space<vmem>>, vector<1x1x16xf32>,
      %get3A_266 = vector.shape_cast %get3A_265 : vector<1x1x16xf32> to vector<16xf32>
      %get3A_267 = arith.constant 1 : i32
      %get3A_268 = arith.index_cast %get3A_267 : i32 to index
      %get3A_269 = arith.index_cast %scan3A_202 : i32 to index
      %get3A_270 = arith.constant 16 : index
      %get3A_271 = tpu.vector_load %arg12[%get3A_268, %get3A_269, %get3A_270] {strides = array<i32>} : memref<4x128x32xf32, #tpu.memory_space<vmem>>, vector<1x1x16xf32>,
      %get3A_272 = vector.shape_cast %get3A_271 : vector<1x1x16xf32> to vector<16xf32>
      %mul3A_273 = arith.mulf %get3A_266, %get3A_272 : vector<16xf32>
      %swap3A_274 = arith.constant 1 : i32
      %swap3A_275 = arith.index_cast %swap3A_274 : i32 to index
      %swap3A_276 = arith.index_cast %scan3A_202 : i32 to index
      %swap3A_277 = arith.constant 16 : index
      %swap3A_278 = tpu.vector_load %arg11[%swap3A_275, %swap3A_276, %swap3A_277] {strides = array<i32>} : memref<4x128x32xf32, #tpu.memory_space<vmem>>, vector<1x1x16xf32>,
      %swap3A_279 = vector.shape_cast %swap3A_278 : vector<1x1x16xf32> to vector<16xf32>
      %swap3A_280 = vector.shape_cast %mul3A_273 : vector<16xf32> to vector<1x1x16xf32>
      tpu.vector_store %arg11[%swap3A_275, %swap3A_276, %swap3A_277], %swap3A_280 {strides = array<i32>} : memref<4x128x32xf32, #tpu.memory_space<vmem>>, vector<1x1x16xf32>,
      %get3A_281 = arith.constant 2 : i32
      %get3A_282 = arith.index_cast %get3A_281 : i32 to index
      %get3A_283 = arith.index_cast %scan3A_202 : i32 to index
      %get3A_284 = arith.constant 0 : index
      %get3A_285 = tpu.vector_load %arg11[%get3A_282, %get3A_283, %get3A_284] {strides = array<i32>} : memref<4x128x32xf32, #tpu.memory_space<vmem>>, vector<1x1x16xf32>,
      %get3A_286 = vector.shape_cast %get3A_285 : vector<1x1x16xf32> to vector<16xf32>
      %get3A_287 = arith.constant 2 : i32
      %get3A_288 = arith.index_cast %get3A_287 : i32 to index
      %get3A_289 = arith.index_cast %scan3A_202 : i32 to index
      %get3A_290 = arith.constant 0 : index
      %get3A_291 = tpu.vector_load %arg12[%get3A_288, %get3A_289, %get3A_290] {strides = array<i32>} : memref<4x128x32xf32, #tpu.memory_space<vmem>>, vector<1x1x16xf32>,
      %get3A_292 = vector.shape_cast %get3A_291 : vector<1x1x16xf32> to vector<16xf32>
      %mul3A_293 = arith.mulf %get3A_286, %get3A_292 : vector<16xf32>
      %swap3A_294 = arith.constant 2 : i32
      %swap3A_295 = arith.index_cast %swap3A_294 : i32 to index
      %swap3A_296 = arith.index_cast %scan3A_202 : i32 to index
      %swap3A_297 = arith.constant 0 : index
      %swap3A_298 = tpu.vector_load %arg11[%swap3A_295, %swap3A_296, %swap3A_297] {strides = array<i32>} : memref<4x128x32xf32, #tpu.memory_space<vmem>>, vector<1x1x16xf32>,
      %swap3A_299 = vector.shape_cast %swap3A_298 : vector<1x1x16xf32> to vector<16xf32>
      %swap3A_300 = vector.shape_cast %mul3A_293 : vector<16xf32> to vector<1x1x16xf32>
      tpu.vector_store %arg11[%swap3A_295, %swap3A_296, %swap3A_297], %swap3A_300 {strides = array<i32>} : memref<4x128x32xf32, #tpu.memory_space<vmem>>, vector<1x1x16xf32>,
      %get3A_301 = arith.constant 2 : i32
      %get3A_302 = arith.index_cast %get3A_301 : i32 to index
      %get3A_303 = arith.index_cast %scan3A_202 : i32 to index
      %get3A_304 = arith.constant 16 : index
      %get3A_305 = tpu.vector_load %arg11[%get3A_302, %get3A_303, %get3A_304] {strides = array<i32>} : memref<4x128x32xf32, #tpu.memory_space<vmem>>, vector<1x1x16xf32>,
      %get3A_306 = vector.shape_cast %get3A_305 : vector<1x1x16xf32> to vector<16xf32>
      %get3A_307 = arith.constant 2 : i32
      %get3A_308 = arith.index_cast %get3A_307 : i32 to index
      %get3A_309 = arith.index_cast %scan3A_202 : i32 to index
      %get3A_310 = arith.constant 16 : index
      %get3A_311 = tpu.vector_load %arg12[%get3A_308, %get3A_309, %get3A_310] {strides = array<i32>} : memref<4x128x32xf32, #tpu.memory_space<vmem>>, vector<1x1x16xf32>,
      %get3A_312 = vector.shape_cast %get3A_311 : vector<1x1x16xf32> to vector<16xf32>
      %mul3A_313 = arith.mulf %get3A_306, %get3A_312 : vector<16xf32>
      %swap3A_314 = arith.constant 2 : i32
      %swap3A_315 = arith.index_cast %swap3A_314 : i32 to index
      %swap3A_316 = arith.index_cast %scan3A_202 : i32 to index
      %swap3A_317 = arith.constant 16 : index
      %swap3A_318 = tpu.vector_load %arg11[%swap3A_315, %swap3A_316, %swap3A_317] {strides = array<i32>} : memref<4x128x32xf32, #tpu.memory_space<vmem>>, vector<1x1x16xf32>,
      %swap3A_319 = vector.shape_cast %swap3A_318 : vector<1x1x16xf32> to vector<16xf32>
      %swap3A_320 = vector.shape_cast %mul3A_313 : vector<16xf32> to vector<1x1x16xf32>
      tpu.vector_store %arg11[%swap3A_315, %swap3A_316, %swap3A_317], %swap3A_320 {strides = array<i32>} : memref<4x128x32xf32, #tpu.memory_space<vmem>>, vector<1x1x16xf32>,
      %get3A_321 = arith.constant 3 : i32
      %get3A_322 = arith.index_cast %get3A_321 : i32 to index
      %get3A_323 = arith.index_cast %scan3A_202 : i32 to index
      %get3A_324 = arith.constant 0 : index
      %get3A_325 = tpu.vector_load %arg11[%get3A_322, %get3A_323, %get3A_324] {strides = array<i32>} : memref<4x128x32xf32, #tpu.memory_space<vmem>>, vector<1x1x16xf32>,
      %get3A_326 = vector.shape_cast %get3A_325 : vector<1x1x16xf32> to vector<16xf32>
      %get3A_327 = arith.constant 3 : i32
      %get3A_328 = arith.index_cast %get3A_327 : i32 to index
      %get3A_329 = arith.index_cast %scan3A_202 : i32 to index
      %get3A_330 = arith.constant 0 : index
      %get3A_331 = tpu.vector_load %arg12[%get3A_328, %get3A_329, %get3A_330] {strides = array<i32>} : memref<4x128x32xf32, #tpu.memory_space<vmem>>, vector<1x1x16xf32>,
      %get3A_332 = vector.shape_cast %get3A_331 : vector<1x1x16xf32> to vector<16xf32>
      %mul3A_333 = arith.mulf %get3A_326, %get3A_332 : vector<16xf32>
      %swap3A_334 = arith.constant 3 : i32
      %swap3A_335 = arith.index_cast %swap3A_334 : i32 to index
      %swap3A_336 = arith.index_cast %scan3A_202 : i32 to index
      %swap3A_337 = arith.constant 0 : index
      %swap3A_338 = tpu.vector_load %arg11[%swap3A_335, %swap3A_336, %swap3A_337] {strides = array<i32>} : memref<4x128x32xf32, #tpu.memory_space<vmem>>, vector<1x1x16xf32>,
      %swap3A_339 = vector.shape_cast %swap3A_338 : vector<1x1x16xf32> to vector<16xf32>
      %swap3A_340 = vector.shape_cast %mul3A_333 : vector<16xf32> to vector<1x1x16xf32>
      tpu.vector_store %arg11[%swap3A_335, %swap3A_336, %swap3A_337], %swap3A_340 {strides = array<i32>} : memref<4x128x32xf32, #tpu.memory_space<vmem>>, vector<1x1x16xf32>,
      %get3A_341 = arith.constant 3 : i32
      %get3A_342 = arith.index_cast %get3A_341 : i32 to index
      %get3A_343 = arith.index_cast %scan3A_202 : i32 to index
      %get3A_344 = arith.constant 16 : index
      %get3A_345 = tpu.vector_load %arg11[%get3A_342, %get3A_343, %get3A_344] {strides = array<i32>} : memref<4x128x32xf32, #tpu.memory_space<vmem>>, vector<1x1x16xf32>,
      %get3A_346 = vector.shape_cast %get3A_345 : vector<1x1x16xf32> to vector<16xf32>
      %get3A_347 = arith.constant 3 : i32
      %get3A_348 = arith.index_cast %get3A_347 : i32 to index
      %get3A_349 = arith.index_cast %scan3A_202 : i32 to index
      %get3A_350 = arith.constant 16 : index
      %get3A_351 = tpu.vector_load %arg12[%get3A_348, %get3A_349, %get3A_350] {strides = array<i32>} : memref<4x128x32xf32, #tpu.memory_space<vmem>>, vector<1x1x16xf32>,
      %get3A_352 = vector.shape_cast %get3A_351 : vector<1x1x16xf32> to vector<16xf32>
      %mul3A_353 = arith.mulf %get3A_346, %get3A_352 : vector<16xf32>
      %swap3A_354 = arith.constant 3 : i32
      %swap3A_355 = arith.index_cast %swap3A_354 : i32 to index
      %swap3A_356 = arith.index_cast %scan3A_202 : i32 to index
      %swap3A_357 = arith.constant 16 : index
      %swap3A_358 = tpu.vector_load %arg11[%swap3A_355, %swap3A_356, %swap3A_357] {strides = array<i32>} : memref<4x128x32xf32, #tpu.memory_space<vmem>>, vector<1x1x16xf32>,
      %swap3A_359 = vector.shape_cast %swap3A_358 : vector<1x1x16xf32> to vector<16xf32>
      %swap3A_360 = vector.shape_cast %mul3A_353 : vector<16xf32> to vector<1x1x16xf32>
      tpu.vector_store %arg11[%swap3A_355, %swap3A_356, %swap3A_357], %swap3A_360 {strides = array<i32>} : memref<4x128x32xf32, #tpu.memory_space<vmem>>, vector<1x1x16xf32>,
    }
    %scan3A_201 = arith.constant 128 : i32
    "tpu.region"() ({
      %run_scoped3A = tpu.sem_alloc : memref<!tpu.dma_semaphore, #tpu.memory_space<semaphore_mem>>
      %dma_start3A_202 = arith.constant 0 : i32
      %dma_start3A_203 = arith.constant 0 : i32
      %dma_start3A_204 = arith.constant 0 : i32
      %dma_start3A_205 = tpu.memref_slice %arg6[%add3A, %dma_start3A_202, %dma_start3A_203, %dma_start3A_204] : memref<32x4x128x32xf32, #tpu.memory_space<hbm>> -> memref<1x4x128x32xf32, #tpu.memory_space<hbm>>
      %dma_start3A_206 = tpu.memref_squeeze %dma_start3A_205 : memref<1x4x128x32xf32, #tpu.memory_space<hbm>> -> memref<4x128x32xf32, #tpu.memory_space<hbm>>
      %dma_start3A_207 = arith.constant 0 : i32
      %dma_start3A_208 = arith.constant 0 : i32
      %dma_start3A_209 = arith.constant 0 : i32
      %dma_start3A_210 = tpu.memref_slice %arg6[%add3A, %dma_start3A_207, %dma_start3A_208, %dma_start3A_209] : memref<32x4x128x32xf32, #tpu.memory_space<hbm>> -> memref<1x4x128x32xf32, #tpu.memory_space<hbm>>
      %dma_start3A_211 = tpu.memref_squeeze %dma_start3A_210 : memref<1x4x128x32xf32, #tpu.memory_space<hbm>> -> memref<4x128x32xf32, #tpu.memory_space<hbm>>
      tpu.enqueue_dma source(%arg11 : memref<4x128x32xf32, #tpu.memory_space<vmem>>) target(%dma_start3A_211 : memref<4x128x32xf32, #tpu.memory_space<hbm>>) target_semaphore(%run_scoped3A : memref<!tpu.dma_semaphore, #tpu.memory_space<semaphore_mem>>)
      %dma_wait3A_212 = arith.constant 0 : i32
      %dma_wait3A_213 = arith.constant 0 : i32
      %dma_wait3A_214 = arith.constant 0 : i32
      %dma_wait3A_215 = tpu.memref_slice %arg6[%add3A, %dma_wait3A_212, %dma_wait3A_213, %dma_wait3A_214] : memref<32x4x128x32xf32, #tpu.memory_space<hbm>> -> memref<1x4x128x32xf32, #tpu.memory_space<hbm>>
      %dma_wait3A_216 = tpu.memref_squeeze %dma_wait3A_215 : memref<1x4x128x32xf32, #tpu.memory_space<hbm>> -> memref<4x128x32xf32, #tpu.memory_space<hbm>>
      %dma_wait3A_217 = arith.constant 0 : i32
      %dma_wait3A_218 = arith.constant 0 : i32
      %dma_wait3A_219 = arith.constant 0 : i32
      %dma_wait3A_220 = tpu.memref_slice %arg6[%add3A, %dma_wait3A_217, %dma_wait3A_218, %dma_wait3A_219] : memref<32x4x128x32xf32, #tpu.memory_space<hbm>> -> memref<1x4x128x32xf32, #tpu.memory_space<hbm>>
      %dma_wait3A_221 = tpu.memref_squeeze %dma_wait3A_220 : memref<1x4x128x32xf32, #tpu.memory_space<hbm>> -> memref<4x128x32xf32, #tpu.memory_space<hbm>>
      tpu.wait_dma2 semaphore(%run_scoped3A : memref<!tpu.dma_semaphore, #tpu.memory_space<semaphore_mem>>) src(%arg11 : memref<4x128x32xf32, #tpu.memory_space<vmem>>) dst(%dma_wait3A_221 : memref<4x128x32xf32, #tpu.memory_space<hbm>>)
      tpu.yield
    }) : () -> ()
    return
  }
}

#map = affine_map<(d0, d1) -> (0)>
#map1 = affine_map<(d0, d1) -> (0, 0)>
module attributes {stable_mosaic.version = 14 : i64} {
  func.func @_mlp_gather_body(%arg0: i32, %arg1: i32, %arg2: memref<16384xi32, #tpu.memory_space<hbm>>, %arg3: memref<16384xi32, #tpu.memory_space<hbm>>, %arg4: memref<1000000x128xf32, #tpu.memory_space<hbm>>, %arg5: memref<1000000x128xf32, #tpu.memory_space<hbm>>, %arg6: memref<16384x128xf32, #tpu.memory_space<hbm>>, %arg7: memref<16384x128xf32, #tpu.memory_space<hbm>>, %arg8: memref<4x128xi32, #tpu.memory_space<vmem>>, %arg9: memref<4x128xi32, #tpu.memory_space<vmem>>, %arg10: memref<2x128x128xf32, #tpu.memory_space<vmem>>, %arg11: memref<2x128x128xf32, #tpu.memory_space<vmem>>, %arg12: memref<2x!tpu.dma_semaphore, #tpu.memory_space<semaphore_mem>>, %arg13: memref<2x!tpu.dma_semaphore, #tpu.memory_space<semaphore_mem>>) attributes {dimension_semantics = [#tpu.dimension_semantics<core_parallel>, #tpu.dimension_semantics<subcore_parallel>], iteration_bounds = array<i64: 2, 16>, scalar_prefetch = 0 : i64, scratch_operands = 6 : i64, tpu.core_type = #tpu.core_type<sc_vector_subcore>, window_params = [{transform_indices = #map}, {transform_indices = #map}, {transform_indices = #map1}, {transform_indices = #map1}, {transform_indices = #map1}, {transform_indices = #map1}]} {
    %mul3A = arith.constant 2 : i32
    %mul3A_0 = arith.muli %arg1, %mul3A : i32
    %add3A = arith.addi %mul3A_0, %arg0 : i32
    %mul3A_1 = arith.constant 512 : i32
    %mul3A_2 = arith.muli %add3A, %mul3A_1 : i32
    %add3A_3 = arith.constant 0 : i32
    %add3A_4 = arith.addi %mul3A_2, %add3A_3 : i32
    %run_scoped3A = arith.constant 0 : i32
    "tpu.region"() ({
      %run_scoped3A_288 = tpu.sem_alloc : memref<!tpu.dma_semaphore, #tpu.memory_space<semaphore_mem>>
      %dma_start3A_289 = arith.constant 0 : i32
      %dma_start3A_290 = tpu.memref_slice %arg8[%run_scoped3A, %dma_start3A_289] : memref<4x128xi32, #tpu.memory_space<vmem>> -> memref<1x128xi32, #tpu.memory_space<vmem>>
      %dma_start3A_291 = tpu.memref_squeeze %dma_start3A_290 : memref<1x128xi32, #tpu.memory_space<vmem>> -> memref<128xi32, #tpu.memory_space<vmem>>
      %dma_start3A_292 = tpu.memref_slice %arg2[%add3A_4] : memref<16384xi32, #tpu.memory_space<hbm>> -> memref<128xi32, #tpu.memory_space<hbm>>
      %dma_start3A_293 = arith.constant 0 : i32
      %dma_start3A_294 = tpu.memref_slice %arg8[%run_scoped3A, %dma_start3A_293] : memref<4x128xi32, #tpu.memory_space<vmem>> -> memref<1x128xi32, #tpu.memory_space<vmem>>
      %dma_start3A_295 = tpu.memref_squeeze %dma_start3A_294 : memref<1x128xi32, #tpu.memory_space<vmem>> -> memref<128xi32, #tpu.memory_space<vmem>>
      %dma_start3A_296 = tpu.memref_slice %arg2[%add3A_4] : memref<16384xi32, #tpu.memory_space<hbm>> -> memref<128xi32, #tpu.memory_space<hbm>>
      tpu.enqueue_dma source(%dma_start3A_296 : memref<128xi32, #tpu.memory_space<hbm>>) target(%dma_start3A_295 : memref<128xi32, #tpu.memory_space<vmem>>) target_semaphore(%run_scoped3A_288 : memref<!tpu.dma_semaphore, #tpu.memory_space<semaphore_mem>>)
      %dma_wait3A_297 = arith.constant 0 : i32
      %dma_wait3A_298 = tpu.memref_slice %arg8[%run_scoped3A, %dma_wait3A_297] : memref<4x128xi32, #tpu.memory_space<vmem>> -> memref<1x128xi32, #tpu.memory_space<vmem>>
      %dma_wait3A_299 = tpu.memref_squeeze %dma_wait3A_298 : memref<1x128xi32, #tpu.memory_space<vmem>> -> memref<128xi32, #tpu.memory_space<vmem>>
      %dma_wait3A_300 = tpu.memref_slice %arg2[%add3A_4] : memref<16384xi32, #tpu.memory_space<hbm>> -> memref<128xi32, #tpu.memory_space<hbm>>
      %dma_wait3A_301 = arith.constant 0 : i32
      %dma_wait3A_302 = tpu.memref_slice %arg8[%run_scoped3A, %dma_wait3A_301] : memref<4x128xi32, #tpu.memory_space<vmem>> -> memref<1x128xi32, #tpu.memory_space<vmem>>
      %dma_wait3A_303 = tpu.memref_squeeze %dma_wait3A_302 : memref<1x128xi32, #tpu.memory_space<vmem>> -> memref<128xi32, #tpu.memory_space<vmem>>
      %dma_wait3A_304 = tpu.memref_slice %arg2[%add3A_4] : memref<16384xi32, #tpu.memory_space<hbm>> -> memref<128xi32, #tpu.memory_space<hbm>>
      tpu.wait_dma2 semaphore(%run_scoped3A_288 : memref<!tpu.dma_semaphore, #tpu.memory_space<semaphore_mem>>) src(%dma_wait3A_304 : memref<128xi32, #tpu.memory_space<hbm>>) dst(%dma_wait3A_303 : memref<128xi32, #tpu.memory_space<vmem>>)
      tpu.yield
    }) : () -> ()
    %add3A_5 = arith.constant 0 : i32
    %add3A_6 = arith.addi %mul3A_2, %add3A_5 : i32
    %run_scoped3A_7 = arith.constant 0 : i32
    "tpu.region"() ({
      %run_scoped3A_288 = tpu.sem_alloc : memref<!tpu.dma_semaphore, #tpu.memory_space<semaphore_mem>>
      %dma_start3A_289 = arith.constant 0 : i32
      %dma_start3A_290 = tpu.memref_slice %arg9[%run_scoped3A_7, %dma_start3A_289] : memref<4x128xi32, #tpu.memory_space<vmem>> -> memref<1x128xi32, #tpu.memory_space<vmem>>
      %dma_start3A_291 = tpu.memref_squeeze %dma_start3A_290 : memref<1x128xi32, #tpu.memory_space<vmem>> -> memref<128xi32, #tpu.memory_space<vmem>>
      %dma_start3A_292 = tpu.memref_slice %arg3[%add3A_6] : memref<16384xi32, #tpu.memory_space<hbm>> -> memref<128xi32, #tpu.memory_space<hbm>>
      %dma_start3A_293 = arith.constant 0 : i32
      %dma_start3A_294 = tpu.memref_slice %arg9[%run_scoped3A_7, %dma_start3A_293] : memref<4x128xi32, #tpu.memory_space<vmem>> -> memref<1x128xi32, #tpu.memory_space<vmem>>
      %dma_start3A_295 = tpu.memref_squeeze %dma_start3A_294 : memref<1x128xi32, #tpu.memory_space<vmem>> -> memref<128xi32, #tpu.memory_space<vmem>>
      %dma_start3A_296 = tpu.memref_slice %arg3[%add3A_6] : memref<16384xi32, #tpu.memory_space<hbm>> -> memref<128xi32, #tpu.memory_space<hbm>>
      tpu.enqueue_dma source(%dma_start3A_296 : memref<128xi32, #tpu.memory_space<hbm>>) target(%dma_start3A_295 : memref<128xi32, #tpu.memory_space<vmem>>) target_semaphore(%run_scoped3A_288 : memref<!tpu.dma_semaphore, #tpu.memory_space<semaphore_mem>>)
      %dma_wait3A_297 = arith.constant 0 : i32
      %dma_wait3A_298 = tpu.memref_slice %arg9[%run_scoped3A_7, %dma_wait3A_297] : memref<4x128xi32, #tpu.memory_space<vmem>> -> memref<1x128xi32, #tpu.memory_space<vmem>>
      %dma_wait3A_299 = tpu.memref_squeeze %dma_wait3A_298 : memref<1x128xi32, #tpu.memory_space<vmem>> -> memref<128xi32, #tpu.memory_space<vmem>>
      %dma_wait3A_300 = tpu.memref_slice %arg3[%add3A_6] : memref<16384xi32, #tpu.memory_space<hbm>> -> memref<128xi32, #tpu.memory_space<hbm>>
      %dma_wait3A_301 = arith.constant 0 : i32
      %dma_wait3A_302 = tpu.memref_slice %arg9[%run_scoped3A_7, %dma_wait3A_301] : memref<4x128xi32, #tpu.memory_space<vmem>> -> memref<1x128xi32, #tpu.memory_space<vmem>>
      %dma_wait3A_303 = tpu.memref_squeeze %dma_wait3A_302 : memref<1x128xi32, #tpu.memory_space<vmem>> -> memref<128xi32, #tpu.memory_space<vmem>>
      %dma_wait3A_304 = tpu.memref_slice %arg3[%add3A_6] : memref<16384xi32, #tpu.memory_space<hbm>> -> memref<128xi32, #tpu.memory_space<hbm>>
      tpu.wait_dma2 semaphore(%run_scoped3A_288 : memref<!tpu.dma_semaphore, #tpu.memory_space<semaphore_mem>>) src(%dma_wait3A_304 : memref<128xi32, #tpu.memory_space<hbm>>) dst(%dma_wait3A_303 : memref<128xi32, #tpu.memory_space<vmem>>)
      tpu.yield
    }) : () -> ()
    %add3A_8 = arith.constant 128 : i32
    %add3A_9 = arith.addi %mul3A_2, %add3A_8 : i32
    %run_scoped3A_10 = arith.constant 1 : i32
    "tpu.region"() ({
      %run_scoped3A_288 = tpu.sem_alloc : memref<!tpu.dma_semaphore, #tpu.memory_space<semaphore_mem>>
      %dma_start3A_289 = arith.constant 0 : i32
      %dma_start3A_290 = tpu.memref_slice %arg8[%run_scoped3A_10, %dma_start3A_289] : memref<4x128xi32, #tpu.memory_space<vmem>> -> memref<1x128xi32, #tpu.memory_space<vmem>>
      %dma_start3A_291 = tpu.memref_squeeze %dma_start3A_290 : memref<1x128xi32, #tpu.memory_space<vmem>> -> memref<128xi32, #tpu.memory_space<vmem>>
      %dma_start3A_292 = tpu.memref_slice %arg2[%add3A_9] : memref<16384xi32, #tpu.memory_space<hbm>> -> memref<128xi32, #tpu.memory_space<hbm>>
      %dma_start3A_293 = arith.constant 0 : i32
      %dma_start3A_294 = tpu.memref_slice %arg8[%run_scoped3A_10, %dma_start3A_293] : memref<4x128xi32, #tpu.memory_space<vmem>> -> memref<1x128xi32, #tpu.memory_space<vmem>>
      %dma_start3A_295 = tpu.memref_squeeze %dma_start3A_294 : memref<1x128xi32, #tpu.memory_space<vmem>> -> memref<128xi32, #tpu.memory_space<vmem>>
      %dma_start3A_296 = tpu.memref_slice %arg2[%add3A_9] : memref<16384xi32, #tpu.memory_space<hbm>> -> memref<128xi32, #tpu.memory_space<hbm>>
      tpu.enqueue_dma source(%dma_start3A_296 : memref<128xi32, #tpu.memory_space<hbm>>) target(%dma_start3A_295 : memref<128xi32, #tpu.memory_space<vmem>>) target_semaphore(%run_scoped3A_288 : memref<!tpu.dma_semaphore, #tpu.memory_space<semaphore_mem>>)
      %dma_wait3A_297 = arith.constant 0 : i32
      %dma_wait3A_298 = tpu.memref_slice %arg8[%run_scoped3A_10, %dma_wait3A_297] : memref<4x128xi32, #tpu.memory_space<vmem>> -> memref<1x128xi32, #tpu.memory_space<vmem>>
      %dma_wait3A_299 = tpu.memref_squeeze %dma_wait3A_298 : memref<1x128xi32, #tpu.memory_space<vmem>> -> memref<128xi32, #tpu.memory_space<vmem>>
      %dma_wait3A_300 = tpu.memref_slice %arg2[%add3A_9] : memref<16384xi32, #tpu.memory_space<hbm>> -> memref<128xi32, #tpu.memory_space<hbm>>
      %dma_wait3A_301 = arith.constant 0 : i32
      %dma_wait3A_302 = tpu.memref_slice %arg8[%run_scoped3A_10, %dma_wait3A_301] : memref<4x128xi32, #tpu.memory_space<vmem>> -> memref<1x128xi32, #tpu.memory_space<vmem>>
      %dma_wait3A_303 = tpu.memref_squeeze %dma_wait3A_302 : memref<1x128xi32, #tpu.memory_space<vmem>> -> memref<128xi32, #tpu.memory_space<vmem>>
      %dma_wait3A_304 = tpu.memref_slice %arg2[%add3A_9] : memref<16384xi32, #tpu.memory_space<hbm>> -> memref<128xi32, #tpu.memory_space<hbm>>
      tpu.wait_dma2 semaphore(%run_scoped3A_288 : memref<!tpu.dma_semaphore, #tpu.memory_space<semaphore_mem>>) src(%dma_wait3A_304 : memref<128xi32, #tpu.memory_space<hbm>>) dst(%dma_wait3A_303 : memref<128xi32, #tpu.memory_space<vmem>>)
      tpu.yield
    }) : () -> ()
    %add3A_11 = arith.constant 128 : i32
    %add3A_12 = arith.addi %mul3A_2, %add3A_11 : i32
    %run_scoped3A_13 = arith.constant 1 : i32
    "tpu.region"() ({
      %run_scoped3A_288 = tpu.sem_alloc : memref<!tpu.dma_semaphore, #tpu.memory_space<semaphore_mem>>
      %dma_start3A_289 = arith.constant 0 : i32
      %dma_start3A_290 = tpu.memref_slice %arg9[%run_scoped3A_13, %dma_start3A_289] : memref<4x128xi32, #tpu.memory_space<vmem>> -> memref<1x128xi32, #tpu.memory_space<vmem>>
      %dma_start3A_291 = tpu.memref_squeeze %dma_start3A_290 : memref<1x128xi32, #tpu.memory_space<vmem>> -> memref<128xi32, #tpu.memory_space<vmem>>
      %dma_start3A_292 = tpu.memref_slice %arg3[%add3A_12] : memref<16384xi32, #tpu.memory_space<hbm>> -> memref<128xi32, #tpu.memory_space<hbm>>
      %dma_start3A_293 = arith.constant 0 : i32
      %dma_start3A_294 = tpu.memref_slice %arg9[%run_scoped3A_13, %dma_start3A_293] : memref<4x128xi32, #tpu.memory_space<vmem>> -> memref<1x128xi32, #tpu.memory_space<vmem>>
      %dma_start3A_295 = tpu.memref_squeeze %dma_start3A_294 : memref<1x128xi32, #tpu.memory_space<vmem>> -> memref<128xi32, #tpu.memory_space<vmem>>
      %dma_start3A_296 = tpu.memref_slice %arg3[%add3A_12] : memref<16384xi32, #tpu.memory_space<hbm>> -> memref<128xi32, #tpu.memory_space<hbm>>
      tpu.enqueue_dma source(%dma_start3A_296 : memref<128xi32, #tpu.memory_space<hbm>>) target(%dma_start3A_295 : memref<128xi32, #tpu.memory_space<vmem>>) target_semaphore(%run_scoped3A_288 : memref<!tpu.dma_semaphore, #tpu.memory_space<semaphore_mem>>)
      %dma_wait3A_297 = arith.constant 0 : i32
      %dma_wait3A_298 = tpu.memref_slice %arg9[%run_scoped3A_13, %dma_wait3A_297] : memref<4x128xi32, #tpu.memory_space<vmem>> -> memref<1x128xi32, #tpu.memory_space<vmem>>
      %dma_wait3A_299 = tpu.memref_squeeze %dma_wait3A_298 : memref<1x128xi32, #tpu.memory_space<vmem>> -> memref<128xi32, #tpu.memory_space<vmem>>
      %dma_wait3A_300 = tpu.memref_slice %arg3[%add3A_12] : memref<16384xi32, #tpu.memory_space<hbm>> -> memref<128xi32, #tpu.memory_space<hbm>>
      %dma_wait3A_301 = arith.constant 0 : i32
      %dma_wait3A_302 = tpu.memref_slice %arg9[%run_scoped3A_13, %dma_wait3A_301] : memref<4x128xi32, #tpu.memory_space<vmem>> -> memref<1x128xi32, #tpu.memory_space<vmem>>
      %dma_wait3A_303 = tpu.memref_squeeze %dma_wait3A_302 : memref<1x128xi32, #tpu.memory_space<vmem>> -> memref<128xi32, #tpu.memory_space<vmem>>
      %dma_wait3A_304 = tpu.memref_slice %arg3[%add3A_12] : memref<16384xi32, #tpu.memory_space<hbm>> -> memref<128xi32, #tpu.memory_space<hbm>>
      tpu.wait_dma2 semaphore(%run_scoped3A_288 : memref<!tpu.dma_semaphore, #tpu.memory_space<semaphore_mem>>) src(%dma_wait3A_304 : memref<128xi32, #tpu.memory_space<hbm>>) dst(%dma_wait3A_303 : memref<128xi32, #tpu.memory_space<vmem>>)
      tpu.yield
    }) : () -> ()
    %add3A_14 = arith.constant 256 : i32
    %add3A_15 = arith.addi %mul3A_2, %add3A_14 : i32
    %run_scoped3A_16 = arith.constant 2 : i32
    "tpu.region"() ({
      %run_scoped3A_288 = tpu.sem_alloc : memref<!tpu.dma_semaphore, #tpu.memory_space<semaphore_mem>>
      %dma_start3A_289 = arith.constant 0 : i32
      %dma_start3A_290 = tpu.memref_slice %arg8[%run_scoped3A_16, %dma_start3A_289] : memref<4x128xi32, #tpu.memory_space<vmem>> -> memref<1x128xi32, #tpu.memory_space<vmem>>
      %dma_start3A_291 = tpu.memref_squeeze %dma_start3A_290 : memref<1x128xi32, #tpu.memory_space<vmem>> -> memref<128xi32, #tpu.memory_space<vmem>>
      %dma_start3A_292 = tpu.memref_slice %arg2[%add3A_15] : memref<16384xi32, #tpu.memory_space<hbm>> -> memref<128xi32, #tpu.memory_space<hbm>>
      %dma_start3A_293 = arith.constant 0 : i32
      %dma_start3A_294 = tpu.memref_slice %arg8[%run_scoped3A_16, %dma_start3A_293] : memref<4x128xi32, #tpu.memory_space<vmem>> -> memref<1x128xi32, #tpu.memory_space<vmem>>
      %dma_start3A_295 = tpu.memref_squeeze %dma_start3A_294 : memref<1x128xi32, #tpu.memory_space<vmem>> -> memref<128xi32, #tpu.memory_space<vmem>>
      %dma_start3A_296 = tpu.memref_slice %arg2[%add3A_15] : memref<16384xi32, #tpu.memory_space<hbm>> -> memref<128xi32, #tpu.memory_space<hbm>>
      tpu.enqueue_dma source(%dma_start3A_296 : memref<128xi32, #tpu.memory_space<hbm>>) target(%dma_start3A_295 : memref<128xi32, #tpu.memory_space<vmem>>) target_semaphore(%run_scoped3A_288 : memref<!tpu.dma_semaphore, #tpu.memory_space<semaphore_mem>>)
      %dma_wait3A_297 = arith.constant 0 : i32
      %dma_wait3A_298 = tpu.memref_slice %arg8[%run_scoped3A_16, %dma_wait3A_297] : memref<4x128xi32, #tpu.memory_space<vmem>> -> memref<1x128xi32, #tpu.memory_space<vmem>>
      %dma_wait3A_299 = tpu.memref_squeeze %dma_wait3A_298 : memref<1x128xi32, #tpu.memory_space<vmem>> -> memref<128xi32, #tpu.memory_space<vmem>>
      %dma_wait3A_300 = tpu.memref_slice %arg2[%add3A_15] : memref<16384xi32, #tpu.memory_space<hbm>> -> memref<128xi32, #tpu.memory_space<hbm>>
      %dma_wait3A_301 = arith.constant 0 : i32
      %dma_wait3A_302 = tpu.memref_slice %arg8[%run_scoped3A_16, %dma_wait3A_301] : memref<4x128xi32, #tpu.memory_space<vmem>> -> memref<1x128xi32, #tpu.memory_space<vmem>>
      %dma_wait3A_303 = tpu.memref_squeeze %dma_wait3A_302 : memref<1x128xi32, #tpu.memory_space<vmem>> -> memref<128xi32, #tpu.memory_space<vmem>>
      %dma_wait3A_304 = tpu.memref_slice %arg2[%add3A_15] : memref<16384xi32, #tpu.memory_space<hbm>> -> memref<128xi32, #tpu.memory_space<hbm>>
      tpu.wait_dma2 semaphore(%run_scoped3A_288 : memref<!tpu.dma_semaphore, #tpu.memory_space<semaphore_mem>>) src(%dma_wait3A_304 : memref<128xi32, #tpu.memory_space<hbm>>) dst(%dma_wait3A_303 : memref<128xi32, #tpu.memory_space<vmem>>)
      tpu.yield
    }) : () -> ()
    %add3A_17 = arith.constant 256 : i32
    %add3A_18 = arith.addi %mul3A_2, %add3A_17 : i32
    %run_scoped3A_19 = arith.constant 2 : i32
    "tpu.region"() ({
      %run_scoped3A_288 = tpu.sem_alloc : memref<!tpu.dma_semaphore, #tpu.memory_space<semaphore_mem>>
      %dma_start3A_289 = arith.constant 0 : i32
      %dma_start3A_290 = tpu.memref_slice %arg9[%run_scoped3A_19, %dma_start3A_289] : memref<4x128xi32, #tpu.memory_space<vmem>> -> memref<1x128xi32, #tpu.memory_space<vmem>>
      %dma_start3A_291 = tpu.memref_squeeze %dma_start3A_290 : memref<1x128xi32, #tpu.memory_space<vmem>> -> memref<128xi32, #tpu.memory_space<vmem>>
      %dma_start3A_292 = tpu.memref_slice %arg3[%add3A_18] : memref<16384xi32, #tpu.memory_space<hbm>> -> memref<128xi32, #tpu.memory_space<hbm>>
      %dma_start3A_293 = arith.constant 0 : i32
      %dma_start3A_294 = tpu.memref_slice %arg9[%run_scoped3A_19, %dma_start3A_293] : memref<4x128xi32, #tpu.memory_space<vmem>> -> memref<1x128xi32, #tpu.memory_space<vmem>>
      %dma_start3A_295 = tpu.memref_squeeze %dma_start3A_294 : memref<1x128xi32, #tpu.memory_space<vmem>> -> memref<128xi32, #tpu.memory_space<vmem>>
      %dma_start3A_296 = tpu.memref_slice %arg3[%add3A_18] : memref<16384xi32, #tpu.memory_space<hbm>> -> memref<128xi32, #tpu.memory_space<hbm>>
      tpu.enqueue_dma source(%dma_start3A_296 : memref<128xi32, #tpu.memory_space<hbm>>) target(%dma_start3A_295 : memref<128xi32, #tpu.memory_space<vmem>>) target_semaphore(%run_scoped3A_288 : memref<!tpu.dma_semaphore, #tpu.memory_space<semaphore_mem>>)
      %dma_wait3A_297 = arith.constant 0 : i32
      %dma_wait3A_298 = tpu.memref_slice %arg9[%run_scoped3A_19, %dma_wait3A_297] : memref<4x128xi32, #tpu.memory_space<vmem>> -> memref<1x128xi32, #tpu.memory_space<vmem>>
      %dma_wait3A_299 = tpu.memref_squeeze %dma_wait3A_298 : memref<1x128xi32, #tpu.memory_space<vmem>> -> memref<128xi32, #tpu.memory_space<vmem>>
      %dma_wait3A_300 = tpu.memref_slice %arg3[%add3A_18] : memref<16384xi32, #tpu.memory_space<hbm>> -> memref<128xi32, #tpu.memory_space<hbm>>
      %dma_wait3A_301 = arith.constant 0 : i32
      %dma_wait3A_302 = tpu.memref_slice %arg9[%run_scoped3A_19, %dma_wait3A_301] : memref<4x128xi32, #tpu.memory_space<vmem>> -> memref<1x128xi32, #tpu.memory_space<vmem>>
      %dma_wait3A_303 = tpu.memref_squeeze %dma_wait3A_302 : memref<1x128xi32, #tpu.memory_space<vmem>> -> memref<128xi32, #tpu.memory_space<vmem>>
      %dma_wait3A_304 = tpu.memref_slice %arg3[%add3A_18] : memref<16384xi32, #tpu.memory_space<hbm>> -> memref<128xi32, #tpu.memory_space<hbm>>
      tpu.wait_dma2 semaphore(%run_scoped3A_288 : memref<!tpu.dma_semaphore, #tpu.memory_space<semaphore_mem>>) src(%dma_wait3A_304 : memref<128xi32, #tpu.memory_space<hbm>>) dst(%dma_wait3A_303 : memref<128xi32, #tpu.memory_space<vmem>>)
      tpu.yield
    }) : () -> ()
    %add3A_20 = arith.constant 384 : i32
    %add3A_21 = arith.addi %mul3A_2, %add3A_20 : i32
    %run_scoped3A_22 = arith.constant 3 : i32
    "tpu.region"() ({
      %run_scoped3A_288 = tpu.sem_alloc : memref<!tpu.dma_semaphore, #tpu.memory_space<semaphore_mem>>
      %dma_start3A_289 = arith.constant 0 : i32
      %dma_start3A_290 = tpu.memref_slice %arg8[%run_scoped3A_22, %dma_start3A_289] : memref<4x128xi32, #tpu.memory_space<vmem>> -> memref<1x128xi32, #tpu.memory_space<vmem>>
      %dma_start3A_291 = tpu.memref_squeeze %dma_start3A_290 : memref<1x128xi32, #tpu.memory_space<vmem>> -> memref<128xi32, #tpu.memory_space<vmem>>
      %dma_start3A_292 = tpu.memref_slice %arg2[%add3A_21] : memref<16384xi32, #tpu.memory_space<hbm>> -> memref<128xi32, #tpu.memory_space<hbm>>
      %dma_start3A_293 = arith.constant 0 : i32
      %dma_start3A_294 = tpu.memref_slice %arg8[%run_scoped3A_22, %dma_start3A_293] : memref<4x128xi32, #tpu.memory_space<vmem>> -> memref<1x128xi32, #tpu.memory_space<vmem>>
      %dma_start3A_295 = tpu.memref_squeeze %dma_start3A_294 : memref<1x128xi32, #tpu.memory_space<vmem>> -> memref<128xi32, #tpu.memory_space<vmem>>
      %dma_start3A_296 = tpu.memref_slice %arg2[%add3A_21] : memref<16384xi32, #tpu.memory_space<hbm>> -> memref<128xi32, #tpu.memory_space<hbm>>
      tpu.enqueue_dma source(%dma_start3A_296 : memref<128xi32, #tpu.memory_space<hbm>>) target(%dma_start3A_295 : memref<128xi32, #tpu.memory_space<vmem>>) target_semaphore(%run_scoped3A_288 : memref<!tpu.dma_semaphore, #tpu.memory_space<semaphore_mem>>)
      %dma_wait3A_297 = arith.constant 0 : i32
      %dma_wait3A_298 = tpu.memref_slice %arg8[%run_scoped3A_22, %dma_wait3A_297] : memref<4x128xi32, #tpu.memory_space<vmem>> -> memref<1x128xi32, #tpu.memory_space<vmem>>
      %dma_wait3A_299 = tpu.memref_squeeze %dma_wait3A_298 : memref<1x128xi32, #tpu.memory_space<vmem>> -> memref<128xi32, #tpu.memory_space<vmem>>
      %dma_wait3A_300 = tpu.memref_slice %arg2[%add3A_21] : memref<16384xi32, #tpu.memory_space<hbm>> -> memref<128xi32, #tpu.memory_space<hbm>>
      %dma_wait3A_301 = arith.constant 0 : i32
      %dma_wait3A_302 = tpu.memref_slice %arg8[%run_scoped3A_22, %dma_wait3A_301] : memref<4x128xi32, #tpu.memory_space<vmem>> -> memref<1x128xi32, #tpu.memory_space<vmem>>
      %dma_wait3A_303 = tpu.memref_squeeze %dma_wait3A_302 : memref<1x128xi32, #tpu.memory_space<vmem>> -> memref<128xi32, #tpu.memory_space<vmem>>
      %dma_wait3A_304 = tpu.memref_slice %arg2[%add3A_21] : memref<16384xi32, #tpu.memory_space<hbm>> -> memref<128xi32, #tpu.memory_space<hbm>>
      tpu.wait_dma2 semaphore(%run_scoped3A_288 : memref<!tpu.dma_semaphore, #tpu.memory_space<semaphore_mem>>) src(%dma_wait3A_304 : memref<128xi32, #tpu.memory_space<hbm>>) dst(%dma_wait3A_303 : memref<128xi32, #tpu.memory_space<vmem>>)
      tpu.yield
    }) : () -> ()
    %add3A_23 = arith.constant 384 : i32
    %add3A_24 = arith.addi %mul3A_2, %add3A_23 : i32
    %run_scoped3A_25 = arith.constant 3 : i32
    "tpu.region"() ({
      %run_scoped3A_288 = tpu.sem_alloc : memref<!tpu.dma_semaphore, #tpu.memory_space<semaphore_mem>>
      %dma_start3A_289 = arith.constant 0 : i32
      %dma_start3A_290 = tpu.memref_slice %arg9[%run_scoped3A_25, %dma_start3A_289] : memref<4x128xi32, #tpu.memory_space<vmem>> -> memref<1x128xi32, #tpu.memory_space<vmem>>
      %dma_start3A_291 = tpu.memref_squeeze %dma_start3A_290 : memref<1x128xi32, #tpu.memory_space<vmem>> -> memref<128xi32, #tpu.memory_space<vmem>>
      %dma_start3A_292 = tpu.memref_slice %arg3[%add3A_24] : memref<16384xi32, #tpu.memory_space<hbm>> -> memref<128xi32, #tpu.memory_space<hbm>>
      %dma_start3A_293 = arith.constant 0 : i32
      %dma_start3A_294 = tpu.memref_slice %arg9[%run_scoped3A_25, %dma_start3A_293] : memref<4x128xi32, #tpu.memory_space<vmem>> -> memref<1x128xi32, #tpu.memory_space<vmem>>
      %dma_start3A_295 = tpu.memref_squeeze %dma_start3A_294 : memref<1x128xi32, #tpu.memory_space<vmem>> -> memref<128xi32, #tpu.memory_space<vmem>>
      %dma_start3A_296 = tpu.memref_slice %arg3[%add3A_24] : memref<16384xi32, #tpu.memory_space<hbm>> -> memref<128xi32, #tpu.memory_space<hbm>>
      tpu.enqueue_dma source(%dma_start3A_296 : memref<128xi32, #tpu.memory_space<hbm>>) target(%dma_start3A_295 : memref<128xi32, #tpu.memory_space<vmem>>) target_semaphore(%run_scoped3A_288 : memref<!tpu.dma_semaphore, #tpu.memory_space<semaphore_mem>>)
      %dma_wait3A_297 = arith.constant 0 : i32
      %dma_wait3A_298 = tpu.memref_slice %arg9[%run_scoped3A_25, %dma_wait3A_297] : memref<4x128xi32, #tpu.memory_space<vmem>> -> memref<1x128xi32, #tpu.memory_space<vmem>>
      %dma_wait3A_299 = tpu.memref_squeeze %dma_wait3A_298 : memref<1x128xi32, #tpu.memory_space<vmem>> -> memref<128xi32, #tpu.memory_space<vmem>>
      %dma_wait3A_300 = tpu.memref_slice %arg3[%add3A_24] : memref<16384xi32, #tpu.memory_space<hbm>> -> memref<128xi32, #tpu.memory_space<hbm>>
      %dma_wait3A_301 = arith.constant 0 : i32
      %dma_wait3A_302 = tpu.memref_slice %arg9[%run_scoped3A_25, %dma_wait3A_301] : memref<4x128xi32, #tpu.memory_space<vmem>> -> memref<1x128xi32, #tpu.memory_space<vmem>>
      %dma_wait3A_303 = tpu.memref_squeeze %dma_wait3A_302 : memref<1x128xi32, #tpu.memory_space<vmem>> -> memref<128xi32, #tpu.memory_space<vmem>>
      %dma_wait3A_304 = tpu.memref_slice %arg3[%add3A_24] : memref<16384xi32, #tpu.memory_space<hbm>> -> memref<128xi32, #tpu.memory_space<hbm>>
      tpu.wait_dma2 semaphore(%run_scoped3A_288 : memref<!tpu.dma_semaphore, #tpu.memory_space<semaphore_mem>>) src(%dma_wait3A_304 : memref<128xi32, #tpu.memory_space<hbm>>) dst(%dma_wait3A_303 : memref<128xi32, #tpu.memory_space<vmem>>)
      tpu.yield
    }) : () -> ()
    %dma_start3A = arith.constant 0 : i32
    %dma_start3A_26 = arith.constant 0 : i32
    %dma_start3A_27 = arith.constant 0 : i32
    %dma_start3A_28 = arith.constant 0 : i32
    %dma_start3A_29 = arith.constant 0 : i32
    %dma_start3A_30 = tpu.memref_slice %arg10[%dma_start3A_26, %dma_start3A_28, %dma_start3A_29] : memref<2x128x128xf32, #tpu.memory_space<vmem>> -> memref<1x128x128xf32, #tpu.memory_space<vmem>>
    %dma_start3A_31 = tpu.memref_squeeze %dma_start3A_30 : memref<1x128x128xf32, #tpu.memory_space<vmem>> -> memref<128x128xf32, #tpu.memory_space<vmem>>
    %dma_start3A_32 = arith.constant 0 : i32
    %dma_start3A_33 = tpu.memref_slice %arg8[%dma_start3A, %dma_start3A_32] : memref<4x128xi32, #tpu.memory_space<vmem>> -> memref<1x128xi32, #tpu.memory_space<vmem>>
    %dma_start3A_34 = tpu.memref_squeeze %dma_start3A_33 : memref<1x128xi32, #tpu.memory_space<vmem>> -> memref<128xi32, #tpu.memory_space<vmem>>
    %dma_start3A_35 = arith.constant 0 : i32
    %dma_start3A_36 = arith.constant 0 : i32
    %dma_start3A_37 = tpu.memref_slice %arg4[%dma_start3A_35, %dma_start3A_36] : memref<1000000x128xf32, #tpu.memory_space<hbm>> -> memref<1000000x128xf32, #tpu.memory_space<hbm>>
    %dma_start3A_38 = tpu.memref_slice %arg12[%dma_start3A_27] : memref<2x!tpu.dma_semaphore, #tpu.memory_space<semaphore_mem>> -> memref<1x!tpu.dma_semaphore, #tpu.memory_space<semaphore_mem>>
    %dma_start3A_39 = tpu.memref_squeeze %dma_start3A_38 : memref<1x!tpu.dma_semaphore, #tpu.memory_space<semaphore_mem>> -> memref<!tpu.dma_semaphore, #tpu.memory_space<semaphore_mem>>
    tpu.enqueue_indirect_dma source(%dma_start3A_37 : memref<1000000x128xf32, #tpu.memory_space<hbm>>) target(%dma_start3A_31 : memref<128x128xf32, #tpu.memory_space<vmem>>) offsets(%dma_start3A_34 : memref<128xi32, #tpu.memory_space<vmem>>) semaphore(%dma_start3A_39 : memref<!tpu.dma_semaphore, #tpu.memory_space<semaphore_mem>>)
    %dma_start3A_40 = arith.constant 0 : i32
    %dma_start3A_41 = arith.constant 0 : i32
    %dma_start3A_42 = arith.constant 0 : i32
    %dma_start3A_43 = arith.constant 0 : i32
    %dma_start3A_44 = arith.constant 0 : i32
    %dma_start3A_45 = tpu.memref_slice %arg11[%dma_start3A_41, %dma_start3A_43, %dma_start3A_44] : memref<2x128x128xf32, #tpu.memory_space<vmem>> -> memref<1x128x128xf32, #tpu.memory_space<vmem>>
    %dma_start3A_46 = tpu.memref_squeeze %dma_start3A_45 : memref<1x128x128xf32, #tpu.memory_space<vmem>> -> memref<128x128xf32, #tpu.memory_space<vmem>>
    %dma_start3A_47 = arith.constant 0 : i32
    %dma_start3A_48 = tpu.memref_slice %arg9[%dma_start3A_40, %dma_start3A_47] : memref<4x128xi32, #tpu.memory_space<vmem>> -> memref<1x128xi32, #tpu.memory_space<vmem>>
    %dma_start3A_49 = tpu.memref_squeeze %dma_start3A_48 : memref<1x128xi32, #tpu.memory_space<vmem>> -> memref<128xi32, #tpu.memory_space<vmem>>
    %dma_start3A_50 = arith.constant 0 : i32
    %dma_start3A_51 = arith.constant 0 : i32
    %dma_start3A_52 = tpu.memref_slice %arg5[%dma_start3A_50, %dma_start3A_51] : memref<1000000x128xf32, #tpu.memory_space<hbm>> -> memref<1000000x128xf32, #tpu.memory_space<hbm>>
    %dma_start3A_53 = tpu.memref_slice %arg13[%dma_start3A_42] : memref<2x!tpu.dma_semaphore, #tpu.memory_space<semaphore_mem>> -> memref<1x!tpu.dma_semaphore, #tpu.memory_space<semaphore_mem>>
    %dma_start3A_54 = tpu.memref_squeeze %dma_start3A_53 : memref<1x!tpu.dma_semaphore, #tpu.memory_space<semaphore_mem>> -> memref<!tpu.dma_semaphore, #tpu.memory_space<semaphore_mem>>
    tpu.enqueue_indirect_dma source(%dma_start3A_52 : memref<1000000x128xf32, #tpu.memory_space<hbm>>) target(%dma_start3A_46 : memref<128x128xf32, #tpu.memory_space<vmem>>) offsets(%dma_start3A_49 : memref<128xi32, #tpu.memory_space<vmem>>) semaphore(%dma_start3A_54 : memref<!tpu.dma_semaphore, #tpu.memory_space<semaphore_mem>>)
    %dma_start3A_55 = arith.constant 1 : i32
    %dma_start3A_56 = arith.constant 1 : i32
    %dma_start3A_57 = arith.constant 1 : i32
    %dma_start3A_58 = arith.constant 0 : i32
    %dma_start3A_59 = arith.constant 0 : i32
    %dma_start3A_60 = tpu.memref_slice %arg10[%dma_start3A_56, %dma_start3A_58, %dma_start3A_59] : memref<2x128x128xf32, #tpu.memory_space<vmem>> -> memref<1x128x128xf32, #tpu.memory_space<vmem>>
    %dma_start3A_61 = tpu.memref_squeeze %dma_start3A_60 : memref<1x128x128xf32, #tpu.memory_space<vmem>> -> memref<128x128xf32, #tpu.memory_space<vmem>>
    %dma_start3A_62 = arith.constant 0 : i32
    %dma_start3A_63 = tpu.memref_slice %arg8[%dma_start3A_55, %dma_start3A_62] : memref<4x128xi32, #tpu.memory_space<vmem>> -> memref<1x128xi32, #tpu.memory_space<vmem>>
    %dma_start3A_64 = tpu.memref_squeeze %dma_start3A_63 : memref<1x128xi32, #tpu.memory_space<vmem>> -> memref<128xi32, #tpu.memory_space<vmem>>
    %dma_start3A_65 = arith.constant 0 : i32
    %dma_start3A_66 = arith.constant 0 : i32
    %dma_start3A_67 = tpu.memref_slice %arg4[%dma_start3A_65, %dma_start3A_66] : memref<1000000x128xf32, #tpu.memory_space<hbm>> -> memref<1000000x128xf32, #tpu.memory_space<hbm>>
    %dma_start3A_68 = tpu.memref_slice %arg12[%dma_start3A_57] : memref<2x!tpu.dma_semaphore, #tpu.memory_space<semaphore_mem>> -> memref<1x!tpu.dma_semaphore, #tpu.memory_space<semaphore_mem>>
    %dma_start3A_69 = tpu.memref_squeeze %dma_start3A_68 : memref<1x!tpu.dma_semaphore, #tpu.memory_space<semaphore_mem>> -> memref<!tpu.dma_semaphore, #tpu.memory_space<semaphore_mem>>
    tpu.enqueue_indirect_dma source(%dma_start3A_67 : memref<1000000x128xf32, #tpu.memory_space<hbm>>) target(%dma_start3A_61 : memref<128x128xf32, #tpu.memory_space<vmem>>) offsets(%dma_start3A_64 : memref<128xi32, #tpu.memory_space<vmem>>) semaphore(%dma_start3A_69 : memref<!tpu.dma_semaphore, #tpu.memory_space<semaphore_mem>>)
    %dma_start3A_70 = arith.constant 1 : i32
    %dma_start3A_71 = arith.constant 1 : i32
    %dma_start3A_72 = arith.constant 1 : i32
    %dma_start3A_73 = arith.constant 0 : i32
    %dma_start3A_74 = arith.constant 0 : i32
    %dma_start3A_75 = tpu.memref_slice %arg11[%dma_start3A_71, %dma_start3A_73, %dma_start3A_74] : memref<2x128x128xf32, #tpu.memory_space<vmem>> -> memref<1x128x128xf32, #tpu.memory_space<vmem>>
    %dma_start3A_76 = tpu.memref_squeeze %dma_start3A_75 : memref<1x128x128xf32, #tpu.memory_space<vmem>> -> memref<128x128xf32, #tpu.memory_space<vmem>>
    %dma_start3A_77 = arith.constant 0 : i32
    %dma_start3A_78 = tpu.memref_slice %arg9[%dma_start3A_70, %dma_start3A_77] : memref<4x128xi32, #tpu.memory_space<vmem>> -> memref<1x128xi32, #tpu.memory_space<vmem>>
    %dma_start3A_79 = tpu.memref_squeeze %dma_start3A_78 : memref<1x128xi32, #tpu.memory_space<vmem>> -> memref<128xi32, #tpu.memory_space<vmem>>
    %dma_start3A_80 = arith.constant 0 : i32
    %dma_start3A_81 = arith.constant 0 : i32
    %dma_start3A_82 = tpu.memref_slice %arg5[%dma_start3A_80, %dma_start3A_81] : memref<1000000x128xf32, #tpu.memory_space<hbm>> -> memref<1000000x128xf32, #tpu.memory_space<hbm>>
    %dma_start3A_83 = tpu.memref_slice %arg13[%dma_start3A_72] : memref<2x!tpu.dma_semaphore, #tpu.memory_space<semaphore_mem>> -> memref<1x!tpu.dma_semaphore, #tpu.memory_space<semaphore_mem>>
    %dma_start3A_84 = tpu.memref_squeeze %dma_start3A_83 : memref<1x!tpu.dma_semaphore, #tpu.memory_space<semaphore_mem>> -> memref<!tpu.dma_semaphore, #tpu.memory_space<semaphore_mem>>
    tpu.enqueue_indirect_dma source(%dma_start3A_82 : memref<1000000x128xf32, #tpu.memory_space<hbm>>) target(%dma_start3A_76 : memref<128x128xf32, #tpu.memory_space<vmem>>) offsets(%dma_start3A_79 : memref<128xi32, #tpu.memory_space<vmem>>) semaphore(%dma_start3A_84 : memref<!tpu.dma_semaphore, #tpu.memory_space<semaphore_mem>>)
    %dma_wait3A = arith.constant 0 : i32
    %dma_wait3A_85 = arith.constant 0 : i32
    %dma_wait3A_86 = arith.constant 0 : i32
    %dma_wait3A_87 = arith.constant 0 : i32
    %dma_wait3A_88 = arith.constant 0 : i32
    %dma_wait3A_89 = tpu.memref_slice %arg10[%dma_wait3A_85, %dma_wait3A_87, %dma_wait3A_88] : memref<2x128x128xf32, #tpu.memory_space<vmem>> -> memref<1x128x128xf32, #tpu.memory_space<vmem>>
    %dma_wait3A_90 = tpu.memref_squeeze %dma_wait3A_89 : memref<1x128x128xf32, #tpu.memory_space<vmem>> -> memref<128x128xf32, #tpu.memory_space<vmem>>
    %dma_wait3A_91 = arith.constant 0 : i32
    %dma_wait3A_92 = tpu.memref_slice %arg8[%dma_wait3A, %dma_wait3A_91] : memref<4x128xi32, #tpu.memory_space<vmem>> -> memref<1x128xi32, #tpu.memory_space<vmem>>
    %dma_wait3A_93 = tpu.memref_squeeze %dma_wait3A_92 : memref<1x128xi32, #tpu.memory_space<vmem>> -> memref<128xi32, #tpu.memory_space<vmem>>
    %dma_wait3A_94 = arith.constant 0 : i32
    %dma_wait3A_95 = arith.constant 0 : i32
    %dma_wait3A_96 = tpu.memref_slice %arg4[%dma_wait3A_94, %dma_wait3A_95] : memref<1000000x128xf32, #tpu.memory_space<hbm>> -> memref<1000000x128xf32, #tpu.memory_space<hbm>>
    %dma_wait3A_97 = tpu.memref_slice %arg12[%dma_wait3A_86] : memref<2x!tpu.dma_semaphore, #tpu.memory_space<semaphore_mem>> -> memref<1x!tpu.dma_semaphore, #tpu.memory_space<semaphore_mem>>
    %dma_wait3A_98 = tpu.memref_squeeze %dma_wait3A_97 : memref<1x!tpu.dma_semaphore, #tpu.memory_space<semaphore_mem>> -> memref<!tpu.dma_semaphore, #tpu.memory_space<semaphore_mem>>
    tpu.wait_indirect_dma semaphore(%dma_wait3A_98 : memref<!tpu.dma_semaphore, #tpu.memory_space<semaphore_mem>>) src(%dma_wait3A_96 : memref<1000000x128xf32, #tpu.memory_space<hbm>>) dst(%dma_wait3A_90 : memref<128x128xf32, #tpu.memory_space<vmem>>)
    %add3A_99 = arith.constant 0 : i32
    %add3A_100 = arith.addi %mul3A_2, %add3A_99 : i32
    %run_scoped3A_101 = arith.constant 0 : i32
    "tpu.region"() ({
      %run_scoped3A_288 = tpu.sem_alloc : memref<!tpu.dma_semaphore, #tpu.memory_space<semaphore_mem>>
      %dma_start3A_289 = arith.constant 0 : i32
      %dma_start3A_290 = arith.constant 0 : i32
      %dma_start3A_291 = tpu.memref_slice %arg10[%run_scoped3A_101, %dma_start3A_289, %dma_start3A_290] : memref<2x128x128xf32, #tpu.memory_space<vmem>> -> memref<1x128x128xf32, #tpu.memory_space<vmem>>
      %dma_start3A_292 = tpu.memref_squeeze %dma_start3A_291 : memref<1x128x128xf32, #tpu.memory_space<vmem>> -> memref<128x128xf32, #tpu.memory_space<vmem>>
      %dma_start3A_293 = arith.constant 0 : i32
      %dma_start3A_294 = tpu.memref_slice %arg6[%add3A_100, %dma_start3A_293] : memref<16384x128xf32, #tpu.memory_space<hbm>> -> memref<128x128xf32, #tpu.memory_space<hbm>>
      %dma_start3A_295 = arith.constant 0 : i32
      %dma_start3A_296 = tpu.memref_slice %arg6[%add3A_100, %dma_start3A_295] : memref<16384x128xf32, #tpu.memory_space<hbm>> -> memref<128x128xf32, #tpu.memory_space<hbm>>
      %dma_start3A_297 = arith.constant 0 : i32
      %dma_start3A_298 = arith.constant 0 : i32
      %dma_start3A_299 = tpu.memref_slice %arg10[%run_scoped3A_101, %dma_start3A_297, %dma_start3A_298] : memref<2x128x128xf32, #tpu.memory_space<vmem>> -> memref<1x128x128xf32, #tpu.memory_space<vmem>>
      %dma_start3A_300 = tpu.memref_squeeze %dma_start3A_299 : memref<1x128x128xf32, #tpu.memory_space<vmem>> -> memref<128x128xf32, #tpu.memory_space<vmem>>
      tpu.enqueue_dma source(%dma_start3A_300 : memref<128x128xf32, #tpu.memory_space<vmem>>) target(%dma_start3A_296 : memref<128x128xf32, #tpu.memory_space<hbm>>) target_semaphore(%run_scoped3A_288 : memref<!tpu.dma_semaphore, #tpu.memory_space<semaphore_mem>>)
      %dma_wait3A_301 = arith.constant 0 : i32
      %dma_wait3A_302 = arith.constant 0 : i32
      %dma_wait3A_303 = tpu.memref_slice %arg10[%run_scoped3A_101, %dma_wait3A_301, %dma_wait3A_302] : memref<2x128x128xf32, #tpu.memory_space<vmem>> -> memref<1x128x128xf32, #tpu.memory_space<vmem>>
      %dma_wait3A_304 = tpu.memref_squeeze %dma_wait3A_303 : memref<1x128x128xf32, #tpu.memory_space<vmem>> -> memref<128x128xf32, #tpu.memory_space<vmem>>
      %dma_wait3A_305 = arith.constant 0 : i32
      %dma_wait3A_306 = tpu.memref_slice %arg6[%add3A_100, %dma_wait3A_305] : memref<16384x128xf32, #tpu.memory_space<hbm>> -> memref<128x128xf32, #tpu.memory_space<hbm>>
      %dma_wait3A_307 = arith.constant 0 : i32
      %dma_wait3A_308 = tpu.memref_slice %arg6[%add3A_100, %dma_wait3A_307] : memref<16384x128xf32, #tpu.memory_space<hbm>> -> memref<128x128xf32, #tpu.memory_space<hbm>>
      %dma_wait3A_309 = arith.constant 0 : i32
      %dma_wait3A_310 = arith.constant 0 : i32
      %dma_wait3A_311 = tpu.memref_slice %arg10[%run_scoped3A_101, %dma_wait3A_309, %dma_wait3A_310] : memref<2x128x128xf32, #tpu.memory_space<vmem>> -> memref<1x128x128xf32, #tpu.memory_space<vmem>>
      %dma_wait3A_312 = tpu.memref_squeeze %dma_wait3A_311 : memref<1x128x128xf32, #tpu.memory_space<vmem>> -> memref<128x128xf32, #tpu.memory_space<vmem>>
      tpu.wait_dma2 semaphore(%run_scoped3A_288 : memref<!tpu.dma_semaphore, #tpu.memory_space<semaphore_mem>>) src(%dma_wait3A_312 : memref<128x128xf32, #tpu.memory_space<vmem>>) dst(%dma_wait3A_308 : memref<128x128xf32, #tpu.memory_space<hbm>>)
      tpu.yield
    }) : () -> ()
    %dma_wait3A_102 = arith.constant 0 : i32
    %dma_wait3A_103 = arith.constant 0 : i32
    %dma_wait3A_104 = arith.constant 0 : i32
    %dma_wait3A_105 = arith.constant 0 : i32
    %dma_wait3A_106 = arith.constant 0 : i32
    %dma_wait3A_107 = tpu.memref_slice %arg11[%dma_wait3A_103, %dma_wait3A_105, %dma_wait3A_106] : memref<2x128x128xf32, #tpu.memory_space<vmem>> -> memref<1x128x128xf32, #tpu.memory_space<vmem>>
    %dma_wait3A_108 = tpu.memref_squeeze %dma_wait3A_107 : memref<1x128x128xf32, #tpu.memory_space<vmem>> -> memref<128x128xf32, #tpu.memory_space<vmem>>
    %dma_wait3A_109 = arith.constant 0 : i32
    %dma_wait3A_110 = tpu.memref_slice %arg9[%dma_wait3A_102, %dma_wait3A_109] : memref<4x128xi32, #tpu.memory_space<vmem>> -> memref<1x128xi32, #tpu.memory_space<vmem>>
    %dma_wait3A_111 = tpu.memref_squeeze %dma_wait3A_110 : memref<1x128xi32, #tpu.memory_space<vmem>> -> memref<128xi32, #tpu.memory_space<vmem>>
    %dma_wait3A_112 = arith.constant 0 : i32
    %dma_wait3A_113 = arith.constant 0 : i32
    %dma_wait3A_114 = tpu.memref_slice %arg5[%dma_wait3A_112, %dma_wait3A_113] : memref<1000000x128xf32, #tpu.memory_space<hbm>> -> memref<1000000x128xf32, #tpu.memory_space<hbm>>
    %dma_wait3A_115 = tpu.memref_slice %arg13[%dma_wait3A_104] : memref<2x!tpu.dma_semaphore, #tpu.memory_space<semaphore_mem>> -> memref<1x!tpu.dma_semaphore, #tpu.memory_space<semaphore_mem>>
    %dma_wait3A_116 = tpu.memref_squeeze %dma_wait3A_115 : memref<1x!tpu.dma_semaphore, #tpu.memory_space<semaphore_mem>> -> memref<!tpu.dma_semaphore, #tpu.memory_space<semaphore_mem>>
    tpu.wait_indirect_dma semaphore(%dma_wait3A_116 : memref<!tpu.dma_semaphore, #tpu.memory_space<semaphore_mem>>) src(%dma_wait3A_114 : memref<1000000x128xf32, #tpu.memory_space<hbm>>) dst(%dma_wait3A_108 : memref<128x128xf32, #tpu.memory_space<vmem>>)
    %add3A_117 = arith.constant 0 : i32
    %add3A_118 = arith.addi %mul3A_2, %add3A_117 : i32
    %run_scoped3A_119 = arith.constant 0 : i32
    "tpu.region"() ({
      %run_scoped3A_288 = tpu.sem_alloc : memref<!tpu.dma_semaphore, #tpu.memory_space<semaphore_mem>>
      %dma_start3A_289 = arith.constant 0 : i32
      %dma_start3A_290 = arith.constant 0 : i32
      %dma_start3A_291 = tpu.memref_slice %arg11[%run_scoped3A_119, %dma_start3A_289, %dma_start3A_290] : memref<2x128x128xf32, #tpu.memory_space<vmem>> -> memref<1x128x128xf32, #tpu.memory_space<vmem>>
      %dma_start3A_292 = tpu.memref_squeeze %dma_start3A_291 : memref<1x128x128xf32, #tpu.memory_space<vmem>> -> memref<128x128xf32, #tpu.memory_space<vmem>>
      %dma_start3A_293 = arith.constant 0 : i32
      %dma_start3A_294 = tpu.memref_slice %arg7[%add3A_118, %dma_start3A_293] : memref<16384x128xf32, #tpu.memory_space<hbm>> -> memref<128x128xf32, #tpu.memory_space<hbm>>
      %dma_start3A_295 = arith.constant 0 : i32
      %dma_start3A_296 = tpu.memref_slice %arg7[%add3A_118, %dma_start3A_295] : memref<16384x128xf32, #tpu.memory_space<hbm>> -> memref<128x128xf32, #tpu.memory_space<hbm>>
      %dma_start3A_297 = arith.constant 0 : i32
      %dma_start3A_298 = arith.constant 0 : i32
      %dma_start3A_299 = tpu.memref_slice %arg11[%run_scoped3A_119, %dma_start3A_297, %dma_start3A_298] : memref<2x128x128xf32, #tpu.memory_space<vmem>> -> memref<1x128x128xf32, #tpu.memory_space<vmem>>
      %dma_start3A_300 = tpu.memref_squeeze %dma_start3A_299 : memref<1x128x128xf32, #tpu.memory_space<vmem>> -> memref<128x128xf32, #tpu.memory_space<vmem>>
      tpu.enqueue_dma source(%dma_start3A_300 : memref<128x128xf32, #tpu.memory_space<vmem>>) target(%dma_start3A_296 : memref<128x128xf32, #tpu.memory_space<hbm>>) target_semaphore(%run_scoped3A_288 : memref<!tpu.dma_semaphore, #tpu.memory_space<semaphore_mem>>)
      %dma_wait3A_301 = arith.constant 0 : i32
      %dma_wait3A_302 = arith.constant 0 : i32
      %dma_wait3A_303 = tpu.memref_slice %arg11[%run_scoped3A_119, %dma_wait3A_301, %dma_wait3A_302] : memref<2x128x128xf32, #tpu.memory_space<vmem>> -> memref<1x128x128xf32, #tpu.memory_space<vmem>>
      %dma_wait3A_304 = tpu.memref_squeeze %dma_wait3A_303 : memref<1x128x128xf32, #tpu.memory_space<vmem>> -> memref<128x128xf32, #tpu.memory_space<vmem>>
      %dma_wait3A_305 = arith.constant 0 : i32
      %dma_wait3A_306 = tpu.memref_slice %arg7[%add3A_118, %dma_wait3A_305] : memref<16384x128xf32, #tpu.memory_space<hbm>> -> memref<128x128xf32, #tpu.memory_space<hbm>>
      %dma_wait3A_307 = arith.constant 0 : i32
      %dma_wait3A_308 = tpu.memref_slice %arg7[%add3A_118, %dma_wait3A_307] : memref<16384x128xf32, #tpu.memory_space<hbm>> -> memref<128x128xf32, #tpu.memory_space<hbm>>
      %dma_wait3A_309 = arith.constant 0 : i32
      %dma_wait3A_310 = arith.constant 0 : i32
      %dma_wait3A_311 = tpu.memref_slice %arg11[%run_scoped3A_119, %dma_wait3A_309, %dma_wait3A_310] : memref<2x128x128xf32, #tpu.memory_space<vmem>> -> memref<1x128x128xf32, #tpu.memory_space<vmem>>
      %dma_wait3A_312 = tpu.memref_squeeze %dma_wait3A_311 : memref<1x128x128xf32, #tpu.memory_space<vmem>> -> memref<128x128xf32, #tpu.memory_space<vmem>>
      tpu.wait_dma2 semaphore(%run_scoped3A_288 : memref<!tpu.dma_semaphore, #tpu.memory_space<semaphore_mem>>) src(%dma_wait3A_312 : memref<128x128xf32, #tpu.memory_space<vmem>>) dst(%dma_wait3A_308 : memref<128x128xf32, #tpu.memory_space<hbm>>)
      tpu.yield
    }) : () -> ()
    %dma_start3A_120 = arith.constant 2 : i32
    %dma_start3A_121 = arith.constant 0 : i32
    %dma_start3A_122 = arith.constant 0 : i32
    %dma_start3A_123 = arith.constant 0 : i32
    %dma_start3A_124 = arith.constant 0 : i32
    %dma_start3A_125 = tpu.memref_slice %arg10[%dma_start3A_121, %dma_start3A_123, %dma_start3A_124] : memref<2x128x128xf32, #tpu.memory_space<vmem>> -> memref<1x128x128xf32, #tpu.memory_space<vmem>>
    %dma_start3A_126 = tpu.memref_squeeze %dma_start3A_125 : memref<1x128x128xf32, #tpu.memory_space<vmem>> -> memref<128x128xf32, #tpu.memory_space<vmem>>
    %dma_start3A_127 = arith.constant 0 : i32
    %dma_start3A_128 = tpu.memref_slice %arg8[%dma_start3A_120, %dma_start3A_127] : memref<4x128xi32, #tpu.memory_space<vmem>> -> memref<1x128xi32, #tpu.memory_space<vmem>>
    %dma_start3A_129 = tpu.memref_squeeze %dma_start3A_128 : memref<1x128xi32, #tpu.memory_space<vmem>> -> memref<128xi32, #tpu.memory_space<vmem>>
    %dma_start3A_130 = arith.constant 0 : i32
    %dma_start3A_131 = arith.constant 0 : i32
    %dma_start3A_132 = tpu.memref_slice %arg4[%dma_start3A_130, %dma_start3A_131] : memref<1000000x128xf32, #tpu.memory_space<hbm>> -> memref<1000000x128xf32, #tpu.memory_space<hbm>>
    %dma_start3A_133 = tpu.memref_slice %arg12[%dma_start3A_122] : memref<2x!tpu.dma_semaphore, #tpu.memory_space<semaphore_mem>> -> memref<1x!tpu.dma_semaphore, #tpu.memory_space<semaphore_mem>>
    %dma_start3A_134 = tpu.memref_squeeze %dma_start3A_133 : memref<1x!tpu.dma_semaphore, #tpu.memory_space<semaphore_mem>> -> memref<!tpu.dma_semaphore, #tpu.memory_space<semaphore_mem>>
    tpu.enqueue_indirect_dma source(%dma_start3A_132 : memref<1000000x128xf32, #tpu.memory_space<hbm>>) target(%dma_start3A_126 : memref<128x128xf32, #tpu.memory_space<vmem>>) offsets(%dma_start3A_129 : memref<128xi32, #tpu.memory_space<vmem>>) semaphore(%dma_start3A_134 : memref<!tpu.dma_semaphore, #tpu.memory_space<semaphore_mem>>)
    %dma_start3A_135 = arith.constant 2 : i32
    %dma_start3A_136 = arith.constant 0 : i32
    %dma_start3A_137 = arith.constant 0 : i32
    %dma_start3A_138 = arith.constant 0 : i32
    %dma_start3A_139 = arith.constant 0 : i32
    %dma_start3A_140 = tpu.memref_slice %arg11[%dma_start3A_136, %dma_start3A_138, %dma_start3A_139] : memref<2x128x128xf32, #tpu.memory_space<vmem>> -> memref<1x128x128xf32, #tpu.memory_space<vmem>>
    %dma_start3A_141 = tpu.memref_squeeze %dma_start3A_140 : memref<1x128x128xf32, #tpu.memory_space<vmem>> -> memref<128x128xf32, #tpu.memory_space<vmem>>
    %dma_start3A_142 = arith.constant 0 : i32
    %dma_start3A_143 = tpu.memref_slice %arg9[%dma_start3A_135, %dma_start3A_142] : memref<4x128xi32, #tpu.memory_space<vmem>> -> memref<1x128xi32, #tpu.memory_space<vmem>>
    %dma_start3A_144 = tpu.memref_squeeze %dma_start3A_143 : memref<1x128xi32, #tpu.memory_space<vmem>> -> memref<128xi32, #tpu.memory_space<vmem>>
    %dma_start3A_145 = arith.constant 0 : i32
    %dma_start3A_146 = arith.constant 0 : i32
    %dma_start3A_147 = tpu.memref_slice %arg5[%dma_start3A_145, %dma_start3A_146] : memref<1000000x128xf32, #tpu.memory_space<hbm>> -> memref<1000000x128xf32, #tpu.memory_space<hbm>>
    %dma_start3A_148 = tpu.memref_slice %arg13[%dma_start3A_137] : memref<2x!tpu.dma_semaphore, #tpu.memory_space<semaphore_mem>> -> memref<1x!tpu.dma_semaphore, #tpu.memory_space<semaphore_mem>>
    %dma_start3A_149 = tpu.memref_squeeze %dma_start3A_148 : memref<1x!tpu.dma_semaphore, #tpu.memory_space<semaphore_mem>> -> memref<!tpu.dma_semaphore, #tpu.memory_space<semaphore_mem>>
    tpu.enqueue_indirect_dma source(%dma_start3A_147 : memref<1000000x128xf32, #tpu.memory_space<hbm>>) target(%dma_start3A_141 : memref<128x128xf32, #tpu.memory_space<vmem>>) offsets(%dma_start3A_144 : memref<128xi32, #tpu.memory_space<vmem>>) semaphore(%dma_start3A_149 : memref<!tpu.dma_semaphore, #tpu.memory_space<semaphore_mem>>)
    %dma_wait3A_150 = arith.constant 1 : i32
    %dma_wait3A_151 = arith.constant 1 : i32
    %dma_wait3A_152 = arith.constant 1 : i32
    %dma_wait3A_153 = arith.constant 0 : i32
    %dma_wait3A_154 = arith.constant 0 : i32
    %dma_wait3A_155 = tpu.memref_slice %arg10[%dma_wait3A_151, %dma_wait3A_153, %dma_wait3A_154] : memref<2x128x128xf32, #tpu.memory_space<vmem>> -> memref<1x128x128xf32, #tpu.memory_space<vmem>>
    %dma_wait3A_156 = tpu.memref_squeeze %dma_wait3A_155 : memref<1x128x128xf32, #tpu.memory_space<vmem>> -> memref<128x128xf32, #tpu.memory_space<vmem>>
    %dma_wait3A_157 = arith.constant 0 : i32
    %dma_wait3A_158 = tpu.memref_slice %arg8[%dma_wait3A_150, %dma_wait3A_157] : memref<4x128xi32, #tpu.memory_space<vmem>> -> memref<1x128xi32, #tpu.memory_space<vmem>>
    %dma_wait3A_159 = tpu.memref_squeeze %dma_wait3A_158 : memref<1x128xi32, #tpu.memory_space<vmem>> -> memref<128xi32, #tpu.memory_space<vmem>>
    %dma_wait3A_160 = arith.constant 0 : i32
    %dma_wait3A_161 = arith.constant 0 : i32
    %dma_wait3A_162 = tpu.memref_slice %arg4[%dma_wait3A_160, %dma_wait3A_161] : memref<1000000x128xf32, #tpu.memory_space<hbm>> -> memref<1000000x128xf32, #tpu.memory_space<hbm>>
    %dma_wait3A_163 = tpu.memref_slice %arg12[%dma_wait3A_152] : memref<2x!tpu.dma_semaphore, #tpu.memory_space<semaphore_mem>> -> memref<1x!tpu.dma_semaphore, #tpu.memory_space<semaphore_mem>>
    %dma_wait3A_164 = tpu.memref_squeeze %dma_wait3A_163 : memref<1x!tpu.dma_semaphore, #tpu.memory_space<semaphore_mem>> -> memref<!tpu.dma_semaphore, #tpu.memory_space<semaphore_mem>>
    tpu.wait_indirect_dma semaphore(%dma_wait3A_164 : memref<!tpu.dma_semaphore, #tpu.memory_space<semaphore_mem>>) src(%dma_wait3A_162 : memref<1000000x128xf32, #tpu.memory_space<hbm>>) dst(%dma_wait3A_156 : memref<128x128xf32, #tpu.memory_space<vmem>>)
    %add3A_165 = arith.constant 128 : i32
    %add3A_166 = arith.addi %mul3A_2, %add3A_165 : i32
    %run_scoped3A_167 = arith.constant 1 : i32
    "tpu.region"() ({
      %run_scoped3A_288 = tpu.sem_alloc : memref<!tpu.dma_semaphore, #tpu.memory_space<semaphore_mem>>
      %dma_start3A_289 = arith.constant 0 : i32
      %dma_start3A_290 = arith.constant 0 : i32
      %dma_start3A_291 = tpu.memref_slice %arg10[%run_scoped3A_167, %dma_start3A_289, %dma_start3A_290] : memref<2x128x128xf32, #tpu.memory_space<vmem>> -> memref<1x128x128xf32, #tpu.memory_space<vmem>>
      %dma_start3A_292 = tpu.memref_squeeze %dma_start3A_291 : memref<1x128x128xf32, #tpu.memory_space<vmem>> -> memref<128x128xf32, #tpu.memory_space<vmem>>
      %dma_start3A_293 = arith.constant 0 : i32
      %dma_start3A_294 = tpu.memref_slice %arg6[%add3A_166, %dma_start3A_293] : memref<16384x128xf32, #tpu.memory_space<hbm>> -> memref<128x128xf32, #tpu.memory_space<hbm>>
      %dma_start3A_295 = arith.constant 0 : i32
      %dma_start3A_296 = tpu.memref_slice %arg6[%add3A_166, %dma_start3A_295] : memref<16384x128xf32, #tpu.memory_space<hbm>> -> memref<128x128xf32, #tpu.memory_space<hbm>>
      %dma_start3A_297 = arith.constant 0 : i32
      %dma_start3A_298 = arith.constant 0 : i32
      %dma_start3A_299 = tpu.memref_slice %arg10[%run_scoped3A_167, %dma_start3A_297, %dma_start3A_298] : memref<2x128x128xf32, #tpu.memory_space<vmem>> -> memref<1x128x128xf32, #tpu.memory_space<vmem>>
      %dma_start3A_300 = tpu.memref_squeeze %dma_start3A_299 : memref<1x128x128xf32, #tpu.memory_space<vmem>> -> memref<128x128xf32, #tpu.memory_space<vmem>>
      tpu.enqueue_dma source(%dma_start3A_300 : memref<128x128xf32, #tpu.memory_space<vmem>>) target(%dma_start3A_296 : memref<128x128xf32, #tpu.memory_space<hbm>>) target_semaphore(%run_scoped3A_288 : memref<!tpu.dma_semaphore, #tpu.memory_space<semaphore_mem>>)
      %dma_wait3A_301 = arith.constant 0 : i32
      %dma_wait3A_302 = arith.constant 0 : i32
      %dma_wait3A_303 = tpu.memref_slice %arg10[%run_scoped3A_167, %dma_wait3A_301, %dma_wait3A_302] : memref<2x128x128xf32, #tpu.memory_space<vmem>> -> memref<1x128x128xf32, #tpu.memory_space<vmem>>
      %dma_wait3A_304 = tpu.memref_squeeze %dma_wait3A_303 : memref<1x128x128xf32, #tpu.memory_space<vmem>> -> memref<128x128xf32, #tpu.memory_space<vmem>>
      %dma_wait3A_305 = arith.constant 0 : i32
      %dma_wait3A_306 = tpu.memref_slice %arg6[%add3A_166, %dma_wait3A_305] : memref<16384x128xf32, #tpu.memory_space<hbm>> -> memref<128x128xf32, #tpu.memory_space<hbm>>
      %dma_wait3A_307 = arith.constant 0 : i32
      %dma_wait3A_308 = tpu.memref_slice %arg6[%add3A_166, %dma_wait3A_307] : memref<16384x128xf32, #tpu.memory_space<hbm>> -> memref<128x128xf32, #tpu.memory_space<hbm>>
      %dma_wait3A_309 = arith.constant 0 : i32
      %dma_wait3A_310 = arith.constant 0 : i32
      %dma_wait3A_311 = tpu.memref_slice %arg10[%run_scoped3A_167, %dma_wait3A_309, %dma_wait3A_310] : memref<2x128x128xf32, #tpu.memory_space<vmem>> -> memref<1x128x128xf32, #tpu.memory_space<vmem>>
      %dma_wait3A_312 = tpu.memref_squeeze %dma_wait3A_311 : memref<1x128x128xf32, #tpu.memory_space<vmem>> -> memref<128x128xf32, #tpu.memory_space<vmem>>
      tpu.wait_dma2 semaphore(%run_scoped3A_288 : memref<!tpu.dma_semaphore, #tpu.memory_space<semaphore_mem>>) src(%dma_wait3A_312 : memref<128x128xf32, #tpu.memory_space<vmem>>) dst(%dma_wait3A_308 : memref<128x128xf32, #tpu.memory_space<hbm>>)
      tpu.yield
    }) : () -> ()
    %dma_wait3A_168 = arith.constant 1 : i32
    %dma_wait3A_169 = arith.constant 1 : i32
    %dma_wait3A_170 = arith.constant 1 : i32
    %dma_wait3A_171 = arith.constant 0 : i32
    %dma_wait3A_172 = arith.constant 0 : i32
    %dma_wait3A_173 = tpu.memref_slice %arg11[%dma_wait3A_169, %dma_wait3A_171, %dma_wait3A_172] : memref<2x128x128xf32, #tpu.memory_space<vmem>> -> memref<1x128x128xf32, #tpu.memory_space<vmem>>
    %dma_wait3A_174 = tpu.memref_squeeze %dma_wait3A_173 : memref<1x128x128xf32, #tpu.memory_space<vmem>> -> memref<128x128xf32, #tpu.memory_space<vmem>>
    %dma_wait3A_175 = arith.constant 0 : i32
    %dma_wait3A_176 = tpu.memref_slice %arg9[%dma_wait3A_168, %dma_wait3A_175] : memref<4x128xi32, #tpu.memory_space<vmem>> -> memref<1x128xi32, #tpu.memory_space<vmem>>
    %dma_wait3A_177 = tpu.memref_squeeze %dma_wait3A_176 : memref<1x128xi32, #tpu.memory_space<vmem>> -> memref<128xi32, #tpu.memory_space<vmem>>
    %dma_wait3A_178 = arith.constant 0 : i32
    %dma_wait3A_179 = arith.constant 0 : i32
    %dma_wait3A_180 = tpu.memref_slice %arg5[%dma_wait3A_178, %dma_wait3A_179] : memref<1000000x128xf32, #tpu.memory_space<hbm>> -> memref<1000000x128xf32, #tpu.memory_space<hbm>>
    %dma_wait3A_181 = tpu.memref_slice %arg13[%dma_wait3A_170] : memref<2x!tpu.dma_semaphore, #tpu.memory_space<semaphore_mem>> -> memref<1x!tpu.dma_semaphore, #tpu.memory_space<semaphore_mem>>
    %dma_wait3A_182 = tpu.memref_squeeze %dma_wait3A_181 : memref<1x!tpu.dma_semaphore, #tpu.memory_space<semaphore_mem>> -> memref<!tpu.dma_semaphore, #tpu.memory_space<semaphore_mem>>
    tpu.wait_indirect_dma semaphore(%dma_wait3A_182 : memref<!tpu.dma_semaphore, #tpu.memory_space<semaphore_mem>>) src(%dma_wait3A_180 : memref<1000000x128xf32, #tpu.memory_space<hbm>>) dst(%dma_wait3A_174 : memref<128x128xf32, #tpu.memory_space<vmem>>)
    %add3A_183 = arith.constant 128 : i32
    %add3A_184 = arith.addi %mul3A_2, %add3A_183 : i32
    %run_scoped3A_185 = arith.constant 1 : i32
    "tpu.region"() ({
      %run_scoped3A_288 = tpu.sem_alloc : memref<!tpu.dma_semaphore, #tpu.memory_space<semaphore_mem>>
      %dma_start3A_289 = arith.constant 0 : i32
      %dma_start3A_290 = arith.constant 0 : i32
      %dma_start3A_291 = tpu.memref_slice %arg11[%run_scoped3A_185, %dma_start3A_289, %dma_start3A_290] : memref<2x128x128xf32, #tpu.memory_space<vmem>> -> memref<1x128x128xf32, #tpu.memory_space<vmem>>
      %dma_start3A_292 = tpu.memref_squeeze %dma_start3A_291 : memref<1x128x128xf32, #tpu.memory_space<vmem>> -> memref<128x128xf32, #tpu.memory_space<vmem>>
      %dma_start3A_293 = arith.constant 0 : i32
      %dma_start3A_294 = tpu.memref_slice %arg7[%add3A_184, %dma_start3A_293] : memref<16384x128xf32, #tpu.memory_space<hbm>> -> memref<128x128xf32, #tpu.memory_space<hbm>>
      %dma_start3A_295 = arith.constant 0 : i32
      %dma_start3A_296 = tpu.memref_slice %arg7[%add3A_184, %dma_start3A_295] : memref<16384x128xf32, #tpu.memory_space<hbm>> -> memref<128x128xf32, #tpu.memory_space<hbm>>
      %dma_start3A_297 = arith.constant 0 : i32
      %dma_start3A_298 = arith.constant 0 : i32
      %dma_start3A_299 = tpu.memref_slice %arg11[%run_scoped3A_185, %dma_start3A_297, %dma_start3A_298] : memref<2x128x128xf32, #tpu.memory_space<vmem>> -> memref<1x128x128xf32, #tpu.memory_space<vmem>>
      %dma_start3A_300 = tpu.memref_squeeze %dma_start3A_299 : memref<1x128x128xf32, #tpu.memory_space<vmem>> -> memref<128x128xf32, #tpu.memory_space<vmem>>
      tpu.enqueue_dma source(%dma_start3A_300 : memref<128x128xf32, #tpu.memory_space<vmem>>) target(%dma_start3A_296 : memref<128x128xf32, #tpu.memory_space<hbm>>) target_semaphore(%run_scoped3A_288 : memref<!tpu.dma_semaphore, #tpu.memory_space<semaphore_mem>>)
      %dma_wait3A_301 = arith.constant 0 : i32
      %dma_wait3A_302 = arith.constant 0 : i32
      %dma_wait3A_303 = tpu.memref_slice %arg11[%run_scoped3A_185, %dma_wait3A_301, %dma_wait3A_302] : memref<2x128x128xf32, #tpu.memory_space<vmem>> -> memref<1x128x128xf32, #tpu.memory_space<vmem>>
      %dma_wait3A_304 = tpu.memref_squeeze %dma_wait3A_303 : memref<1x128x128xf32, #tpu.memory_space<vmem>> -> memref<128x128xf32, #tpu.memory_space<vmem>>
      %dma_wait3A_305 = arith.constant 0 : i32
      %dma_wait3A_306 = tpu.memref_slice %arg7[%add3A_184, %dma_wait3A_305] : memref<16384x128xf32, #tpu.memory_space<hbm>> -> memref<128x128xf32, #tpu.memory_space<hbm>>
      %dma_wait3A_307 = arith.constant 0 : i32
      %dma_wait3A_308 = tpu.memref_slice %arg7[%add3A_184, %dma_wait3A_307] : memref<16384x128xf32, #tpu.memory_space<hbm>> -> memref<128x128xf32, #tpu.memory_space<hbm>>
      %dma_wait3A_309 = arith.constant 0 : i32
      %dma_wait3A_310 = arith.constant 0 : i32
      %dma_wait3A_311 = tpu.memref_slice %arg11[%run_scoped3A_185, %dma_wait3A_309, %dma_wait3A_310] : memref<2x128x128xf32, #tpu.memory_space<vmem>> -> memref<1x128x128xf32, #tpu.memory_space<vmem>>
      %dma_wait3A_312 = tpu.memref_squeeze %dma_wait3A_311 : memref<1x128x128xf32, #tpu.memory_space<vmem>> -> memref<128x128xf32, #tpu.memory_space<vmem>>
      tpu.wait_dma2 semaphore(%run_scoped3A_288 : memref<!tpu.dma_semaphore, #tpu.memory_space<semaphore_mem>>) src(%dma_wait3A_312 : memref<128x128xf32, #tpu.memory_space<vmem>>) dst(%dma_wait3A_308 : memref<128x128xf32, #tpu.memory_space<hbm>>)
      tpu.yield
    }) : () -> ()
    %dma_start3A_186 = arith.constant 3 : i32
    %dma_start3A_187 = arith.constant 1 : i32
    %dma_start3A_188 = arith.constant 1 : i32
    %dma_start3A_189 = arith.constant 0 : i32
    %dma_start3A_190 = arith.constant 0 : i32
    %dma_start3A_191 = tpu.memref_slice %arg10[%dma_start3A_187, %dma_start3A_189, %dma_start3A_190] : memref<2x128x128xf32, #tpu.memory_space<vmem>> -> memref<1x128x128xf32, #tpu.memory_space<vmem>>
    %dma_start3A_192 = tpu.memref_squeeze %dma_start3A_191 : memref<1x128x128xf32, #tpu.memory_space<vmem>> -> memref<128x128xf32, #tpu.memory_space<vmem>>
    %dma_start3A_193 = arith.constant 0 : i32
    %dma_start3A_194 = tpu.memref_slice %arg8[%dma_start3A_186, %dma_start3A_193] : memref<4x128xi32, #tpu.memory_space<vmem>> -> memref<1x128xi32, #tpu.memory_space<vmem>>
    %dma_start3A_195 = tpu.memref_squeeze %dma_start3A_194 : memref<1x128xi32, #tpu.memory_space<vmem>> -> memref<128xi32, #tpu.memory_space<vmem>>
    %dma_start3A_196 = arith.constant 0 : i32
    %dma_start3A_197 = arith.constant 0 : i32
    %dma_start3A_198 = tpu.memref_slice %arg4[%dma_start3A_196, %dma_start3A_197] : memref<1000000x128xf32, #tpu.memory_space<hbm>> -> memref<1000000x128xf32, #tpu.memory_space<hbm>>
    %dma_start3A_199 = tpu.memref_slice %arg12[%dma_start3A_188] : memref<2x!tpu.dma_semaphore, #tpu.memory_space<semaphore_mem>> -> memref<1x!tpu.dma_semaphore, #tpu.memory_space<semaphore_mem>>
    %dma_start3A_200 = tpu.memref_squeeze %dma_start3A_199 : memref<1x!tpu.dma_semaphore, #tpu.memory_space<semaphore_mem>> -> memref<!tpu.dma_semaphore, #tpu.memory_space<semaphore_mem>>
    tpu.enqueue_indirect_dma source(%dma_start3A_198 : memref<1000000x128xf32, #tpu.memory_space<hbm>>) target(%dma_start3A_192 : memref<128x128xf32, #tpu.memory_space<vmem>>) offsets(%dma_start3A_195 : memref<128xi32, #tpu.memory_space<vmem>>) semaphore(%dma_start3A_200 : memref<!tpu.dma_semaphore, #tpu.memory_space<semaphore_mem>>)
    %dma_start3A_201 = arith.constant 3 : i32
    %dma_start3A_202 = arith.constant 1 : i32
    %dma_start3A_203 = arith.constant 1 : i32
    %dma_start3A_204 = arith.constant 0 : i32
    %dma_start3A_205 = arith.constant 0 : i32
    %dma_start3A_206 = tpu.memref_slice %arg11[%dma_start3A_202, %dma_start3A_204, %dma_start3A_205] : memref<2x128x128xf32, #tpu.memory_space<vmem>> -> memref<1x128x128xf32, #tpu.memory_space<vmem>>
    %dma_start3A_207 = tpu.memref_squeeze %dma_start3A_206 : memref<1x128x128xf32, #tpu.memory_space<vmem>> -> memref<128x128xf32, #tpu.memory_space<vmem>>
    %dma_start3A_208 = arith.constant 0 : i32
    %dma_start3A_209 = tpu.memref_slice %arg9[%dma_start3A_201, %dma_start3A_208] : memref<4x128xi32, #tpu.memory_space<vmem>> -> memref<1x128xi32, #tpu.memory_space<vmem>>
    %dma_start3A_210 = tpu.memref_squeeze %dma_start3A_209 : memref<1x128xi32, #tpu.memory_space<vmem>> -> memref<128xi32, #tpu.memory_space<vmem>>
    %dma_start3A_211 = arith.constant 0 : i32
    %dma_start3A_212 = arith.constant 0 : i32
    %dma_start3A_213 = tpu.memref_slice %arg5[%dma_start3A_211, %dma_start3A_212] : memref<1000000x128xf32, #tpu.memory_space<hbm>> -> memref<1000000x128xf32, #tpu.memory_space<hbm>>
    %dma_start3A_214 = tpu.memref_slice %arg13[%dma_start3A_203] : memref<2x!tpu.dma_semaphore, #tpu.memory_space<semaphore_mem>> -> memref<1x!tpu.dma_semaphore, #tpu.memory_space<semaphore_mem>>
    %dma_start3A_215 = tpu.memref_squeeze %dma_start3A_214 : memref<1x!tpu.dma_semaphore, #tpu.memory_space<semaphore_mem>> -> memref<!tpu.dma_semaphore, #tpu.memory_space<semaphore_mem>>
    tpu.enqueue_indirect_dma source(%dma_start3A_213 : memref<1000000x128xf32, #tpu.memory_space<hbm>>) target(%dma_start3A_207 : memref<128x128xf32, #tpu.memory_space<vmem>>) offsets(%dma_start3A_210 : memref<128xi32, #tpu.memory_space<vmem>>) semaphore(%dma_start3A_215 : memref<!tpu.dma_semaphore, #tpu.memory_space<semaphore_mem>>)
    %dma_wait3A_216 = arith.constant 2 : i32
    %dma_wait3A_217 = arith.constant 0 : i32
    %dma_wait3A_218 = arith.constant 0 : i32
    %dma_wait3A_219 = arith.constant 0 : i32
    %dma_wait3A_220 = arith.constant 0 : i32
    %dma_wait3A_221 = tpu.memref_slice %arg10[%dma_wait3A_217, %dma_wait3A_219, %dma_wait3A_220] : memref<2x128x128xf32, #tpu.memory_space<vmem>> -> memref<1x128x128xf32, #tpu.memory_space<vmem>>
    %dma_wait3A_222 = tpu.memref_squeeze %dma_wait3A_221 : memref<1x128x128xf32, #tpu.memory_space<vmem>> -> memref<128x128xf32, #tpu.memory_space<vmem>>
    %dma_wait3A_223 = arith.constant 0 : i32
    %dma_wait3A_224 = tpu.memref_slice %arg8[%dma_wait3A_216, %dma_wait3A_223] : memref<4x128xi32, #tpu.memory_space<vmem>> -> memref<1x128xi32, #tpu.memory_space<vmem>>
    %dma_wait3A_225 = tpu.memref_squeeze %dma_wait3A_224 : memref<1x128xi32, #tpu.memory_space<vmem>> -> memref<128xi32, #tpu.memory_space<vmem>>
    %dma_wait3A_226 = arith.constant 0 : i32
    %dma_wait3A_227 = arith.constant 0 : i32
    %dma_wait3A_228 = tpu.memref_slice %arg4[%dma_wait3A_226, %dma_wait3A_227] : memref<1000000x128xf32, #tpu.memory_space<hbm>> -> memref<1000000x128xf32, #tpu.memory_space<hbm>>
    %dma_wait3A_229 = tpu.memref_slice %arg12[%dma_wait3A_218] : memref<2x!tpu.dma_semaphore, #tpu.memory_space<semaphore_mem>> -> memref<1x!tpu.dma_semaphore, #tpu.memory_space<semaphore_mem>>
    %dma_wait3A_230 = tpu.memref_squeeze %dma_wait3A_229 : memref<1x!tpu.dma_semaphore, #tpu.memory_space<semaphore_mem>> -> memref<!tpu.dma_semaphore, #tpu.memory_space<semaphore_mem>>
    tpu.wait_indirect_dma semaphore(%dma_wait3A_230 : memref<!tpu.dma_semaphore, #tpu.memory_space<semaphore_mem>>) src(%dma_wait3A_228 : memref<1000000x128xf32, #tpu.memory_space<hbm>>) dst(%dma_wait3A_222 : memref<128x128xf32, #tpu.memory_space<vmem>>)
    %add3A_231 = arith.constant 256 : i32
    %add3A_232 = arith.addi %mul3A_2, %add3A_231 : i32
    %run_scoped3A_233 = arith.constant 0 : i32
    "tpu.region"() ({
      %run_scoped3A_288 = tpu.sem_alloc : memref<!tpu.dma_semaphore, #tpu.memory_space<semaphore_mem>>
      %dma_start3A_289 = arith.constant 0 : i32
      %dma_start3A_290 = arith.constant 0 : i32
      %dma_start3A_291 = tpu.memref_slice %arg10[%run_scoped3A_233, %dma_start3A_289, %dma_start3A_290] : memref<2x128x128xf32, #tpu.memory_space<vmem>> -> memref<1x128x128xf32, #tpu.memory_space<vmem>>
      %dma_start3A_292 = tpu.memref_squeeze %dma_start3A_291 : memref<1x128x128xf32, #tpu.memory_space<vmem>> -> memref<128x128xf32, #tpu.memory_space<vmem>>
      %dma_start3A_293 = arith.constant 0 : i32
      %dma_start3A_294 = tpu.memref_slice %arg6[%add3A_232, %dma_start3A_293] : memref<16384x128xf32, #tpu.memory_space<hbm>> -> memref<128x128xf32, #tpu.memory_space<hbm>>
      %dma_start3A_295 = arith.constant 0 : i32
      %dma_start3A_296 = tpu.memref_slice %arg6[%add3A_232, %dma_start3A_295] : memref<16384x128xf32, #tpu.memory_space<hbm>> -> memref<128x128xf32, #tpu.memory_space<hbm>>
      %dma_start3A_297 = arith.constant 0 : i32
      %dma_start3A_298 = arith.constant 0 : i32
      %dma_start3A_299 = tpu.memref_slice %arg10[%run_scoped3A_233, %dma_start3A_297, %dma_start3A_298] : memref<2x128x128xf32, #tpu.memory_space<vmem>> -> memref<1x128x128xf32, #tpu.memory_space<vmem>>
      %dma_start3A_300 = tpu.memref_squeeze %dma_start3A_299 : memref<1x128x128xf32, #tpu.memory_space<vmem>> -> memref<128x128xf32, #tpu.memory_space<vmem>>
      tpu.enqueue_dma source(%dma_start3A_300 : memref<128x128xf32, #tpu.memory_space<vmem>>) target(%dma_start3A_296 : memref<128x128xf32, #tpu.memory_space<hbm>>) target_semaphore(%run_scoped3A_288 : memref<!tpu.dma_semaphore, #tpu.memory_space<semaphore_mem>>)
      %dma_wait3A_301 = arith.constant 0 : i32
      %dma_wait3A_302 = arith.constant 0 : i32
      %dma_wait3A_303 = tpu.memref_slice %arg10[%run_scoped3A_233, %dma_wait3A_301, %dma_wait3A_302] : memref<2x128x128xf32, #tpu.memory_space<vmem>> -> memref<1x128x128xf32, #tpu.memory_space<vmem>>
      %dma_wait3A_304 = tpu.memref_squeeze %dma_wait3A_303 : memref<1x128x128xf32, #tpu.memory_space<vmem>> -> memref<128x128xf32, #tpu.memory_space<vmem>>
      %dma_wait3A_305 = arith.constant 0 : i32
      %dma_wait3A_306 = tpu.memref_slice %arg6[%add3A_232, %dma_wait3A_305] : memref<16384x128xf32, #tpu.memory_space<hbm>> -> memref<128x128xf32, #tpu.memory_space<hbm>>
      %dma_wait3A_307 = arith.constant 0 : i32
      %dma_wait3A_308 = tpu.memref_slice %arg6[%add3A_232, %dma_wait3A_307] : memref<16384x128xf32, #tpu.memory_space<hbm>> -> memref<128x128xf32, #tpu.memory_space<hbm>>
      %dma_wait3A_309 = arith.constant 0 : i32
      %dma_wait3A_310 = arith.constant 0 : i32
      %dma_wait3A_311 = tpu.memref_slice %arg10[%run_scoped3A_233, %dma_wait3A_309, %dma_wait3A_310] : memref<2x128x128xf32, #tpu.memory_space<vmem>> -> memref<1x128x128xf32, #tpu.memory_space<vmem>>
      %dma_wait3A_312 = tpu.memref_squeeze %dma_wait3A_311 : memref<1x128x128xf32, #tpu.memory_space<vmem>> -> memref<128x128xf32, #tpu.memory_space<vmem>>
      tpu.wait_dma2 semaphore(%run_scoped3A_288 : memref<!tpu.dma_semaphore, #tpu.memory_space<semaphore_mem>>) src(%dma_wait3A_312 : memref<128x128xf32, #tpu.memory_space<vmem>>) dst(%dma_wait3A_308 : memref<128x128xf32, #tpu.memory_space<hbm>>)
      tpu.yield
    }) : () -> ()
    %dma_wait3A_234 = arith.constant 2 : i32
    %dma_wait3A_235 = arith.constant 0 : i32
    %dma_wait3A_236 = arith.constant 0 : i32
    %dma_wait3A_237 = arith.constant 0 : i32
    %dma_wait3A_238 = arith.constant 0 : i32
    %dma_wait3A_239 = tpu.memref_slice %arg11[%dma_wait3A_235, %dma_wait3A_237, %dma_wait3A_238] : memref<2x128x128xf32, #tpu.memory_space<vmem>> -> memref<1x128x128xf32, #tpu.memory_space<vmem>>
    %dma_wait3A_240 = tpu.memref_squeeze %dma_wait3A_239 : memref<1x128x128xf32, #tpu.memory_space<vmem>> -> memref<128x128xf32, #tpu.memory_space<vmem>>
    %dma_wait3A_241 = arith.constant 0 : i32
    %dma_wait3A_242 = tpu.memref_slice %arg9[%dma_wait3A_234, %dma_wait3A_241] : memref<4x128xi32, #tpu.memory_space<vmem>> -> memref<1x128xi32, #tpu.memory_space<vmem>>
    %dma_wait3A_243 = tpu.memref_squeeze %dma_wait3A_242 : memref<1x128xi32, #tpu.memory_space<vmem>> -> memref<128xi32, #tpu.memory_space<vmem>>
    %dma_wait3A_244 = arith.constant 0 : i32
    %dma_wait3A_245 = arith.constant 0 : i32
    %dma_wait3A_246 = tpu.memref_slice %arg5[%dma_wait3A_244, %dma_wait3A_245] : memref<1000000x128xf32, #tpu.memory_space<hbm>> -> memref<1000000x128xf32, #tpu.memory_space<hbm>>
    %dma_wait3A_247 = tpu.memref_slice %arg13[%dma_wait3A_236] : memref<2x!tpu.dma_semaphore, #tpu.memory_space<semaphore_mem>> -> memref<1x!tpu.dma_semaphore, #tpu.memory_space<semaphore_mem>>
    %dma_wait3A_248 = tpu.memref_squeeze %dma_wait3A_247 : memref<1x!tpu.dma_semaphore, #tpu.memory_space<semaphore_mem>> -> memref<!tpu.dma_semaphore, #tpu.memory_space<semaphore_mem>>
    tpu.wait_indirect_dma semaphore(%dma_wait3A_248 : memref<!tpu.dma_semaphore, #tpu.memory_space<semaphore_mem>>) src(%dma_wait3A_246 : memref<1000000x128xf32, #tpu.memory_space<hbm>>) dst(%dma_wait3A_240 : memref<128x128xf32, #tpu.memory_space<vmem>>)
    %add3A_249 = arith.constant 256 : i32
    %add3A_250 = arith.addi %mul3A_2, %add3A_249 : i32
    %run_scoped3A_251 = arith.constant 0 : i32
    "tpu.region"() ({
      %run_scoped3A_288 = tpu.sem_alloc : memref<!tpu.dma_semaphore, #tpu.memory_space<semaphore_mem>>
      %dma_start3A_289 = arith.constant 0 : i32
      %dma_start3A_290 = arith.constant 0 : i32
      %dma_start3A_291 = tpu.memref_slice %arg11[%run_scoped3A_251, %dma_start3A_289, %dma_start3A_290] : memref<2x128x128xf32, #tpu.memory_space<vmem>> -> memref<1x128x128xf32, #tpu.memory_space<vmem>>
      %dma_start3A_292 = tpu.memref_squeeze %dma_start3A_291 : memref<1x128x128xf32, #tpu.memory_space<vmem>> -> memref<128x128xf32, #tpu.memory_space<vmem>>
      %dma_start3A_293 = arith.constant 0 : i32
      %dma_start3A_294 = tpu.memref_slice %arg7[%add3A_250, %dma_start3A_293] : memref<16384x128xf32, #tpu.memory_space<hbm>> -> memref<128x128xf32, #tpu.memory_space<hbm>>
      %dma_start3A_295 = arith.constant 0 : i32
      %dma_start3A_296 = tpu.memref_slice %arg7[%add3A_250, %dma_start3A_295] : memref<16384x128xf32, #tpu.memory_space<hbm>> -> memref<128x128xf32, #tpu.memory_space<hbm>>
      %dma_start3A_297 = arith.constant 0 : i32
      %dma_start3A_298 = arith.constant 0 : i32
      %dma_start3A_299 = tpu.memref_slice %arg11[%run_scoped3A_251, %dma_start3A_297, %dma_start3A_298] : memref<2x128x128xf32, #tpu.memory_space<vmem>> -> memref<1x128x128xf32, #tpu.memory_space<vmem>>
      %dma_start3A_300 = tpu.memref_squeeze %dma_start3A_299 : memref<1x128x128xf32, #tpu.memory_space<vmem>> -> memref<128x128xf32, #tpu.memory_space<vmem>>
      tpu.enqueue_dma source(%dma_start3A_300 : memref<128x128xf32, #tpu.memory_space<vmem>>) target(%dma_start3A_296 : memref<128x128xf32, #tpu.memory_space<hbm>>) target_semaphore(%run_scoped3A_288 : memref<!tpu.dma_semaphore, #tpu.memory_space<semaphore_mem>>)
      %dma_wait3A_301 = arith.constant 0 : i32
      %dma_wait3A_302 = arith.constant 0 : i32
      %dma_wait3A_303 = tpu.memref_slice %arg11[%run_scoped3A_251, %dma_wait3A_301, %dma_wait3A_302] : memref<2x128x128xf32, #tpu.memory_space<vmem>> -> memref<1x128x128xf32, #tpu.memory_space<vmem>>
      %dma_wait3A_304 = tpu.memref_squeeze %dma_wait3A_303 : memref<1x128x128xf32, #tpu.memory_space<vmem>> -> memref<128x128xf32, #tpu.memory_space<vmem>>
      %dma_wait3A_305 = arith.constant 0 : i32
      %dma_wait3A_306 = tpu.memref_slice %arg7[%add3A_250, %dma_wait3A_305] : memref<16384x128xf32, #tpu.memory_space<hbm>> -> memref<128x128xf32, #tpu.memory_space<hbm>>
      %dma_wait3A_307 = arith.constant 0 : i32
      %dma_wait3A_308 = tpu.memref_slice %arg7[%add3A_250, %dma_wait3A_307] : memref<16384x128xf32, #tpu.memory_space<hbm>> -> memref<128x128xf32, #tpu.memory_space<hbm>>
      %dma_wait3A_309 = arith.constant 0 : i32
      %dma_wait3A_310 = arith.constant 0 : i32
      %dma_wait3A_311 = tpu.memref_slice %arg11[%run_scoped3A_251, %dma_wait3A_309, %dma_wait3A_310] : memref<2x128x128xf32, #tpu.memory_space<vmem>> -> memref<1x128x128xf32, #tpu.memory_space<vmem>>
      %dma_wait3A_312 = tpu.memref_squeeze %dma_wait3A_311 : memref<1x128x128xf32, #tpu.memory_space<vmem>> -> memref<128x128xf32, #tpu.memory_space<vmem>>
      tpu.wait_dma2 semaphore(%run_scoped3A_288 : memref<!tpu.dma_semaphore, #tpu.memory_space<semaphore_mem>>) src(%dma_wait3A_312 : memref<128x128xf32, #tpu.memory_space<vmem>>) dst(%dma_wait3A_308 : memref<128x128xf32, #tpu.memory_space<hbm>>)
      tpu.yield
    }) : () -> ()
    %dma_wait3A_252 = arith.constant 3 : i32
    %dma_wait3A_253 = arith.constant 1 : i32
    %dma_wait3A_254 = arith.constant 1 : i32
    %dma_wait3A_255 = arith.constant 0 : i32
    %dma_wait3A_256 = arith.constant 0 : i32
    %dma_wait3A_257 = tpu.memref_slice %arg10[%dma_wait3A_253, %dma_wait3A_255, %dma_wait3A_256] : memref<2x128x128xf32, #tpu.memory_space<vmem>> -> memref<1x128x128xf32, #tpu.memory_space<vmem>>
    %dma_wait3A_258 = tpu.memref_squeeze %dma_wait3A_257 : memref<1x128x128xf32, #tpu.memory_space<vmem>> -> memref<128x128xf32, #tpu.memory_space<vmem>>
    %dma_wait3A_259 = arith.constant 0 : i32
    %dma_wait3A_260 = tpu.memref_slice %arg8[%dma_wait3A_252, %dma_wait3A_259] : memref<4x128xi32, #tpu.memory_space<vmem>> -> memref<1x128xi32, #tpu.memory_space<vmem>>
    %dma_wait3A_261 = tpu.memref_squeeze %dma_wait3A_260 : memref<1x128xi32, #tpu.memory_space<vmem>> -> memref<128xi32, #tpu.memory_space<vmem>>
    %dma_wait3A_262 = arith.constant 0 : i32
    %dma_wait3A_263 = arith.constant 0 : i32
    %dma_wait3A_264 = tpu.memref_slice %arg4[%dma_wait3A_262, %dma_wait3A_263] : memref<1000000x128xf32, #tpu.memory_space<hbm>> -> memref<1000000x128xf32, #tpu.memory_space<hbm>>
    %dma_wait3A_265 = tpu.memref_slice %arg12[%dma_wait3A_254] : memref<2x!tpu.dma_semaphore, #tpu.memory_space<semaphore_mem>> -> memref<1x!tpu.dma_semaphore, #tpu.memory_space<semaphore_mem>>
    %dma_wait3A_266 = tpu.memref_squeeze %dma_wait3A_265 : memref<1x!tpu.dma_semaphore, #tpu.memory_space<semaphore_mem>> -> memref<!tpu.dma_semaphore, #tpu.memory_space<semaphore_mem>>
    tpu.wait_indirect_dma semaphore(%dma_wait3A_266 : memref<!tpu.dma_semaphore, #tpu.memory_space<semaphore_mem>>) src(%dma_wait3A_264 : memref<1000000x128xf32, #tpu.memory_space<hbm>>) dst(%dma_wait3A_258 : memref<128x128xf32, #tpu.memory_space<vmem>>)
    %add3A_267 = arith.constant 384 : i32
    %add3A_268 = arith.addi %mul3A_2, %add3A_267 : i32
    %run_scoped3A_269 = arith.constant 1 : i32
    "tpu.region"() ({
      %run_scoped3A_288 = tpu.sem_alloc : memref<!tpu.dma_semaphore, #tpu.memory_space<semaphore_mem>>
      %dma_start3A_289 = arith.constant 0 : i32
      %dma_start3A_290 = arith.constant 0 : i32
      %dma_start3A_291 = tpu.memref_slice %arg10[%run_scoped3A_269, %dma_start3A_289, %dma_start3A_290] : memref<2x128x128xf32, #tpu.memory_space<vmem>> -> memref<1x128x128xf32, #tpu.memory_space<vmem>>
      %dma_start3A_292 = tpu.memref_squeeze %dma_start3A_291 : memref<1x128x128xf32, #tpu.memory_space<vmem>> -> memref<128x128xf32, #tpu.memory_space<vmem>>
      %dma_start3A_293 = arith.constant 0 : i32
      %dma_start3A_294 = tpu.memref_slice %arg6[%add3A_268, %dma_start3A_293] : memref<16384x128xf32, #tpu.memory_space<hbm>> -> memref<128x128xf32, #tpu.memory_space<hbm>>
      %dma_start3A_295 = arith.constant 0 : i32
      %dma_start3A_296 = tpu.memref_slice %arg6[%add3A_268, %dma_start3A_295] : memref<16384x128xf32, #tpu.memory_space<hbm>> -> memref<128x128xf32, #tpu.memory_space<hbm>>
      %dma_start3A_297 = arith.constant 0 : i32
      %dma_start3A_298 = arith.constant 0 : i32
      %dma_start3A_299 = tpu.memref_slice %arg10[%run_scoped3A_269, %dma_start3A_297, %dma_start3A_298] : memref<2x128x128xf32, #tpu.memory_space<vmem>> -> memref<1x128x128xf32, #tpu.memory_space<vmem>>
      %dma_start3A_300 = tpu.memref_squeeze %dma_start3A_299 : memref<1x128x128xf32, #tpu.memory_space<vmem>> -> memref<128x128xf32, #tpu.memory_space<vmem>>
      tpu.enqueue_dma source(%dma_start3A_300 : memref<128x128xf32, #tpu.memory_space<vmem>>) target(%dma_start3A_296 : memref<128x128xf32, #tpu.memory_space<hbm>>) target_semaphore(%run_scoped3A_288 : memref<!tpu.dma_semaphore, #tpu.memory_space<semaphore_mem>>)
      %dma_wait3A_301 = arith.constant 0 : i32
      %dma_wait3A_302 = arith.constant 0 : i32
      %dma_wait3A_303 = tpu.memref_slice %arg10[%run_scoped3A_269, %dma_wait3A_301, %dma_wait3A_302] : memref<2x128x128xf32, #tpu.memory_space<vmem>> -> memref<1x128x128xf32, #tpu.memory_space<vmem>>
      %dma_wait3A_304 = tpu.memref_squeeze %dma_wait3A_303 : memref<1x128x128xf32, #tpu.memory_space<vmem>> -> memref<128x128xf32, #tpu.memory_space<vmem>>
      %dma_wait3A_305 = arith.constant 0 : i32
      %dma_wait3A_306 = tpu.memref_slice %arg6[%add3A_268, %dma_wait3A_305] : memref<16384x128xf32, #tpu.memory_space<hbm>> -> memref<128x128xf32, #tpu.memory_space<hbm>>
      %dma_wait3A_307 = arith.constant 0 : i32
      %dma_wait3A_308 = tpu.memref_slice %arg6[%add3A_268, %dma_wait3A_307] : memref<16384x128xf32, #tpu.memory_space<hbm>> -> memref<128x128xf32, #tpu.memory_space<hbm>>
      %dma_wait3A_309 = arith.constant 0 : i32
      %dma_wait3A_310 = arith.constant 0 : i32
      %dma_wait3A_311 = tpu.memref_slice %arg10[%run_scoped3A_269, %dma_wait3A_309, %dma_wait3A_310] : memref<2x128x128xf32, #tpu.memory_space<vmem>> -> memref<1x128x128xf32, #tpu.memory_space<vmem>>
      %dma_wait3A_312 = tpu.memref_squeeze %dma_wait3A_311 : memref<1x128x128xf32, #tpu.memory_space<vmem>> -> memref<128x128xf32, #tpu.memory_space<vmem>>
      tpu.wait_dma2 semaphore(%run_scoped3A_288 : memref<!tpu.dma_semaphore, #tpu.memory_space<semaphore_mem>>) src(%dma_wait3A_312 : memref<128x128xf32, #tpu.memory_space<vmem>>) dst(%dma_wait3A_308 : memref<128x128xf32, #tpu.memory_space<hbm>>)
      tpu.yield
    }) : () -> ()
    %dma_wait3A_270 = arith.constant 3 : i32
    %dma_wait3A_271 = arith.constant 1 : i32
    %dma_wait3A_272 = arith.constant 1 : i32
    %dma_wait3A_273 = arith.constant 0 : i32
    %dma_wait3A_274 = arith.constant 0 : i32
    %dma_wait3A_275 = tpu.memref_slice %arg11[%dma_wait3A_271, %dma_wait3A_273, %dma_wait3A_274] : memref<2x128x128xf32, #tpu.memory_space<vmem>> -> memref<1x128x128xf32, #tpu.memory_space<vmem>>
    %dma_wait3A_276 = tpu.memref_squeeze %dma_wait3A_275 : memref<1x128x128xf32, #tpu.memory_space<vmem>> -> memref<128x128xf32, #tpu.memory_space<vmem>>
    %dma_wait3A_277 = arith.constant 0 : i32
    %dma_wait3A_278 = tpu.memref_slice %arg9[%dma_wait3A_270, %dma_wait3A_277] : memref<4x128xi32, #tpu.memory_space<vmem>> -> memref<1x128xi32, #tpu.memory_space<vmem>>
    %dma_wait3A_279 = tpu.memref_squeeze %dma_wait3A_278 : memref<1x128xi32, #tpu.memory_space<vmem>> -> memref<128xi32, #tpu.memory_space<vmem>>
    %dma_wait3A_280 = arith.constant 0 : i32
    %dma_wait3A_281 = arith.constant 0 : i32
    %dma_wait3A_282 = tpu.memref_slice %arg5[%dma_wait3A_280, %dma_wait3A_281] : memref<1000000x128xf32, #tpu.memory_space<hbm>> -> memref<1000000x128xf32, #tpu.memory_space<hbm>>
    %dma_wait3A_283 = tpu.memref_slice %arg13[%dma_wait3A_272] : memref<2x!tpu.dma_semaphore, #tpu.memory_space<semaphore_mem>> -> memref<1x!tpu.dma_semaphore, #tpu.memory_space<semaphore_mem>>
    %dma_wait3A_284 = tpu.memref_squeeze %dma_wait3A_283 : memref<1x!tpu.dma_semaphore, #tpu.memory_space<semaphore_mem>> -> memref<!tpu.dma_semaphore, #tpu.memory_space<semaphore_mem>>
    tpu.wait_indirect_dma semaphore(%dma_wait3A_284 : memref<!tpu.dma_semaphore, #tpu.memory_space<semaphore_mem>>) src(%dma_wait3A_282 : memref<1000000x128xf32, #tpu.memory_space<hbm>>) dst(%dma_wait3A_276 : memref<128x128xf32, #tpu.memory_space<vmem>>)
    %add3A_285 = arith.constant 384 : i32
    %add3A_286 = arith.addi %mul3A_2, %add3A_285 : i32
    %run_scoped3A_287 = arith.constant 1 : i32
    "tpu.region"() ({
      %run_scoped3A_288 = tpu.sem_alloc : memref<!tpu.dma_semaphore, #tpu.memory_space<semaphore_mem>>
      %dma_start3A_289 = arith.constant 0 : i32
      %dma_start3A_290 = arith.constant 0 : i32
      %dma_start3A_291 = tpu.memref_slice %arg11[%run_scoped3A_287, %dma_start3A_289, %dma_start3A_290] : memref<2x128x128xf32, #tpu.memory_space<vmem>> -> memref<1x128x128xf32, #tpu.memory_space<vmem>>
      %dma_start3A_292 = tpu.memref_squeeze %dma_start3A_291 : memref<1x128x128xf32, #tpu.memory_space<vmem>> -> memref<128x128xf32, #tpu.memory_space<vmem>>
      %dma_start3A_293 = arith.constant 0 : i32
      %dma_start3A_294 = tpu.memref_slice %arg7[%add3A_286, %dma_start3A_293] : memref<16384x128xf32, #tpu.memory_space<hbm>> -> memref<128x128xf32, #tpu.memory_space<hbm>>
      %dma_start3A_295 = arith.constant 0 : i32
      %dma_start3A_296 = tpu.memref_slice %arg7[%add3A_286, %dma_start3A_295] : memref<16384x128xf32, #tpu.memory_space<hbm>> -> memref<128x128xf32, #tpu.memory_space<hbm>>
      %dma_start3A_297 = arith.constant 0 : i32
      %dma_start3A_298 = arith.constant 0 : i32
      %dma_start3A_299 = tpu.memref_slice %arg11[%run_scoped3A_287, %dma_start3A_297, %dma_start3A_298] : memref<2x128x128xf32, #tpu.memory_space<vmem>> -> memref<1x128x128xf32, #tpu.memory_space<vmem>>
      %dma_start3A_300 = tpu.memref_squeeze %dma_start3A_299 : memref<1x128x128xf32, #tpu.memory_space<vmem>> -> memref<128x128xf32, #tpu.memory_space<vmem>>
      tpu.enqueue_dma source(%dma_start3A_300 : memref<128x128xf32, #tpu.memory_space<vmem>>) target(%dma_start3A_296 : memref<128x128xf32, #tpu.memory_space<hbm>>) target_semaphore(%run_scoped3A_288 : memref<!tpu.dma_semaphore, #tpu.memory_space<semaphore_mem>>)
      %dma_wait3A_301 = arith.constant 0 : i32
      %dma_wait3A_302 = arith.constant 0 : i32
      %dma_wait3A_303 = tpu.memref_slice %arg11[%run_scoped3A_287, %dma_wait3A_301, %dma_wait3A_302] : memref<2x128x128xf32, #tpu.memory_space<vmem>> -> memref<1x128x128xf32, #tpu.memory_space<vmem>>
      %dma_wait3A_304 = tpu.memref_squeeze %dma_wait3A_303 : memref<1x128x128xf32, #tpu.memory_space<vmem>> -> memref<128x128xf32, #tpu.memory_space<vmem>>
      %dma_wait3A_305 = arith.constant 0 : i32
      %dma_wait3A_306 = tpu.memref_slice %arg7[%add3A_286, %dma_wait3A_305] : memref<16384x128xf32, #tpu.memory_space<hbm>> -> memref<128x128xf32, #tpu.memory_space<hbm>>
      %dma_wait3A_307 = arith.constant 0 : i32
      %dma_wait3A_308 = tpu.memref_slice %arg7[%add3A_286, %dma_wait3A_307] : memref<16384x128xf32, #tpu.memory_space<hbm>> -> memref<128x128xf32, #tpu.memory_space<hbm>>
      %dma_wait3A_309 = arith.constant 0 : i32
      %dma_wait3A_310 = arith.constant 0 : i32
      %dma_wait3A_311 = tpu.memref_slice %arg11[%run_scoped3A_287, %dma_wait3A_309, %dma_wait3A_310] : memref<2x128x128xf32, #tpu.memory_space<vmem>> -> memref<1x128x128xf32, #tpu.memory_space<vmem>>
      %dma_wait3A_312 = tpu.memref_squeeze %dma_wait3A_311 : memref<1x128x128xf32, #tpu.memory_space<vmem>> -> memref<128x128xf32, #tpu.memory_space<vmem>>
      tpu.wait_dma2 semaphore(%run_scoped3A_288 : memref<!tpu.dma_semaphore, #tpu.memory_space<semaphore_mem>>) src(%dma_wait3A_312 : memref<128x128xf32, #tpu.memory_space<vmem>>) dst(%dma_wait3A_308 : memref<128x128xf32, #tpu.memory_space<hbm>>)
      tpu.yield
    }) : () -> ()
    return
  }
}

module attributes {stable_mosaic.version = 14 : i64} {
  func.func @_pack_body(%arg0: i32, %arg1: memref<32x16384xf32, #tpu.memory_space<vmem>>, %arg2: memref<32x16384xf32, #tpu.memory_space<vmem>>, %arg3: memref<4096x128xf32, #tpu.memory_space<vmem>>, %arg4: memref<4096x128xf32, #tpu.memory_space<vmem>>) attributes {dimension_semantics = [#tpu.dimension_semantics<arbitrary>], iteration_bounds = array<i64: 62>, scalar_prefetch = 0 : i64, scratch_operands = 0 : i64, tpu.core_type = #tpu.core_type<tc>, window_params = [{transform_indices = @transform_0, window_bounds = array<i64: 32, 16384>}, {transform_indices = @transform_1, window_bounds = array<i64: 32, 16384>}, {transform_indices = @transform_2, window_bounds = array<i64: 4096, 128>}, {transform_indices = @transform_3, window_bounds = array<i64: 4096, 128>}]} {
    %iota3A = tpu.iota {dimensions = array<i32: 0>} : vector<128x128xi32>
    %iota3A_0 = tpu.iota {dimensions = array<i32: 1>} : vector<128x128xi32>
    %add3A = arith.constant 0 : i32
    %add3A_1 = vector.broadcast %add3A : i32 to vector<128x128xi32>
    %add3A_2 = arith.addi %iota3A, %add3A_1 : vector<128x128xi32>
    %eq3A = arith.cmpi eq, %add3A_2, %iota3A_0 : vector<128x128xi32>
    %convert_element_type3A = arith.extui %eq3A : vector<128x128xi1> to vector<128x128xi32>
    %convert_element_type3A_3 = arith.sitofp %convert_element_type3A : vector<128x128xi32> to vector<128x128xf32>
    %mul3A = arith.constant 16384 : i32
    %mul3A_4 = arith.muli %arg0, %mul3A : i32
    %sub3A = arith.constant 1000000 : i32
    %sub3A_5 = arith.subi %sub3A, %mul3A_4 : i32
    %iota3A_6 = tpu.iota {dimensions = array<i32: 1>} : vector<32x16384xi32>
    %lt3A = vector.broadcast %sub3A_5 : i32 to vector<32x16384xi32>
    %lt3A_7 = arith.cmpi slt, %iota3A_6, %lt3A : vector<32x16384xi32>
    %get3A = arith.constant 0 : index
    %get3A_8 = arith.constant 0 : index
    %get3A_9 = vector.load %arg1[%get3A, %get3A_8] : memref<32x16384xf32, #tpu.memory_space<vmem>>, vector<32x16384xf32>
    %jit3A = arith.constant 0.000000e+00 : f32
    %broadcast_in_dim3A = vector.broadcast %jit3A : f32 to vector<32x16384xf32>
    %select_n3A = arith.select %lt3A_7, %get3A_9, %broadcast_in_dim3A : vector<32x16384xi1>, vector<32x16384xf32>
    %slice3A = vector.extract_strided_slice %select_n3A {offsets = [0, 0], sizes = [32, 4096], strides = [1, 1]} : vector<32x16384xf32> to vector<32x4096xf32>
    %slice3A_10 = vector.extract_strided_slice %select_n3A {offsets = [0, 4096], sizes = [32, 4096], strides = [1, 1]} : vector<32x16384xf32> to vector<32x4096xf32>
    %slice3A_11 = vector.extract_strided_slice %select_n3A {offsets = [0, 8192], sizes = [32, 4096], strides = [1, 1]} : vector<32x16384xf32> to vector<32x4096xf32>
    %slice3A_12 = vector.extract_strided_slice %select_n3A {offsets = [0, 12288], sizes = [32, 4096], strides = [1, 1]} : vector<32x16384xf32> to vector<32x4096xf32>
    %concatenate3A = tpu.concatenate %slice3A, %slice3A_10, %slice3A_11, %slice3A_12 in 0 : vector<32x4096xf32>, vector<32x4096xf32>, vector<32x4096xf32>, vector<32x4096xf32> -> vector<128x4096xf32>
    %dot_general3A = arith.constant dense<0.000000e+00> : vector<4096x128xf32>
    %dot_general3A_13 = tpu.matmul %concatenate3A, %convert_element_type3A_3, %dot_general3A {dimension_numbers = #tpu.dot_dimension_numbers<[0], [0], [1], [1], [0, 1, 1, 1], [], []>, transpose_lhs_hint = false} : vector<128x4096xf32>, vector<128x128xf32>, vector<4096x128xf32> -> vector<4096x128xf32>
    %swap3A = arith.constant 0 : index
    %swap3A_14 = arith.constant 0 : index
    %swap3A_15 = vector.load %arg3[%swap3A, %swap3A_14] : memref<4096x128xf32, #tpu.memory_space<vmem>>, vector<4096x128xf32>
    tpu.vector_store %arg3[%swap3A, %swap3A_14], %dot_general3A_13 {strides = array<i32>} : memref<4096x128xf32, #tpu.memory_space<vmem>>, vector<4096x128xf32>,
    %get3A_16 = arith.constant 0 : index
    %get3A_17 = arith.constant 0 : index
    %get3A_18 = vector.load %arg2[%get3A_16, %get3A_17] : memref<32x16384xf32, #tpu.memory_space<vmem>>, vector<32x16384xf32>
    %jit3A_19 = arith.constant 0.000000e+00 : f32
    %broadcast_in_dim3A_20 = vector.broadcast %jit3A_19 : f32 to vector<32x16384xf32>
    %select_n3A_21 = arith.select %lt3A_7, %get3A_18, %broadcast_in_dim3A_20 : vector<32x16384xi1>, vector<32x16384xf32>
    %slice3A_22 = vector.extract_strided_slice %select_n3A_21 {offsets = [0, 0], sizes = [32, 4096], strides = [1, 1]} : vector<32x16384xf32> to vector<32x4096xf32>
    %slice3A_23 = vector.extract_strided_slice %select_n3A_21 {offsets = [0, 4096], sizes = [32, 4096], strides = [1, 1]} : vector<32x16384xf32> to vector<32x4096xf32>
    %slice3A_24 = vector.extract_strided_slice %select_n3A_21 {offsets = [0, 8192], sizes = [32, 4096], strides = [1, 1]} : vector<32x16384xf32> to vector<32x4096xf32>
    %slice3A_25 = vector.extract_strided_slice %select_n3A_21 {offsets = [0, 12288], sizes = [32, 4096], strides = [1, 1]} : vector<32x16384xf32> to vector<32x4096xf32>
    %concatenate3A_26 = tpu.concatenate %slice3A_22, %slice3A_23, %slice3A_24, %slice3A_25 in 0 : vector<32x4096xf32>, vector<32x4096xf32>, vector<32x4096xf32>, vector<32x4096xf32> -> vector<128x4096xf32>
    %dot_general3A_27 = arith.constant dense<0.000000e+00> : vector<4096x128xf32>
    %dot_general3A_28 = tpu.matmul %concatenate3A_26, %convert_element_type3A_3, %dot_general3A_27 {dimension_numbers = #tpu.dot_dimension_numbers<[0], [0], [1], [1], [0, 1, 1, 1], [], []>, transpose_lhs_hint = false} : vector<128x4096xf32>, vector<128x128xf32>, vector<4096x128xf32> -> vector<4096x128xf32>
    %swap3A_29 = arith.constant 0 : index
    %swap3A_30 = arith.constant 0 : index
    %swap3A_31 = vector.load %arg4[%swap3A_29, %swap3A_30] : memref<4096x128xf32, #tpu.memory_space<vmem>>, vector<4096x128xf32>
    tpu.vector_store %arg4[%swap3A_29, %swap3A_30], %dot_general3A_28 {strides = array<i32>} : memref<4096x128xf32, #tpu.memory_space<vmem>>, vector<4096x128xf32>,
    return
  }
  func.func @transform_0(%arg0: i32) -> (i32, i32) {
    %c0_i32 = arith.constant 0 : i32
    %c0_i32_0 = arith.constant 0 : i32
    return %c0_i32, %arg0 : i32, i32
  }
  func.func @transform_1(%arg0: i32) -> (i32, i32) {
    %c0_i32 = arith.constant 0 : i32
    %c0_i32_0 = arith.constant 0 : i32
    return %c0_i32, %arg0 : i32, i32
  }
  func.func @transform_2(%arg0: i32) -> (i32, i32) {
    %c0_i32 = arith.constant 0 : i32
    %c0_i32_0 = arith.constant 0 : i32
    return %arg0, %c0_i32 : i32, i32
  }
  func.func @transform_3(%arg0: i32) -> (i32, i32) {
    %c0_i32 = arith.constant 0 : i32
    %c0_i32_0 = arith.constant 0 : i32
    return %arg0, %c0_i32 : i32, i32
  }
}

module attributes {stable_mosaic.version = 14 : i64} {
  func.func @_mlp_body(%arg0: i32, %arg1: memref<2048x128xf32, #tpu.memory_space<vmem>>, %arg2: memref<2048x128xf32, #tpu.memory_space<vmem>>, %arg3: memref<2048x32xf32, #tpu.memory_space<vmem>>, %arg4: memref<128x128xf32, #tpu.memory_space<vmem>>, %arg5: memref<128x128xf32, #tpu.memory_space<vmem>>, %arg6: memref<1x128xf32, #tpu.memory_space<vmem>>, %arg7: memref<128x64xf32, #tpu.memory_space<vmem>>, %arg8: memref<1x64xf32, #tpu.memory_space<vmem>>, %arg9: memref<64x32xf32, #tpu.memory_space<vmem>>, %arg10: memref<1x32xf32, #tpu.memory_space<vmem>>, %arg11: memref<32x1xf32, #tpu.memory_space<vmem>>, %arg12: memref<32x1xf32, #tpu.memory_space<vmem>>, %arg13: memref<1x1xf32, #tpu.memory_space<vmem>>, %arg14: memref<8x2048xf32, #tpu.memory_space<vmem>>) attributes {dimension_semantics = [#tpu.dimension_semantics<arbitrary>], iteration_bounds = array<i64: 8>, scalar_prefetch = 0 : i64, scratch_operands = 0 : i64, tpu.core_type = #tpu.core_type<tc>, window_params = [{transform_indices = @transform_0, window_bounds = array<i64: 2048, 128>}, {transform_indices = @transform_1, window_bounds = array<i64: 2048, 128>}, {transform_indices = @transform_2, window_bounds = array<i64: 2048, 32>}, {pipeline_mode = #tpu.pipeline_mode<synchronous>, transform_indices = @transform_3, window_bounds = array<i64: 128, 128>}, {pipeline_mode = #tpu.pipeline_mode<synchronous>, transform_indices = @transform_4, window_bounds = array<i64: 128, 128>}, {pipeline_mode = #tpu.pipeline_mode<synchronous>, transform_indices = @transform_5, window_bounds = array<i64: 1, 128>}, {pipeline_mode = #tpu.pipeline_mode<synchronous>, transform_indices = @transform_6, window_bounds = array<i64: 128, 64>}, {pipeline_mode = #tpu.pipeline_mode<synchronous>, transform_indices = @transform_7, window_bounds = array<i64: 1, 64>}, {pipeline_mode = #tpu.pipeline_mode<synchronous>, transform_indices = @transform_8, window_bounds = array<i64: 64, 32>}, {pipeline_mode = #tpu.pipeline_mode<synchronous>, transform_indices = @transform_9, window_bounds = array<i64: 1, 32>}, {pipeline_mode = #tpu.pipeline_mode<synchronous>, transform_indices = @transform_10, window_bounds = array<i64: 32, 1>}, {pipeline_mode = #tpu.pipeline_mode<synchronous>, transform_indices = @transform_11, window_bounds = array<i64: 32, 1>}, {pipeline_mode = #tpu.pipeline_mode<synchronous>, transform_indices = @transform_12, window_bounds = array<i64: 1, 1>}, {pipeline_mode = #tpu.pipeline_mode<synchronous>, transform_indices = @transform_13, window_bounds = array<i64: 8, 2048>}]} {
    %get3A = arith.constant 0 : index
    %get3A_0 = arith.constant 0 : index
    %get3A_1 = vector.load %arg1[%get3A, %get3A_0] : memref<2048x128xf32, #tpu.memory_space<vmem>>, vector<2048x128xf32>
    %get3A_2 = arith.constant 0 : index
    %get3A_3 = arith.constant 0 : index
    %get3A_4 = vector.load %arg4[%get3A_2, %get3A_3] : memref<128x128xf32, #tpu.memory_space<vmem>>, vector<128x128xf32>
    %dot_general3A = arith.constant dense<0.000000e+00> : vector<2048x128xf32>
    %dot_general3A_5 = tpu.matmul %get3A_1, %get3A_4, %dot_general3A {dimension_numbers = #tpu.dot_dimension_numbers<[1], [0], [0], [1], [0, 0, 1, 1], [], []>, transpose_lhs_hint = false} : vector<2048x128xf32>, vector<128x128xf32>, vector<2048x128xf32> -> vector<2048x128xf32>
    %get3A_6 = arith.constant 0 : index
    %get3A_7 = arith.constant 0 : index
    %get3A_8 = vector.load %arg2[%get3A_6, %get3A_7] : memref<2048x128xf32, #tpu.memory_space<vmem>>, vector<2048x128xf32>
    %get3A_9 = arith.constant 0 : index
    %get3A_10 = arith.constant 0 : index
    %get3A_11 = vector.load %arg5[%get3A_9, %get3A_10] : memref<128x128xf32, #tpu.memory_space<vmem>>, vector<128x128xf32>
    %dot_general3A_12 = arith.constant dense<0.000000e+00> : vector<2048x128xf32>
    %dot_general3A_13 = tpu.matmul %get3A_8, %get3A_11, %dot_general3A_12 {dimension_numbers = #tpu.dot_dimension_numbers<[1], [0], [0], [1], [0, 0, 1, 1], [], []>, transpose_lhs_hint = false} : vector<2048x128xf32>, vector<128x128xf32>, vector<2048x128xf32> -> vector<2048x128xf32>
    %add3A = arith.addf %dot_general3A_5, %dot_general3A_13 : vector<2048x128xf32>
    %get3A_14 = arith.constant 0 : index
    %get3A_15 = arith.constant 0 : index
    %get3A_16 = vector.load %arg6[%get3A_14, %get3A_15] : memref<1x128xf32, #tpu.memory_space<vmem>>, vector<1x128xf32>
    %add3A_17 = vector.broadcast %get3A_16 : vector<1x128xf32> to vector<2048x128xf32>
    %add3A_18 = arith.addf %add3A, %add3A_17 : vector<2048x128xf32>
    %max3A = arith.constant 0.000000e+00 : f32
    %max3A_19 = vector.broadcast %max3A : f32 to vector<2048x128xf32>
    %max3A_20 = arith.maximumf %add3A_18, %max3A_19 : vector<2048x128xf32>
    %get3A_21 = arith.constant 0 : index
    %get3A_22 = arith.constant 0 : index
    %get3A_23 = vector.load %arg7[%get3A_21, %get3A_22] : memref<128x64xf32, #tpu.memory_space<vmem>>, vector<128x64xf32>
    %dot_general3A_24 = arith.constant dense<0.000000e+00> : vector<2048x64xf32>
    %dot_general3A_25 = tpu.matmul %max3A_20, %get3A_23, %dot_general3A_24 {dimension_numbers = #tpu.dot_dimension_numbers<[1], [0], [0], [1], [0, 0, 1, 1], [], []>, transpose_lhs_hint = false} : vector<2048x128xf32>, vector<128x64xf32>, vector<2048x64xf32> -> vector<2048x64xf32>
    %get3A_26 = arith.constant 0 : index
    %get3A_27 = arith.constant 0 : index
    %get3A_28 = vector.load %arg8[%get3A_26, %get3A_27] : memref<1x64xf32, #tpu.memory_space<vmem>>, vector<1x64xf32>
    %add3A_29 = vector.broadcast %get3A_28 : vector<1x64xf32> to vector<2048x64xf32>
    %add3A_30 = arith.addf %dot_general3A_25, %add3A_29 : vector<2048x64xf32>
    %max3A_31 = arith.constant 0.000000e+00 : f32
    %max3A_32 = vector.broadcast %max3A_31 : f32 to vector<2048x64xf32>
    %max3A_33 = arith.maximumf %add3A_30, %max3A_32 : vector<2048x64xf32>
    %get3A_34 = arith.constant 0 : index
    %get3A_35 = arith.constant 0 : index
    %get3A_36 = vector.load %arg9[%get3A_34, %get3A_35] : memref<64x32xf32, #tpu.memory_space<vmem>>, vector<64x32xf32>
    %dot_general3A_37 = arith.constant dense<0.000000e+00> : vector<2048x32xf32>
    %dot_general3A_38 = tpu.matmul %max3A_33, %get3A_36, %dot_general3A_37 {dimension_numbers = #tpu.dot_dimension_numbers<[1], [0], [0], [1], [0, 0, 1, 1], [], []>, transpose_lhs_hint = false} : vector<2048x64xf32>, vector<64x32xf32>, vector<2048x32xf32> -> vector<2048x32xf32>
    %get3A_39 = arith.constant 0 : index
    %get3A_40 = arith.constant 0 : index
    %get3A_41 = vector.load %arg10[%get3A_39, %get3A_40] : memref<1x32xf32, #tpu.memory_space<vmem>>, vector<1x32xf32>
    %add3A_42 = vector.broadcast %get3A_41 : vector<1x32xf32> to vector<2048x32xf32>
    %add3A_43 = arith.addf %dot_general3A_38, %add3A_42 : vector<2048x32xf32>
    %max3A_44 = arith.constant 0.000000e+00 : f32
    %max3A_45 = vector.broadcast %max3A_44 : f32 to vector<2048x32xf32>
    %max3A_46 = arith.maximumf %add3A_43, %max3A_45 : vector<2048x32xf32>
    %get3A_47 = arith.constant 0 : index
    %get3A_48 = arith.constant 0 : index
    %get3A_49 = vector.load %arg11[%get3A_47, %get3A_48] : memref<32x1xf32, #tpu.memory_space<vmem>>, vector<32x1xf32>
    %get3A_50 = arith.constant 0 : index
    %get3A_51 = arith.constant 0 : index
    %get3A_52 = vector.load %arg3[%get3A_50, %get3A_51] : memref<2048x32xf32, #tpu.memory_space<vmem>>, vector<2048x32xf32>
    %dot_general3A_53 = arith.constant dense<0.000000e+00> : vector<1x2048xf32>
    %dot_general3A_54 = tpu.matmul %get3A_49, %get3A_52, %dot_general3A_53 {dimension_numbers = #tpu.dot_dimension_numbers<[0], [1], [1], [0], [0, 1, 1, 0], [], []>, transpose_lhs_hint = false} : vector<32x1xf32>, vector<2048x32xf32>, vector<1x2048xf32> -> vector<1x2048xf32>
    %get3A_55 = arith.constant 0 : index
    %get3A_56 = arith.constant 0 : index
    %get3A_57 = vector.load %arg12[%get3A_55, %get3A_56] : memref<32x1xf32, #tpu.memory_space<vmem>>, vector<32x1xf32>
    %dot_general3A_58 = arith.constant dense<0.000000e+00> : vector<1x2048xf32>
    %dot_general3A_59 = tpu.matmul %get3A_57, %max3A_46, %dot_general3A_58 {dimension_numbers = #tpu.dot_dimension_numbers<[0], [1], [1], [0], [0, 1, 1, 0], [], []>, transpose_lhs_hint = false} : vector<32x1xf32>, vector<2048x32xf32>, vector<1x2048xf32> -> vector<1x2048xf32>
    %add3A_60 = arith.addf %dot_general3A_54, %dot_general3A_59 : vector<1x2048xf32>
    %get3A_61 = arith.constant 0 : index
    %get3A_62 = arith.constant 0 : index
    %get3A_63 = vector.load %arg13[%get3A_61, %get3A_62] : memref<1x1xf32, #tpu.memory_space<vmem>>, vector<1x1xf32>
    %add3A_64 = vector.broadcast %get3A_63 : vector<1x1xf32> to vector<1x2048xf32>
    %add3A_65 = arith.addf %add3A_60, %add3A_64 : vector<1x2048xf32>
    %swap3A = arith.index_cast %arg0 : i32 to index
    %swap3A_66 = arith.constant 0 : index
    %swap3A_67 = vector.load %arg14[%swap3A, %swap3A_66] : memref<8x2048xf32, #tpu.memory_space<vmem>>, vector<1x2048xf32>
    tpu.vector_store %arg14[%swap3A, %swap3A_66], %add3A_65 {strides = array<i32>} : memref<8x2048xf32, #tpu.memory_space<vmem>>, vector<1x2048xf32>,
    return
  }
  func.func @transform_0(%arg0: i32) -> (i32, i32) {
    %c0_i32 = arith.constant 0 : i32
    %c0_i32_0 = arith.constant 0 : i32
    return %arg0, %c0_i32 : i32, i32
  }
  func.func @transform_1(%arg0: i32) -> (i32, i32) {
    %c0_i32 = arith.constant 0 : i32
    %c0_i32_0 = arith.constant 0 : i32
    return %arg0, %c0_i32 : i32, i32
  }
  func.func @transform_2(%arg0: i32) -> (i32, i32) {
    %c0_i32 = arith.constant 0 : i32
    %c0_i32_0 = arith.constant 0 : i32
    return %arg0, %c0_i32 : i32, i32
  }
  func.func @transform_3(%arg0: i32) -> (i32, i32) {
    %c0_i32 = arith.constant 0 : i32
    %c0_i32_0 = arith.constant 0 : i32
    %c0_i32_1 = arith.constant 0 : i32
    return %c0_i32, %c0_i32_0 : i32, i32
  }
  func.func @transform_4(%arg0: i32) -> (i32, i32) {
    %c0_i32 = arith.constant 0 : i32
    %c0_i32_0 = arith.constant 0 : i32
    %c0_i32_1 = arith.constant 0 : i32
    return %c0_i32, %c0_i32_0 : i32, i32
  }
  func.func @transform_5(%arg0: i32) -> (i32, i32) {
    %c0_i32 = arith.constant 0 : i32
    %c0_i32_0 = arith.constant 0 : i32
    %c0_i32_1 = arith.constant 0 : i32
    return %c0_i32, %c0_i32_0 : i32, i32
  }
  func.func @transform_6(%arg0: i32) -> (i32, i32) {
    %c0_i32 = arith.constant 0 : i32
    %c0_i32_0 = arith.constant 0 : i32
    %c0_i32_1 = arith.constant 0 : i32
    return %c0_i32, %c0_i32_0 : i32, i32
  }
  func.func @transform_7(%arg0: i32) -> (i32, i32) {
    %c0_i32 = arith.constant 0 : i32
    %c0_i32_0 = arith.constant 0 : i32
    %c0_i32_1 = arith.constant 0 : i32
    return %c0_i32, %c0_i32_0 : i32, i32
  }
  func.func @transform_8(%arg0: i32) -> (i32, i32) {
    %c0_i32 = arith.constant 0 : i32
    %c0_i32_0 = arith.constant 0 : i32
    %c0_i32_1 = arith.constant 0 : i32
    return %c0_i32, %c0_i32_0 : i32, i32
  }
  func.func @transform_9(%arg0: i32) -> (i32, i32) {
    %c0_i32 = arith.constant 0 : i32
    %c0_i32_0 = arith.constant 0 : i32
    %c0_i32_1 = arith.constant 0 : i32
    return %c0_i32, %c0_i32_0 : i32, i32
  }
  func.func @transform_10(%arg0: i32) -> (i32, i32) {
    %c0_i32 = arith.constant 0 : i32
    %c0_i32_0 = arith.constant 0 : i32
    %c0_i32_1 = arith.constant 0 : i32
    return %c0_i32, %c0_i32_0 : i32, i32
  }
  func.func @transform_11(%arg0: i32) -> (i32, i32) {
    %c0_i32 = arith.constant 0 : i32
    %c0_i32_0 = arith.constant 0 : i32
    %c0_i32_1 = arith.constant 0 : i32
    return %c0_i32, %c0_i32_0 : i32, i32
  }
  func.func @transform_12(%arg0: i32) -> (i32, i32) {
    %c0_i32 = arith.constant 0 : i32
    %c0_i32_0 = arith.constant 0 : i32
    %c0_i32_1 = arith.constant 0 : i32
    return %c0_i32, %c0_i32_0 : i32, i32
  }
  func.func @transform_13(%arg0: i32) -> (i32, i32) {
    %c0_i32 = arith.constant 0 : i32
    %c0_i32_0 = arith.constant 0 : i32
    %c0_i32_1 = arith.constant 0 : i32
    return %c0_i32, %c0_i32_0 : i32, i32
  }
}

</mosaic_0001>

<sc_bundles>
// kernel: kernel.6.cloned.1.call-start
scs
__scs_entry_jumppad:
0x0: {  	(pc) =	sbr.rel $0x88, $3  }
0x1: {  	(tag) =	ssettag $0x0;
	lr =	simm.s32 $0x1  }
0x2: {  	[smem:$0x3F93] =	sst lr;
	_ =	strace $0xD0000000  }
0x3: {  	_ = 	snop  }
0x4: {  	_ = 	snop  }
0x5: {  	_ = 	snop  }
0x6: {  	_ = 	snop  }
0x7: {  	_ = 	snop  }
__scs_overlays_trampoline_lowered:
0x8: {  	[smem:$0x3FA2] =	sst s0  }
0x9: {  	[smem:$0x3FA3] =	sst s1  }
0xa: {  	[smem:$0x3FA4] =	sst s2  }
0xb: {  	[smem:$0x3FA5] =	sst s3  }
0xc: {  	[smem:$0x3FA6] =	sst s4  }
0xd: {  	[smem:$0x3FA7] =	sst s5  }
0xe: {  	[smem:$0x3FA8] =	sst s6  }
0xf: {  	[smem:$0x3FA9] =	sst s7  }
0x10: {  	[smem:$0x3FAA] =	sst s8  }
0x11: {  	[smem:$0x3FAB] =	sst s9;
	s0 =	simm.s32 @!p0 $0x0  }
0x12: {  	s1 =	sld [smem:$0x3F91];
	s0 =	simm.s32 @p0 $0x1  }
0x13: {  	[smem:$0x3FAC] =	sst s0;
	s0 =	simm.s32 @!p1 $0x0  }
0x14: {  	s2 =	sld [smem:$0x3F90];
	s0 =	simm.s32 @p1 $0x1  }
0x15: {  	[smem:$0x3FAD] =	sst s0;
	s0 =	simm.s32 @!p2 $0x0  }
0x16: {  	s3 =	sld [smem:$0x3FDB];
	s0 =	simm.s32 @p2 $0x1  }
0x17: {  	s4 =	simm.s32 $0x1BF5;
	[smem:$0x3FAF] =	sst s0  }
0x18: {  	s0 =	sld [smem:$0x3F92];
	_ =	swait.ge [sflag:s4], $0x0  }
0x19: {  	s7 =	sld [smem:$0x3F93]  }
0x1a: {  	s8 =	sadd.s32 $0xFFFFE003, lr  }
0x1b: {  	s9 =	sadd.s32 $0xFFFFFEF7, lr;
	s5 =	simm.s32 $0xFFFFFFFF;
	p2 =	slt.u32 s8, $0xFFFFF086  }
0x1c: {  	p1 =	slt.u32 s9, $0xF7A;
	s5 =	simm.s32 @!p2 $0x0  }
0x1d: {  	s5 =	simm.s32 @p1 $0x1;
	p0 =	seq.s32 s7, s2  }
0x1e: {  	s7 =	smul.u32 @!p0 $0xF7A, s2;
	p2 =	seq.s32 @!p0 s5, $0x0  }
0x1f: {  	s9 =	smul.u32 $0xF7A, s1;
	s8 =	simm.s32 @!p0 $0x1BF5;
	p2 =	por !p2, p0  }
0x20: {  	[sflag:s8] =	ssyncset.s32 @!p0 $0xFFFFF086;
	s6 =	sadd.s32 @!p0 s3, s7;
	s7 =	simm.s32 @!p0 $0x108  }
0x21: {  	s3 =	sadd.s32 s3, s9;
	s6 =	sadd.s32 @!p0 $0x88, s6;
	s7 =	simm.s32 @p2 $0x1082  }
0x22: {  	[simem:s7], [sflag:s8] =	dma.local @!p0 [hbm:s6], $0xF7A  }
0x23: {  	s9 =	sor.u32 $0xD0000000, s2;
	s6 =	simm.s32 $0x108;
	_ =	swait.ge @!p0 [sflag:s8], $0x0  }
0x24: {  	s3 =	sadd.s32 $0x88, s3;
	s6 =	simm.s32 @!p1 $0x1082;
	[sflag:s4] =	ssyncset.s32 $0xFFFFF086  }
0x25: {  	[simem:s6], [sflag:s4] =	dma.local [hbm:s3], $0xF7A  }
0x26: {  	[smem:$0x3F93] =	sst s1;
	(tag) =	ssettag s2;
	_ =	strace s9  }
0x27: {  	s1 =	sld [smem:$0x3FA3]  }
0x28: {  	s2 =	sld [smem:$0x3FA4]  }
0x29: {  	s4 =	sld [smem:$0x3FA6]  }
0x2a: {  	p0 =	seq.s32 s5, $0x0;
	s5 =	sld [smem:$0x3FA7]  }
0x2b: {  	s6 =	sld [smem:$0x3FA8]  }
0x2c: {  	s7 =	sld [smem:$0x3FA9]  }
0x2d: {  	s3 =	simm.s32 $0x108;
	s8 =	sld [smem:$0x3FAA]  }
0x2e: {  	s3 =	simm.s32 @!p0 $0x1082;
	s9 =	sld [smem:$0x3FAB]  }
0x2f: {  	lr =	sadd.s32 s0, s3;
	s0 =	sld [smem:$0x3FA2]  }
0x30: {  	s3 =	sld [smem:$0x3FA5]  }
0x31: {  	[smem:$0x3FAE] =	sst s10  }
0x32: {  	s10 =	sld [smem:$0x3FAC];
	_ =	sdelay $0x3  }
0x33: {  	p0 =	seq.s32 s10, $0x1;
	s10 =	sld [smem:$0x3FAE];
	_ =	sdelay $0x3  }
0x34: {  	[smem:$0x3FAE] =	sst s10  }
0x35: {  	s10 =	sld [smem:$0x3FAD];
	_ =	sdelay $0x3  }
0x36: {  	p1 =	seq.s32 s10, $0x1;
	s10 =	sld [smem:$0x3FAE];
	_ =	sdelay $0x3  }
0x37: {  	[smem:$0x3FAE] =	sst s10  }
0x38: {  	s10 =	sld [smem:$0x3FAF]  }
0x39: {  	_ = 	snop;
	(pc) =	sbr.ind lr, $3  }
0x3a: {  	_ = 	snop  }
0x3b: {  	_ = 	snop  }
0x3c: {  	p2 =	seq.s32 s10, $0x1;
	s10 =	sld [smem:$0x3FAE]  }
0x3d: {  	_ =	shalt  }
0x3e: {  	_ =	shalt  }
0x3f: {  	_ =	shalt  }
0x40: {  	_ =	shalt  }
0x41: {  	_ =	shalt  }
0x42: {  	_ =	shalt  }
0x43: {  	_ =	shalt  }
0x44: {  	_ =	shalt  }
0x45: {  	_ =	shalt  }
0x46: {  	_ =	shalt  }
0x47: {  	_ =	shalt  }
0x48: {  	_ =	shalt  }
0x49: {  	_ =	shalt  }
0x4a: {  	_ =	shalt  }
0x4b: {  	_ =	shalt  }
0x4c: {  	_ =	shalt  }
0x4d: {  	_ =	shalt  }
0x4e: {  	_ =	shalt  }
0x4f: {  	_ =	shalt  }
0x50: {  	_ =	shalt  }
0x51: {  	_ =	shalt  }
0x52: {  	_ =	shalt  }
0x53: {  	_ =	shalt  }
0x54: {  	_ =	shalt  }
0x55: {  	_ =	shalt  }
0x56: {  	_ =	shalt  }
0x57: {  	_ =	shalt  }
0x58: {  	_ =	shalt  }
0x59: {  	_ =	shalt  }
0x5a: {  	_ =	shalt  }
0x5b: {  	_ =	shalt  }
0x5c: {  	_ =	shalt  }
0x5d: {  	_ =	shalt  }
0x5e: {  	_ =	shalt  }
0x5f: {  	_ =	shalt  }
0x60: {  	_ =	shalt  }
0x61: {  	_ =	shalt  }
0x62: {  	_ =	shalt  }
0x63: {  	_ =	shalt  }
0x64: {  	_ =	shalt  }
0x65: {  	_ =	shalt  }
0x66: {  	_ =	shalt  }
0x67: {  	_ =	shalt  }
0x68: {  	_ =	shalt  }
0x69: {  	_ =	shalt  }
0x6a: {  	_ =	shalt  }
0x6b: {  	_ =	shalt  }
0x6c: {  	_ =	shalt  }
0x6d: {  	_ =	shalt  }
0x6e: {  	_ =	shalt  }
0x6f: {  	_ =	shalt  }
0x70: {  	_ =	shalt  }
0x71: {  	_ =	shalt  }
0x72: {  	_ =	shalt  }
0x73: {  	_ =	shalt  }
0x74: {  	_ =	shalt  }
0x75: {  	_ =	shalt  }
0x76: {  	_ =	shalt  }
0x77: {  	_ =	shalt  }
0x78: {  	_ =	shalt  }
0x79: {  	_ =	shalt  }
0x7a: {  	_ =	shalt  }
0x7b: {  	_ =	shalt  }
0x7c: {  	_ =	shalt  }
0x7d: {  	_ =	shalt  }
0x7e: {  	_ =	shalt  }
0x7f: {  	_ =	shalt  }
0x80: {  	_ =	shalt  }
0x81: {  	_ =	shalt  }
0x82: {  	_ =	shalt  }
0x83: {  	_ =	shalt  }
0x84: {  	_ =	shalt  }
0x85: {  	_ =	shalt  }
0x86: {  	_ =	shalt  }
0x87: {  	_ =	shalt  }
.Lfunc_end0:
.L_simem_size_0:
called_computation_lowered:
.L_overlay_start_0:
0x88: {  	s2 =	sld [smem:$0x3FD9]  }
0x89: {  	s3 =	sld [smem:$0x3FFE];
	_ =	sdelay $0x1  }
0x8a: {  	s1 =	srdreg.scid  }
0x8b: {  	s0 =	sand.u32 $0x1, s1  }
0x8c: {  	s17 =	sshll.u32 s0, $0xA;
	s2 =	sadd.s32 s3, s2  }
0x8d: {  	s2 =	sadd.s32 s2, s17  }
0x8e: {  	[smem:$0x3FBA] =	sst s2  }
0x8f: {  	_ = 	snop  }
0x90: {  	s18 =	sld [smem:$0x3FC9]  }
0x91: {  	s4 =	sld [smem:$0x3FC8]  }
0x92: {  	s5 =	sld [smem:$0x3FC5]  }
0x93: {  	s6 =	sld [smem:$0x3FC4];
	(tm) =	ssettm $0x1  }
0x94: {  	s19 =	sld [smem:$0x3FFB];
	_ =	sdelay $0x3  }
0x95: {  	_ =	strace s19  }
0x96: {  	s2 =	sld [smem:$0x3FFC];
	_ =	sdelay $0x3  }
0x97: {  	_ =	strace s2  }
0x98: {  	s2 =	sld [smem:$0x3FFD];
	_ =	sdelay $0x3  }
0x99: {  	_ =	strace s2  }
0x9a: {  	_ =	strace $0x8FFFFFFF  }
0x9b: {  	s20 =	sld [smem:$0x3FDB];
	_ =	sdelay $0x1  }
0x9c: {  	s7 =	simm.s32 $_scs_section_size  }
0x9d: {  	s8 =	simm.s32 $_size__tile_overlayer_lowered;
	s9 =	simm.s32 $_tile_overlayer_lowered  }
0x9e: {  	s10 =	simm.s32 $0x1BFF;
	s21 =	sshll.u32 s9, $0x1;
	s7 =	sadd.s32 s7, s20  }
0x9f: {  	s22 =	simm.s32 $0x0;
	s8 =	sshll.u32 s8, $0x1;
	s9 =	sadd.s32 s21, s7  }
0xa0: {  	[timem:s22], [sflag:s10] =	dma.local [hbm:s9], s8  }
0xa1: {  	_ =	swait.ge [sflag:s10], s8  }
0xa2: {  	s8 =	ssub.s32 $0x0, s8;
	[sflag:s10] =	ssyncset.done $0x0  }
0xa3: {  	[sflag:s10] =	ssyncadd.s32 s8;
	_ =	sdelay $0x1  }
0xa4: {  	s23 =	simm.s32 $0x1B8B  }
0xa5: {  	_ =	swait.ge [sflag:s23], $0x1  }
0xa6: {  	[sflag:s23] =	ssyncset.done $0x0  }
0xa7: {  	[sflag:s23] =	ssyncadd.s32 $0xFFFFFFFF  }
0xa8: {  	s8 =	sld [smem:$0x0]  }
0xa9: {  	s9 =	sand.u32 $0xFFFFFFFE, s1  }
0xaa: {  	p0 =	sne.s32 s1, s9  }
0xab: {  	s9 =	sshll.u32 @p0 s9, $0xE  }
0xac: {  	s9 =	sadd.s32 @p0 $0x11B8D, s9;
	s10 =	sshll.u32 @p0 s8, $0x11  }
0xad: {  	s9 =	sor.u32 @p0 s10, s9  }
0xae: {  	[sflag:s9] =	ssyncadd.remote.s32 @p0 $0x1;
	_ =	sdelay $0x1  }
0xaf: {  	s9 =	simm.s32 @p0 $0x1B8D  }
0xb0: {  	_ =	swait.eq @p0 [sflag:s9], $0x1  }
0xb1: {  	[sflag:s9] =	ssyncadd.s32 @p0 $0xFFFFFFFF  }
0xb2: {  	s10 =	sshll.u32 @!p0 s1, $0xE  }
0xb3: {  	s10 =	sor.u32 @!p0 $0x4000, s10;
	s9 =	simm.s32 @!p0 $0x1B8D  }
0xb4: {  	s8 =	sshll.u32 @!p0 s8, $0x11;
	s10 =	sadd.s32 @!p0 $0x11B8D, s10;
	_ =	swait.eq @!p0 [sflag:s9], $0x1  }
0xb5: {  	s8 =	sor.u32 @!p0 s8, s10;
	[sflag:s9] =	ssyncadd.s32 @!p0 $0xFFFFFFFF  }
0xb6: {  	s25 =	simm.s32 $0x1B8E;
	s24 =	sld [smem:$0x3FFE];
	[sflag:s8] =	ssyncadd.remote.s32 @!p0 $0x1  }
0xb7: {  	s26 =	simm.s32 $execute0_lowered;
	[smem:$0x3FD2] =	sst s25  }
0xb8: {  	s9 =	sshll.u32 s26, $0x1;
	_ =	strace $0x80000049;
	[dreg:$0x1] =	wrdreg $0xFFFFFFFF  }
0xb9: {  	s28 =	simm.s32 $_size_execute0_lowered;
	s7 =	sadd.s32 s7, s9;
	[dreg:$0x0] =	wrdreg $0x0  }
0xba: {  	s9 =	sshll.u32 s28, $0x1;
	[dreg:$0x2] =	wrdreg s7  }
0xbb: {  	[dreg:$0x3] =	wrdreg s9  }
0xbc: {  	[dreg:$0x4] =	wrdreg $0xC0  }
0xbd: {  	_ =	task [dreg:s22], $0x5FFFF  }
0xbe: {  	[dreg:$0x1] =	wrdreg $0xFFFFFFFF  }
0xbf: {  	[dreg:$0x0] =	wrdreg $0x60  }
0xc0: {  	[dreg:$0x2] =	wrdreg s18  }
0xc1: {  	[dreg:$0x3] =	wrdreg s4  }
0xc2: {  	[dreg:$0x4] =	wrdreg s5  }
0xc3: {  	[dreg:$0x5] =	wrdreg s6  }
0xc4: {  	[dreg:$0x6] =	wrdreg s24  }
0xc5: {  	[dreg:$0x7] =	wrdreg $0x9  }
0xc6: {  	_ =	task.clear_ibuf [dreg:s22], $0x8FFFF;
	_ =	strace $0x90000049  }
0xc7: {  	s29 =	simm.s32 $0x9;
	_ =	strace $0x8000004B  }
0xc8: {  	_ =	swait.ge [sflag:s29], $0x1  }
0xc9: {  	[sflag:s29] =	ssyncadd.s32 $0xFFFFFFFF  }
0xca: {  	_ =	strace $0x9000004B  }
0xcb: {  	_ =	sfence  }
0xcc: {  	s30 =	sld [smem:$0x0];
	_ =	sdelay $0x2  }
0xcd: {  	s31 =	sshll.u32 s1, $0xD;
	s1 =	sshrl.u32 s1, $0x2  }
0xce: {  	s4 =	sand.u32 $0x4000, s31;
	s1 =	sadd.s32 s1, s30  }
0xcf: {  	s0 =	sor.u32 s4, s0;
	s1 =	sshll.u32 s1, $0x11  }
0xd0: {  	s0 =	sor.u32 s1, s0  }
0xd1: {  	s0 =	sadd.s32 $0x8F2B, s0  }
0xd2: {  	[sflag:s0] =	ssyncadd.remote.s32 $0x1  }
0xd3: {  	_ =	sfence.sel $0xFFFF  }
0xd4: {  	[dreg:$0x0] =	wrdreg $0xFFFFFFFF;
	(pc) =	sbr.abs _section_cstart, $3  }
0xd5: {  	[dreg:$0x1] =	wrdreg $0xFFFFFFFF  }
0xd6: {  	_ =	task.clear_ibuf [dreg:s22], $0x2FFFF;
	_ =	strace $0x9FFFFFFF  }
0xd7: {  	(tm) =	ssettm $0x7FFFFFFF  }
tec
execute0_lowered:
.L_overlay_start_1:
0x0: {  	(tag) =	ssettag $0x1  }
0x1: {  	s0 =	rddreg [dreg:$0x0]  }
0x2: {  	s1 =	rddreg [dreg:$0x1]  }
0x3: {  	s3 =	rddreg [dreg:$0x2]  }
0x4: {  	s4 =	rddreg [dreg:$0x3]  }
0x5: {  	s5 =	rddreg [dreg:$0x4]  }
0x6: {  	s2 =	simm.s32 $0x0;
	s6 =	srdreg.scid;
	s7 =	stileid.u32  }
0x7: {  	s30 =	simm.s32 $0x200;
	s31 =	simm.s32 $0x280;
	p0 =	por $0x0, $0x0  }
0x8: {  	[smem:$0x7FF] =	sst s2;
	s6 =	sand.u32 $0x1, s6;
	s7 =	sshll.u32 s7, $0xA  }
0x9: {  	s9 =	sadd.s32 $0x7D2400, s5;
	s8 =	sshll.u32 s6, $0x9;
	s6 =	ssub.s32 $0x2, s6  }
0xa: {  	s5 =	sadd.s32 $0x812400, s5;
	s7 =	sor.u32 s8, s7;
	s21 =	sshrl.u32 s6, $0x1  }
0xb: {  	_ =	strace $0x8000004A;
	s10 =	sshrl.u32 s7, $0x3;
	s11 =	ssub.s32 s6, s21  }
0xc: {  	s23 =	sor.u32 $0x80, s7;
	s12 =	sor.u32 $0x100, s7;
	s14 =	sor.u32 $0x180, s7  }
0xd: {  	s18 =	sshll.u32 s7, $0x4;
	s22 =	sadd.s32 s0, s10;
	s24 =	sadd.s32 s1, s10  }
0xe: {  	s25 =	sshrl.u32 s23, $0x3;
	s13 =	sshrl.u32 s12, $0x3;
	s17 =	sshrl.u32 s14, $0x3  }
0xf: {  	s19 =	sshll.u32 s23, $0x4;
	s20 =	sshll.u32 s12, $0x4;
	s21 =	sshll.u32 s14, $0x4  }
0x10: {  	s23 =	smax.u32 s11, $0x1;
	s14 =	simm.s32 $0x8400;
	[dreg:$0x6] =	wrdreg s22  }
0x11: {  	s12 =	simm.s32 $0x4400;
	s11 =	simm.s32 $0x4;
	[dreg:$0x7] =	wrdreg s24  }
0x12: {  	s26 =	sadd.s32 s0, s25;
	s10 =	sadd.s32 s1, s25;
	s15 =	sadd.s32 s0, s13  }
0x13: {  	s16 =	sadd.s32 s1, s13;
	s29 =	sadd.s32 s0, s17;
	s28 =	sadd.s32 s1, s17  }
0x14: {  	s24 =	sadd.s32 s9, s18;
	s22 =	sadd.s32 s5, s18;
	s17 =	sadd.s32 s9, s19  }
0x15: {  	s13 =	sadd.s32 s5, s19;
	s8 =	sadd.s32 s5, s20;
	s7 =	sadd.s32 s9, s21  }
0x16: {  	s6 =	sadd.s32 s5, s21;
	s5 =	simm.s32 $0x5;
	s25 =	simm.s32 $0x100  }
0x17: {  	s21 =	simm.s32 $0x380;
	p1 =	sne.s32 s23, $0x1;
	[dreg:$0x8] =	wrdreg s26  }
.Ltmp0:
0x18: {  	s18 =	simm.s32 $0x400;
	[dreg:$0x9] =	wrdreg s10;
	(pc) =	sbr.rel @!p1 .LBB2_3-.Ltmp0, $4  }
0x19: {  	s0 =	sadd.s32 $0xFFFFFFFF, s23;
	s23 =	simm.s32 $0x1;
	[dreg:$0xa] =	wrdreg s15  }
0x1a: {  	s19 =	simm.s32 $0x3;
	[dreg:$0xb] =	wrdreg s16;
	s10 =	sadd.s32 s9, s20  }
0x1b: {  	s16 =	simm.s32 $0x80;
	s26 =	simm.s32 $0x300;
	s20 =	simm.s32 $0x180  }
0x1c: {  	s9 =	simm.s32 $0xC400;
	s15 =	simm.s32 $0x2;
	s1 =	rddreg [dreg:$0x6]  }
0x1d: {  	[tilespmem:s2], [sflag:$0x5] =	stream.linear.gather [hbm4b:s1+s2], $0x80, $0x38;
	[tilespmem:$0x10400] =	vst v63  }
0x1e: {  	_ =	swait.ge [sflag:s5], $0x80  }
0x1f: {  	[sflag:s5] =	ssyncset.done $0x0  }
0x20: {  	s1 =	rddreg [dreg:$0x7];
	[sflag:s5] =	ssyncadd.s32 $0xFFFFFF80  }
0x21: {  	[tilespmem:s30], [sflag:$0x5] =	stream.linear.gather [hbm4b:s1+s2], $0x80, $0x38;
	[tilespmem:$0x10400] =	vst v63  }
0x22: {  	_ =	swait.ge [sflag:s5], $0x80  }
0x23: {  	[sflag:s5] =	ssyncset.done $0x0  }
0x24: {  	s1 =	rddreg [dreg:$0x8];
	[sflag:s5] =	ssyncadd.s32 $0xFFFFFF80  }
0x25: {  	[tilespmem:s16], [sflag:$0x5] =	stream.linear.gather [hbm4b:s1+s2], $0x80, $0x38;
	[tilespmem:$0x10400] =	vst v63  }
0x26: {  	_ =	swait.ge [sflag:s5], $0x80  }
0x27: {  	[sflag:s5] =	ssyncset.done $0x0  }
0x28: {  	s1 =	rddreg [dreg:$0x9];
	[sflag:s5] =	ssyncadd.s32 $0xFFFFFF80  }
0x29: {  	[tilespmem:s31], [sflag:$0x5] =	stream.linear.gather [hbm4b:s1+s2], $0x80, $0x38;
	[tilespmem:$0x10400] =	vst v63  }
0x2a: {  	_ =	swait.ge [sflag:s5], $0x80  }
0x2b: {  	[sflag:s5] =	ssyncset.done $0x0  }
0x2c: {  	s1 =	rddreg [dreg:$0xa];
	[sflag:s5] =	ssyncadd.s32 $0xFFFFFF80  }
0x2d: {  	[tilespmem:s25], [sflag:$0x5] =	stream.linear.gather [hbm4b:s1+s2], $0x80, $0x38;
	[tilespmem:$0x10400] =	vst v63  }
0x2e: {  	_ =	swait.ge [sflag:s5], $0x80  }
0x2f: {  	[sflag:s5] =	ssyncset.done $0x0  }
0x30: {  	s1 =	rddreg [dreg:$0xb];
	[sflag:s5] =	ssyncadd.s32 $0xFFFFFF80  }
0x31: {  	[tilespmem:s26], [sflag:$0x5] =	stream.linear.gather [hbm4b:s1+s2], $0x80, $0x38;
	[tilespmem:$0x10400] =	vst v63  }
0x32: {  	_ =	swait.ge [sflag:s5], $0x80  }
0x33: {  	[sflag:s5] =	ssyncset.done $0x0  }
0x34: {  	[sflag:s5] =	ssyncadd.s32 $0xFFFFFF80  }
0x35: {  	[tilespmem:s20], [sflag:$0x5] =	stream.linear.gather [hbm4b:s29+s2], $0x80, $0x38;
	[tilespmem:$0x10400] =	vst v63  }
0x36: {  	_ =	swait.ge [sflag:s5], $0x80  }
0x37: {  	[sflag:s5] =	ssyncset.done $0x0  }
0x38: {  	[sflag:s5] =	ssyncadd.s32 $0xFFFFFF80  }
0x39: {  	[tilespmem:s21], [sflag:$0x5] =	stream.linear.gather [hbm4b:s28+s2], $0x80, $0x38;
	[tilespmem:$0x10400] =	vst v63  }
0x3a: {  	_ =	swait.ge [sflag:s5], $0x80  }
0x3b: {  	[sflag:s5] =	ssyncset.done $0x0  }
0x3c: {  	[sflag:s5] =	ssyncadd.s32 $0xFFFFFF80  }
0x3d: {  	[tilespmem:s18], [sflag:$0x1] =	stream.indirect.gather [hbm4b:s3+s16], $0x80, s2, s16, $0xb8;
	[tilespmem:$0x10400] =	vst v63  }
0x3e: {  	_ = 	snop  }
0x3f: {  	[tilespmem:s14], [sflag:$0x3] =	stream.indirect.gather [hbm4b:s4+s16], $0x80, s30, s16, $0xb8;
	[tilespmem:$0x10400] =	vst v63  }
0x40: {  	_ = 	snop  }
0x41: {  	[tilespmem:s12], [sflag:$0x2] =	stream.indirect.gather [hbm4b:s3+s16], $0x80, s16, s16, $0xb8;
	[tilespmem:$0x10400] =	vst v63  }
0x42: {  	_ = 	snop  }
0x43: {  	[tilespmem:s9], [sflag:$0x4] =	stream.indirect.gather [hbm4b:s4+s16], $0x80, s31, s16, $0xb8;
	[tilespmem:$0x10400] =	vst v63  }
0x44: {  	_ =	swait.ge [sflag:s23], $0x4000  }
0x45: {  	[sflag:s23] =	ssyncset.done $0x0  }
0x46: {  	[sflag:s23] =	ssyncadd.s32 $0xFFFFC000  }
0x47: {  	[hbm4b:s24+s2] =	stream.linear.scatter [tilespmem:s18], [sflag:$0x5], $0x4000, $0x38;
	[tilespmem:$0x10400] =	vst v63  }
0x48: {  	_ =	swait.ge [sflag:s5], $0x4000  }
0x49: {  	[sflag:s5] =	ssyncset.done $0x0  }
0x4a: {  	[sflag:s5] =	ssyncadd.s32 $0xFFFFC000  }
0x4b: {  	_ =	swait.ge [sflag:s19], $0x4000  }
0x4c: {  	[sflag:s19] =	ssyncset.done $0x0  }
0x4d: {  	[sflag:s19] =	ssyncadd.s32 $0xFFFFC000  }
0x4e: {  	[hbm4b:s22+s2] =	stream.linear.scatter [tilespmem:s14], [sflag:$0x5], $0x4000, $0x38;
	[tilespmem:$0x10400] =	vst v63  }
0x4f: {  	_ =	swait.ge [sflag:s5], $0x4000  }
0x50: {  	[sflag:s5] =	ssyncset.done $0x0  }
0x51: {  	[sflag:s5] =	ssyncadd.s32 $0xFFFFC000  }
0x52: {  	[tilespmem:s18], [sflag:$0x1] =	stream.indirect.gather [hbm4b:s3+s16], $0x80, s25, s16, $0xb8;
	[tilespmem:$0x10400] =	vst v63  }
0x53: {  	_ = 	snop  }
0x54: {  	[tilespmem:s14], [sflag:$0x3] =	stream.indirect.gather [hbm4b:s4+s16], $0x80, s26, s16, $0xb8;
	[tilespmem:$0x10400] =	vst v63  }
0x55: {  	_ =	swait.ge [sflag:s15], $0x4000  }
0x56: {  	[sflag:s15] =	ssyncset.done $0x0  }
0x57: {  	[sflag:s15] =	ssyncadd.s32 $0xFFFFC000  }
0x58: {  	[hbm4b:s17+s2] =	stream.linear.scatter [tilespmem:s12], [sflag:$0x5], $0x4000, $0x38;
	[tilespmem:$0x10400] =	vst v63  }
0x59: {  	_ =	swait.ge [sflag:s5], $0x4000  }
0x5a: {  	[sflag:s5] =	ssyncset.done $0x0  }
0x5b: {  	[sflag:s5] =	ssyncadd.s32 $0xFFFFC000  }
0x5c: {  	_ =	swait.ge [sflag:s11], $0x4000  }
0x5d: {  	[sflag:s11] =	ssyncset.done $0x0  }
0x5e: {  	[sflag:s11] =	ssyncadd.s32 $0xFFFFC000  }
0x5f: {  	[hbm4b:s13+s2] =	stream.linear.scatter [tilespmem:s9], [sflag:$0x5], $0x4000, $0x38;
	[tilespmem:$0x10400] =	vst v63  }
0x60: {  	_ =	swait.ge [sflag:s5], $0x4000  }
0x61: {  	[sflag:s5] =	ssyncset.done $0x0  }
0x62: {  	[sflag:s5] =	ssyncadd.s32 $0xFFFFC000  }
0x63: {  	[tilespmem:s12], [sflag:$0x2] =	stream.indirect.gather [hbm4b:s3+s16], $0x80, s20, s16, $0xb8;
	[tilespmem:$0x10400] =	vst v63  }
0x64: {  	_ = 	snop  }
0x65: {  	[tilespmem:s9], [sflag:$0x4] =	stream.indirect.gather [hbm4b:s4+s16], $0x80, s21, s16, $0xb8;
	[tilespmem:$0x10400] =	vst v63  }
0x66: {  	_ =	swait.ge [sflag:s23], $0x4000  }
0x67: {  	[sflag:s23] =	ssyncset.done $0x0  }
0x68: {  	[sflag:s23] =	ssyncadd.s32 $0xFFFFC000  }
0x69: {  	[hbm4b:s10+s2] =	stream.linear.scatter [tilespmem:s18], [sflag:$0x5], $0x4000, $0x38;
	[tilespmem:$0x10400] =	vst v63  }
0x6a: {  	_ =	swait.ge [sflag:s5], $0x4000  }
0x6b: {  	[sflag:s5] =	ssyncset.done $0x0  }
0x6c: {  	[sflag:s5] =	ssyncadd.s32 $0xFFFFC000  }
0x6d: {  	_ =	swait.ge [sflag:s19], $0x4000  }
0x6e: {  	[sflag:s19] =	ssyncset.done $0x0  }
0x6f: {  	[sflag:s19] =	ssyncadd.s32 $0xFFFFC000  }
0x70: {  	[hbm4b:s8+s2] =	stream.linear.scatter [tilespmem:s14], [sflag:$0x5], $0x4000, $0x38;
	[tilespmem:$0x10400] =	vst v63  }
0x71: {  	_ =	swait.ge [sflag:s5], $0x4000  }
0x72: {  	[sflag:s5] =	ssyncset.done $0x0  }
0x73: {  	[sflag:s5] =	ssyncadd.s32 $0xFFFFC000  }
0x74: {  	_ =	swait.ge [sflag:s15], $0x4000  }
0x75: {  	[sflag:s15] =	ssyncset.done $0x0  }
0x76: {  	[sflag:s15] =	ssyncadd.s32 $0xFFFFC000  }
0x77: {  	[hbm4b:s7+s2] =	stream.linear.scatter [tilespmem:s12], [sflag:$0x5], $0x4000, $0x38;
	[tilespmem:$0x10400] =	vst v63  }
0x78: {  	_ =	swait.ge [sflag:s5], $0x4000  }
0x79: {  	[sflag:s5] =	ssyncset.done $0x0  }
0x7a: {  	[sflag:s5] =	ssyncadd.s32 $0xFFFFC000  }
0x7b: {  	p1 =	sne.s32 s0, $0x1;
	_ =	swait.ge [sflag:s11], $0x4000  }
.Ltmp1:
0x7c: {  	[sflag:s11] =	ssyncset.done $0x0;
	(pc) =	sbr.rel @!p1 .LBB2_3-.Ltmp1, $4  }
0x7d: {  	[sflag:s11] =	ssyncadd.s32 $0xFFFFC000  }
0x7e: {  	[hbm4b:s6+s2] =	stream.linear.scatter [tilespmem:s9], [sflag:$0x5], $0x4000, $0x38;
	[tilespmem:$0x10400] =	vst v63  }
0x7f: {  	s0 =	sadd.s32 $0xFFFFFFFF, s0;
	_ =	swait.ge [sflag:s5], $0x4000  }
0x80: {  	p0 =	por $0x1, $0x1;
	s1 =	rddreg [dreg:$0x6];
	[sflag:s5] =	ssyncset.done $0x0  }
.LBB2_2:
0x81: {  	[sflag:s5] =	ssyncadd.s32 $0xFFFFC000  }
0x82: {  	[tilespmem:s2], [sflag:$0x5] =	stream.linear.gather [hbm4b:s1+s2], $0x80, $0x38;
	[tilespmem:$0x10400] =	vst v63  }
0x83: {  	_ =	swait.ge [sflag:s5], $0x80  }
0x84: {  	[sflag:s5] =	ssyncset.done $0x0  }
0x85: {  	s1 =	rddreg [dreg:$0x7];
	[sflag:s5] =	ssyncadd.s32 $0xFFFFFF80  }
0x86: {  	[tilespmem:s30], [sflag:$0x5] =	stream.linear.gather [hbm4b:s1+s2], $0x80, $0x38;
	[tilespmem:$0x10400] =	vst v63  }
0x87: {  	_ =	swait.ge [sflag:s5], $0x80  }
0x88: {  	[sflag:s5] =	ssyncset.done $0x0  }
0x89: {  	s1 =	rddreg [dreg:$0x8];
	[sflag:s5] =	ssyncadd.s32 $0xFFFFFF80  }
0x8a: {  	[tilespmem:s16], [sflag:$0x5] =	stream.linear.gather [hbm4b:s1+s2], $0x80, $0x38;
	[tilespmem:$0x10400] =	vst v63  }
0x8b: {  	_ =	swait.ge [sflag:s5], $0x80  }
0x8c: {  	[sflag:s5] =	ssyncset.done $0x0  }
0x8d: {  	s1 =	rddreg [dreg:$0x9];
	[sflag:s5] =	ssyncadd.s32 $0xFFFFFF80  }
0x8e: {  	[tilespmem:s31], [sflag:$0x5] =	stream.linear.gather [hbm4b:s1+s2], $0x80, $0x38;
	[tilespmem:$0x10400] =	vst v63  }
0x8f: {  	_ =	swait.ge [sflag:s5], $0x80  }
0x90: {  	[sflag:s5] =	ssyncset.done $0x0  }
0x91: {  	s1 =	rddreg [dreg:$0xa];
	[sflag:s5] =	ssyncadd.s32 $0xFFFFFF80  }
0x92: {  	[tilespmem:s25], [sflag:$0x5] =	stream.linear.gather [hbm4b:s1+s2], $0x80, $0x38;
	[tilespmem:$0x10400] =	vst v63  }
0x93: {  	_ =	swait.ge [sflag:s5], $0x80  }
0x94: {  	[sflag:s5] =	ssyncset.done $0x0  }
0x95: {  	s1 =	rddreg [dreg:$0xb];
	[sflag:s5] =	ssyncadd.s32 $0xFFFFFF80  }
0x96: {  	[tilespmem:s26], [sflag:$0x5] =	stream.linear.gather [hbm4b:s1+s2], $0x80, $0x38;
	[tilespmem:$0x10400] =	vst v63  }
0x97: {  	_ =	swait.ge [sflag:s5], $0x80  }
0x98: {  	[sflag:s5] =	ssyncset.done $0x0  }
0x99: {  	[sflag:s5] =	ssyncadd.s32 $0xFFFFFF80  }
0x9a: {  	[tilespmem:s20], [sflag:$0x5] =	stream.linear.gather [hbm4b:s29+s2], $0x80, $0x38;
	[tilespmem:$0x10400] =	vst v63  }
0x9b: {  	_ =	swait.ge [sflag:s5], $0x80  }
0x9c: {  	[sflag:s5] =	ssyncset.done $0x0  }
0x9d: {  	[sflag:s5] =	ssyncadd.s32 $0xFFFFFF80  }
0x9e: {  	[tilespmem:s21], [sflag:$0x5] =	stream.linear.gather [hbm4b:s28+s2], $0x80, $0x38;
	[tilespmem:$0x10400] =	vst v63  }
0x9f: {  	_ =	swait.ge [sflag:s5], $0x80  }
0xa0: {  	[sflag:s5] =	ssyncset.done $0x0  }
0xa1: {  	[sflag:s5] =	ssyncadd.s32 $0xFFFFFF80  }
0xa2: {  	[tilespmem:s18], [sflag:$0x1] =	stream.indirect.gather [hbm4b:s3+s16], $0x80, s2, s16, $0xb8;
	[tilespmem:$0x10400] =	vst v63  }
0xa3: {  	_ = 	snop  }
0xa4: {  	[tilespmem:s14], [sflag:$0x3] =	stream.indirect.gather [hbm4b:s4+s16], $0x80, s30, s16, $0xb8;
	[tilespmem:$0x10400] =	vst v63  }
0xa5: {  	_ = 	snop  }
0xa6: {  	[tilespmem:s12], [sflag:$0x2] =	stream.indirect.gather [hbm4b:s3+s16], $0x80, s16, s16, $0xb8;
	[tilespmem:$0x10400] =	vst v63  }
0xa7: {  	_ = 	snop  }
0xa8: {  	[tilespmem:s9], [sflag:$0x4] =	stream.indirect.gather [hbm4b:s4+s16], $0x80, s31, s16, $0xb8;
	[tilespmem:$0x10400] =	vst v63  }
0xa9: {  	_ =	swait.ge [sflag:s23], $0x4000  }
0xaa: {  	[sflag:s23] =	ssyncset.done $0x0  }
0xab: {  	[sflag:s23] =	ssyncadd.s32 $0xFFFFC000  }
0xac: {  	[hbm4b:s24+s2] =	stream.linear.scatter [tilespmem:s18], [sflag:$0x5], $0x4000, $0x38;
	[tilespmem:$0x10400] =	vst v63  }
0xad: {  	_ =	swait.ge [sflag:s5], $0x4000  }
0xae: {  	[sflag:s5] =	ssyncset.done $0x0  }
0xaf: {  	[sflag:s5] =	ssyncadd.s32 $0xFFFFC000  }
0xb0: {  	_ =	swait.ge [sflag:s19], $0x4000  }
0xb1: {  	[sflag:s19] =	ssyncset.done $0x0  }
0xb2: {  	[sflag:s19] =	ssyncadd.s32 $0xFFFFC000  }
0xb3: {  	[hbm4b:s22+s2] =	stream.linear.scatter [tilespmem:s14], [sflag:$0x5], $0x4000, $0x38;
	[tilespmem:$0x10400] =	vst v63  }
0xb4: {  	_ =	swait.ge [sflag:s5], $0x4000  }
0xb5: {  	[sflag:s5] =	ssyncset.done $0x0  }
0xb6: {  	[sflag:s5] =	ssyncadd.s32 $0xFFFFC000  }
0xb7: {  	[tilespmem:s18], [sflag:$0x1] =	stream.indirect.gather [hbm4b:s3+s16], $0x80, s25, s16, $0xb8;
	[tilespmem:$0x10400] =	vst v63  }
0xb8: {  	_ = 	snop  }
0xb9: {  	[tilespmem:s14], [sflag:$0x3] =	stream.indirect.gather [hbm4b:s4+s16], $0x80, s26, s16, $0xb8;
	[tilespmem:$0x10400] =	vst v63  }
0xba: {  	_ =	swait.ge [sflag:s15], $0x4000  }
0xbb: {  	[sflag:s15] =	ssyncset.done $0x0  }
0xbc: {  	[sflag:s15] =	ssyncadd.s32 $0xFFFFC000  }
0xbd: {  	[hbm4b:s17+s2] =	stream.linear.scatter [tilespmem:s12], [sflag:$0x5], $0x4000, $0x38;
	[tilespmem:$0x10400] =	vst v63  }
0xbe: {  	_ =	swait.ge [sflag:s5], $0x4000  }
0xbf: {  	[sflag:s5] =	ssyncset.done $0x0  }
0xc0: {  	[sflag:s5] =	ssyncadd.s32 $0xFFFFC000  }
0xc1: {  	_ =	swait.ge [sflag:s11], $0x4000  }
0xc2: {  	[sflag:s11] =	ssyncset.done $0x0  }
0xc3: {  	[sflag:s11] =	ssyncadd.s32 $0xFFFFC000  }
0xc4: {  	[hbm4b:s13+s2] =	stream.linear.scatter [tilespmem:s9], [sflag:$0x5], $0x4000, $0x38;
	[tilespmem:$0x10400] =	vst v63  }
0xc5: {  	_ =	swait.ge [sflag:s5], $0x4000  }
0xc6: {  	[sflag:s5] =	ssyncset.done $0x0  }
0xc7: {  	[sflag:s5] =	ssyncadd.s32 $0xFFFFC000  }
0xc8: {  	[tilespmem:s12], [sflag:$0x2] =	stream.indirect.gather [hbm4b:s3+s16], $0x80, s20, s16, $0xb8;
	[tilespmem:$0x10400] =	vst v63  }
0xc9: {  	_ = 	snop  }
0xca: {  	[tilespmem:s9], [sflag:$0x4] =	stream.indirect.gather [hbm4b:s4+s16], $0x80, s21, s16, $0xb8;
	[tilespmem:$0x10400] =	vst v63  }
0xcb: {  	_ =	swait.ge [sflag:s23], $0x4000  }
0xcc: {  	[sflag:s23] =	ssyncset.done $0x0  }
0xcd: {  	[sflag:s23] =	ssyncadd.s32 $0xFFFFC000  }
0xce: {  	[hbm4b:s10+s2] =	stream.linear.scatter [tilespmem:s18], [sflag:$0x5], $0x4000, $0x38;
	[tilespmem:$0x10400] =	vst v63  }
0xcf: {  	_ =	swait.ge [sflag:s5], $0x4000  }
0xd0: {  	[sflag:s5] =	ssyncset.done $0x0  }
0xd1: {  	[sflag:s5] =	ssyncadd.s32 $0xFFFFC000  }
0xd2: {  	_ =	swait.ge [sflag:s19], $0x4000  }
0xd3: {  	[sflag:s19] =	ssyncset.done $0x0  }
0xd4: {  	[sflag:s19] =	ssyncadd.s32 $0xFFFFC000  }
0xd5: {  	[hbm4b:s8+s2] =	stream.linear.scatter [tilespmem:s14], [sflag:$0x5], $0x4000, $0x38;
	[tilespmem:$0x10400] =	vst v63  }
0xd6: {  	_ =	swait.ge [sflag:s5], $0x4000  }
0xd7: {  	[sflag:s5] =	ssyncset.done $0x0  }
0xd8: {  	[sflag:s5] =	ssyncadd.s32 $0xFFFFC000  }
0xd9: {  	_ =	swait.ge [sflag:s15], $0x4000  }
0xda: {  	[sflag:s15] =	ssyncset.done $0x0  }
0xdb: {  	[sflag:s15] =	ssyncadd.s32 $0xFFFFC000  }
0xdc: {  	[hbm4b:s7+s2] =	stream.linear.scatter [tilespmem:s12], [sflag:$0x5], $0x4000, $0x38;
	[tilespmem:$0x10400] =	vst v63  }
0xdd: {  	_ =	swait.ge [sflag:s5], $0x4000  }
0xde: {  	[sflag:s5] =	ssyncset.done $0x0  }
0xdf: {  	[sflag:s5] =	ssyncadd.s32 $0xFFFFC000  }
0xe0: {  	p1 =	sne.s32 s0, $0x1;
	_ =	swait.ge [sflag:s11], $0x4000  }
.Ltmp2:
0xe1: {  	[sflag:s11] =	ssyncset.done $0x0;
	(pc) =	sbr.rel @p1 .LBB2_2-.Ltmp2, $4  }
0xe2: {  	[sflag:s11] =	ssyncadd.s32 $0xFFFFC000  }
0xe3: {  	[hbm4b:s6+s2] =	stream.linear.scatter [tilespmem:s9], [sflag:$0x5], $0x4000, $0x38;
	[tilespmem:$0x10400] =	vst v63  }
0xe4: {  	_ =	swait.ge [sflag:s5], $0x4000  }
0xe5: {  	s0 =	sadd.s32 $0xFFFFFFFF, s0;
	s1 =	rddreg [dreg:$0x6];
	[sflag:s5] =	ssyncset.done $0x0  }
.LBB2_3:
0xe6: {  	[sflag:s5] =	ssyncadd.s32 @p0 $0xFFFFC000  }
0xe7: {  	[tilespmem:s2], [sflag:$0x5] =	stream.linear.gather [hbm4b:s1+s2], $0x80, $0x38;
	[tilespmem:$0x10400] =	vst v63  }
0xe8: {  	_ =	swait.ge [sflag:s5], $0x80  }
0xe9: {  	[sflag:s5] =	ssyncset.done $0x0  }
0xea: {  	s0 =	rddreg [dreg:$0x7];
	[sflag:s5] =	ssyncadd.s32 $0xFFFFFF80  }
0xeb: {  	[tilespmem:s30], [sflag:$0x5] =	stream.linear.gather [hbm4b:s0+s2], $0x80, $0x38;
	[tilespmem:$0x10400] =	vst v63  }
0xec: {  	_ =	swait.ge [sflag:s5], $0x80  }
0xed: {  	[sflag:s5] =	ssyncset.done $0x0  }
0xee: {  	s1 =	rddreg [dreg:$0x8];
	[sflag:s5] =	ssyncadd.s32 $0xFFFFFF80  }
0xef: {  	[tilespmem:s16], [sflag:$0x5] =	stream.linear.gather [hbm4b:s1+s2], $0x80, $0x38;
	[tilespmem:$0x10400] =	vst v63  }
0xf0: {  	_ =	swait.ge [sflag:s5], $0x80  }
0xf1: {  	[sflag:s5] =	ssyncset.done $0x0  }
0xf2: {  	s1 =	rddreg [dreg:$0x9];
	[sflag:s5] =	ssyncadd.s32 $0xFFFFFF80  }
0xf3: {  	[tilespmem:s31], [sflag:$0x5] =	stream.linear.gather [hbm4b:s1+s2], $0x80, $0x38;
	[tilespmem:$0x10400] =	vst v63  }
0xf4: {  	_ =	swait.ge [sflag:s5], $0x80  }
0xf5: {  	[sflag:s5] =	ssyncset.done $0x0  }
0xf6: {  	s1 =	rddreg [dreg:$0xa];
	[sflag:s5] =	ssyncadd.s32 $0xFFFFFF80  }
0xf7: {  	[tilespmem:s25], [sflag:$0x5] =	stream.linear.gather [hbm4b:s1+s2], $0x80, $0x38;
	[tilespmem:$0x10400] =	vst v63  }
0xf8: {  	_ =	swait.ge [sflag:s5], $0x80  }
0xf9: {  	[sflag:s5] =	ssyncset.done $0x0  }
0xfa: {  	s1 =	rddreg [dreg:$0xb];
	[sflag:s5] =	ssyncadd.s32 $0xFFFFFF80  }
0xfb: {  	[tilespmem:s26], [sflag:$0x5] =	stream.linear.gather [hbm4b:s1+s2], $0x80, $0x38;
	[tilespmem:$0x10400] =	vst v63  }
0xfc: {  	_ =	swait.ge [sflag:s5], $0x80  }
0xfd: {  	[sflag:s5] =	ssyncset.done $0x0  }
0xfe: {  	[sflag:s5] =	ssyncadd.s32 $0xFFFFFF80  }
0xff: {  	[tilespmem:s20], [sflag:$0x5] =	stream.linear.gather [hbm4b:s29+s2], $0x80, $0x38;
	[tilespmem:$0x10400] =	vst v63  }
0x100: {  	_ =	swait.ge [sflag:s5], $0x80  }
0x101: {  	[sflag:s5] =	ssyncset.done $0x0  }
0x102: {  	[sflag:s5] =	ssyncadd.s32 $0xFFFFFF80  }
0x103: {  	[tilespmem:s21], [sflag:$0x5] =	stream.linear.gather [hbm4b:s28+s2], $0x80, $0x38;
	[tilespmem:$0x10400] =	vst v63  }
0x104: {  	_ =	swait.ge [sflag:s5], $0x80  }
0x105: {  	[sflag:s5] =	ssyncset.done $0x0  }
0x106: {  	[sflag:s5] =	ssyncadd.s32 $0xFFFFFF80  }
0x107: {  	[tilespmem:s18], [sflag:$0x1] =	stream.indirect.gather [hbm4b:s3+s16], $0x80, s2, s16, $0xb8;
	[tilespmem:$0x10400] =	vst v63  }
0x108: {  	_ = 	snop  }
0x109: {  	[tilespmem:s14], [sflag:$0x3] =	stream.indirect.gather [hbm4b:s4+s16], $0x80, s30, s16, $0xb8;
	[tilespmem:$0x10400] =	vst v63  }
0x10a: {  	_ = 	snop  }
0x10b: {  	[tilespmem:s12], [sflag:$0x2] =	stream.indirect.gather [hbm4b:s3+s16], $0x80, s16, s16, $0xb8;
	[tilespmem:$0x10400] =	vst v63  }
0x10c: {  	_ = 	snop  }
0x10d: {  	[tilespmem:s9], [sflag:$0x4] =	stream.indirect.gather [hbm4b:s4+s16], $0x80, s31, s16, $0xb8;
	[tilespmem:$0x10400] =	vst v63  }
0x10e: {  	_ =	swait.ge [sflag:s23], $0x4000  }
0x10f: {  	[sflag:s23] =	ssyncset.done $0x0  }
0x110: {  	[sflag:s23] =	ssyncadd.s32 $0xFFFFC000  }
0x111: {  	[hbm4b:s24+s2] =	stream.linear.scatter [tilespmem:s18], [sflag:$0x5], $0x4000, $0x38;
	[tilespmem:$0x10400] =	vst v63  }
0x112: {  	_ =	swait.ge [sflag:s5], $0x4000  }
0x113: {  	[sflag:s5] =	ssyncset.done $0x0  }
0x114: {  	[sflag:s5] =	ssyncadd.s32 $0xFFFFC000  }
0x115: {  	_ =	swait.ge [sflag:s19], $0x4000  }
0x116: {  	[sflag:s19] =	ssyncset.done $0x0  }
0x117: {  	[sflag:s19] =	ssyncadd.s32 $0xFFFFC000  }
0x118: {  	[hbm4b:s22+s2] =	stream.linear.scatter [tilespmem:s14], [sflag:$0x5], $0x4000, $0x38;
	[tilespmem:$0x10400] =	vst v63  }
0x119: {  	_ =	swait.ge [sflag:s5], $0x4000  }
0x11a: {  	[sflag:s5] =	ssyncset.done $0x0  }
0x11b: {  	[sflag:s5] =	ssyncadd.s32 $0xFFFFC000  }
0x11c: {  	[tilespmem:s18], [sflag:$0x1] =	stream.indirect.gather [hbm4b:s3+s16], $0x80, s25, s16, $0xb8;
	[tilespmem:$0x10400] =	vst v63  }
0x11d: {  	_ = 	snop  }
0x11e: {  	[tilespmem:s14], [sflag:$0x3] =	stream.indirect.gather [hbm4b:s4+s16], $0x80, s26, s16, $0xb8;
	[tilespmem:$0x10400] =	vst v63  }
0x11f: {  	_ =	swait.ge [sflag:s15], $0x4000  }
0x120: {  	[sflag:s15] =	ssyncset.done $0x0  }
0x121: {  	[sflag:s15] =	ssyncadd.s32 $0xFFFFC000  }
0x122: {  	[hbm4b:s17+s2] =	stream.linear.scatter [tilespmem:s12], [sflag:$0x5], $0x4000, $0x38;
	[tilespmem:$0x10400] =	vst v63  }
0x123: {  	_ =	swait.ge [sflag:s5], $0x4000  }
0x124: {  	[sflag:s5] =	ssyncset.done $0x0  }
0x125: {  	[sflag:s5] =	ssyncadd.s32 $0xFFFFC000  }
0x126: {  	_ =	swait.ge [sflag:s11], $0x4000  }
0x127: {  	[sflag:s11] =	ssyncset.done $0x0  }
0x128: {  	[sflag:s11] =	ssyncadd.s32 $0xFFFFC000  }
0x129: {  	[hbm4b:s13+s2] =	stream.linear.scatter [tilespmem:s9], [sflag:$0x5], $0x4000, $0x38;
	[tilespmem:$0x10400] =	vst v63  }
0x12a: {  	_ =	swait.ge [sflag:s5], $0x4000  }
0x12b: {  	[sflag:s5] =	ssyncset.done $0x0  }
0x12c: {  	[sflag:s5] =	ssyncadd.s32 $0xFFFFC000  }
0x12d: {  	[tilespmem:s12], [sflag:$0x2] =	stream.indirect.gather [hbm4b:s3+s16], $0x80, s20, s16, $0xb8;
	[tilespmem:$0x10400] =	vst v63  }
0x12e: {  	_ = 	snop  }
0x12f: {  	[tilespmem:s9], [sflag:$0x4] =	stream.indirect.gather [hbm4b:s4+s16], $0x80, s21, s16, $0xb8;
	[tilespmem:$0x10400] =	vst v63  }
0x130: {  	_ =	swait.ge [sflag:s23], $0x4000  }
0x131: {  	[sflag:s23] =	ssyncset.done $0x0  }
0x132: {  	[sflag:s23] =	ssyncadd.s32 $0xFFFFC000  }
0x133: {  	[hbm4b:s10+s2] =	stream.linear.scatter [tilespmem:s18], [sflag:$0x5], $0x4000, $0x38;
	[tilespmem:$0x10400] =	vst v63  }
0x134: {  	_ =	swait.ge [sflag:s5], $0x4000  }
0x135: {  	[sflag:s5] =	ssyncset.done $0x0  }
0x136: {  	[sflag:s5] =	ssyncadd.s32 $0xFFFFC000  }
0x137: {  	_ =	swait.ge [sflag:s19], $0x4000  }
0x138: {  	[sflag:s19] =	ssyncset.done $0x0  }
0x139: {  	[sflag:s19] =	ssyncadd.s32 $0xFFFFC000  }
0x13a: {  	[hbm4b:s8+s2] =	stream.linear.scatter [tilespmem:s14], [sflag:$0x5], $0x4000, $0x38;
	[tilespmem:$0x10400] =	vst v63  }
0x13b: {  	_ =	swait.ge [sflag:s5], $0x4000  }
0x13c: {  	[sflag:s5] =	ssyncset.done $0x0  }
0x13d: {  	[sflag:s5] =	ssyncadd.s32 $0xFFFFC000  }
0x13e: {  	_ =	swait.ge [sflag:s15], $0x4000  }
0x13f: {  	[sflag:s15] =	ssyncset.done $0x0  }
0x140: {  	[sflag:s15] =	ssyncadd.s32 $0xFFFFC000  }
0x141: {  	[hbm4b:s7+s2] =	stream.linear.scatter [tilespmem:s12], [sflag:$0x5], $0x4000, $0x38;
	[tilespmem:$0x10400] =	vst v63  }
0x142: {  	_ =	swait.ge [sflag:s5], $0x4000  }
0x143: {  	[sflag:s5] =	ssyncset.done $0x0  }
0x144: {  	[sflag:s5] =	ssyncadd.s32 $0xFFFFC000  }
0x145: {  	_ =	swait.ge [sflag:s11], $0x4000  }
0x146: {  	[sflag:s11] =	ssyncset.done $0x0  }
0x147: {  	[sflag:s11] =	ssyncadd.s32 $0xFFFFC000  }
0x148: {  	[hbm4b:s6+s2] =	stream.linear.scatter [tilespmem:s9], [sflag:$0x5], $0x4000, $0x38;
	[tilespmem:$0x10400] =	vst v63  }
0x149: {  	_ =	swait.ge [sflag:s5], $0x4000  }
0x14a: {  	[sflag:s5] =	ssyncset.done $0x0  }
0x14b: {  	[sflag:s5] =	ssyncadd.s32 $0xFFFFC000  }
0x14c: {  	_ =	sfence.sel $0x180000  }
0x14d: {  	[bflag:$0x0] =	sbarrier.arrive $0xFFFF  }
0x14e: {  	_ =	strace $0x9000004A  }
0x14f: {  	s31 =	stileid.u32;
	[bflag:$0x2] =	sbarrier.arrive $0xFFFF  }
0x150: {  	p0 =	sne.s32 s31, $0x0;
	s0 =	rddreg [dreg:$0x5]  }
0x151: {  	s0 =	sadd.s32 @!p0 $0x100000, s0  }
0x152: {  	[sflag:s0] =	ssyncadd.tile.s32 @!p0 $0x1;
	_ =	shalt  }
.Lfunc_end2:
_tile_overlayer_lowered:
.L_overlay_start_2:
0x153: {  	(tag) =	ssettag $0x2  }
0x154: {  	s0 =	rddreg [dreg:$0x0];
	s2 =	stileid.u32  }
0x155: {  	s1 =	rddreg [dreg:$0x1];
	p0 =	sne.s32 s2, $0x0  }
0x156: {  	s3 =	rddreg [dreg:$0x2];
	[bflag:$0x3] =	sbarrier.arrive $0xFFFF;
	s2 =	simm.s32 @!p0 $0x1C05  }
0x157: {  	[timem:s3], [sflag:s2] =	dma.local @!p0 [hbm:s0], s1  }
0x158: {  	s0 =	simm.s32 @!p0 $0x5  }
0x159: {  	_ =	swait.ge @!p0 [sflag:s0], s1  }
0x15a: {  	s1 =	ssub.s32 @!p0 $0x0, s1;
	[sflag:s0] =	ssyncset.done @!p0 $0x0  }
0x15b: {  	[sflag:s0] =	ssyncadd.s32 @!p0 s1  }
0x15c: {  	[bflag:$0x3] =	sbarrier.arrive $0xFFFF  }
0x15d: {  	_ =	shalt  }

// kernel: kernel.9.cloned.1.call-start
scs
__scs_entry_jumppad:
0x0: {  	(pc) =	sbr.rel $0x88, $3  }
0x1: {  	(tag) =	ssettag $0x0;
	lr =	simm.s32 $0x1  }
0x2: {  	[smem:$0x3F93] =	sst lr;
	_ =	strace $0xD0000000  }
0x3: {  	_ = 	snop  }
0x4: {  	_ = 	snop  }
0x5: {  	_ = 	snop  }
0x6: {  	_ = 	snop  }
0x7: {  	_ = 	snop  }
__scs_overlays_trampoline_lowered:
0x8: {  	[smem:$0x3FA2] =	sst s0  }
0x9: {  	[smem:$0x3FA3] =	sst s1  }
0xa: {  	[smem:$0x3FA4] =	sst s2  }
0xb: {  	[smem:$0x3FA5] =	sst s3  }
0xc: {  	[smem:$0x3FA6] =	sst s4  }
0xd: {  	[smem:$0x3FA7] =	sst s5  }
0xe: {  	[smem:$0x3FA8] =	sst s6  }
0xf: {  	[smem:$0x3FA9] =	sst s7  }
0x10: {  	[smem:$0x3FAA] =	sst s8  }
0x11: {  	[smem:$0x3FAB] =	sst s9;
	s0 =	simm.s32 @!p0 $0x0  }
0x12: {  	s1 =	sld [smem:$0x3F91];
	s0 =	simm.s32 @p0 $0x1  }
0x13: {  	[smem:$0x3FAC] =	sst s0;
	s0 =	simm.s32 @!p1 $0x0  }
0x14: {  	s2 =	sld [smem:$0x3F90];
	s0 =	simm.s32 @p1 $0x1  }
0x15: {  	[smem:$0x3FAD] =	sst s0;
	s0 =	simm.s32 @!p2 $0x0  }
0x16: {  	s3 =	sld [smem:$0x3FDB];
	s0 =	simm.s32 @p2 $0x1  }
0x17: {  	s4 =	simm.s32 $0x1BF5;
	[smem:$0x3FAF] =	sst s0  }
0x18: {  	s0 =	sld [smem:$0x3F92];
	_ =	swait.ge [sflag:s4], $0x0  }
0x19: {  	s7 =	sld [smem:$0x3F93]  }
0x1a: {  	s8 =	sadd.s32 $0xFFFFE003, lr  }
0x1b: {  	s9 =	sadd.s32 $0xFFFFFEF7, lr;
	s5 =	simm.s32 $0xFFFFFFFF;
	p2 =	slt.u32 s8, $0xFFFFF086  }
0x1c: {  	p1 =	slt.u32 s9, $0xF7A;
	s5 =	simm.s32 @!p2 $0x0  }
0x1d: {  	s5 =	simm.s32 @p1 $0x1;
	p0 =	seq.s32 s7, s2  }
0x1e: {  	s7 =	smul.u32 @!p0 $0xF7A, s2;
	p2 =	seq.s32 @!p0 s5, $0x0  }
0x1f: {  	s9 =	smul.u32 $0xF7A, s1;
	s8 =	simm.s32 @!p0 $0x1BF5;
	p2 =	por !p2, p0  }
0x20: {  	[sflag:s8] =	ssyncset.s32 @!p0 $0xFFFFF086;
	s6 =	sadd.s32 @!p0 s3, s7;
	s7 =	simm.s32 @!p0 $0x108  }
0x21: {  	s3 =	sadd.s32 s3, s9;
	s6 =	sadd.s32 @!p0 $0x88, s6;
	s7 =	simm.s32 @p2 $0x1082  }
0x22: {  	[simem:s7], [sflag:s8] =	dma.local @!p0 [hbm:s6], $0xF7A  }
0x23: {  	s9 =	sor.u32 $0xD0000000, s2;
	s6 =	simm.s32 $0x108;
	_ =	swait.ge @!p0 [sflag:s8], $0x0  }
0x24: {  	s3 =	sadd.s32 $0x88, s3;
	s6 =	simm.s32 @!p1 $0x1082;
	[sflag:s4] =	ssyncset.s32 $0xFFFFF086  }
0x25: {  	[simem:s6], [sflag:s4] =	dma.local [hbm:s3], $0xF7A  }
0x26: {  	[smem:$0x3F93] =	sst s1;
	(tag) =	ssettag s2;
	_ =	strace s9  }
0x27: {  	s1 =	sld [smem:$0x3FA3]  }
0x28: {  	s2 =	sld [smem:$0x3FA4]  }
0x29: {  	s4 =	sld [smem:$0x3FA6]  }
0x2a: {  	p0 =	seq.s32 s5, $0x0;
	s5 =	sld [smem:$0x3FA7]  }
0x2b: {  	s6 =	sld [smem:$0x3FA8]  }
0x2c: {  	s7 =	sld [smem:$0x3FA9]  }
0x2d: {  	s3 =	simm.s32 $0x108;
	s8 =	sld [smem:$0x3FAA]  }
0x2e: {  	s3 =	simm.s32 @!p0 $0x1082;
	s9 =	sld [smem:$0x3FAB]  }
0x2f: {  	lr =	sadd.s32 s0, s3;
	s0 =	sld [smem:$0x3FA2]  }
0x30: {  	s3 =	sld [smem:$0x3FA5]  }
0x31: {  	[smem:$0x3FAE] =	sst s10  }
0x32: {  	s10 =	sld [smem:$0x3FAC];
	_ =	sdelay $0x3  }
0x33: {  	p0 =	seq.s32 s10, $0x1;
	s10 =	sld [smem:$0x3FAE];
	_ =	sdelay $0x3  }
0x34: {  	[smem:$0x3FAE] =	sst s10  }
0x35: {  	s10 =	sld [smem:$0x3FAD];
	_ =	sdelay $0x3  }
0x36: {  	p1 =	seq.s32 s10, $0x1;
	s10 =	sld [smem:$0x3FAE];
	_ =	sdelay $0x3  }
0x37: {  	[smem:$0x3FAE] =	sst s10  }
0x38: {  	s10 =	sld [smem:$0x3FAF]  }
0x39: {  	_ = 	snop;
	(pc) =	sbr.ind lr, $3  }
0x3a: {  	_ = 	snop  }
0x3b: {  	_ = 	snop  }
0x3c: {  	p2 =	seq.s32 s10, $0x1;
	s10 =	sld [smem:$0x3FAE]  }
0x3d: {  	_ =	shalt  }
0x3e: {  	_ =	shalt  }
0x3f: {  	_ =	shalt  }
0x40: {  	_ =	shalt  }
0x41: {  	_ =	shalt  }
0x42: {  	_ =	shalt  }
0x43: {  	_ =	shalt  }
0x44: {  	_ =	shalt  }
0x45: {  	_ =	shalt  }
0x46: {  	_ =	shalt  }
0x47: {  	_ =	shalt  }
0x48: {  	_ =	shalt  }
0x49: {  	_ =	shalt  }
0x4a: {  	_ =	shalt  }
0x4b: {  	_ =	shalt  }
0x4c: {  	_ =	shalt  }
0x4d: {  	_ =	shalt  }
0x4e: {  	_ =	shalt  }
0x4f: {  	_ =	shalt  }
0x50: {  	_ =	shalt  }
0x51: {  	_ =	shalt  }
0x52: {  	_ =	shalt  }
0x53: {  	_ =	shalt  }
0x54: {  	_ =	shalt  }
0x55: {  	_ =	shalt  }
0x56: {  	_ =	shalt  }
0x57: {  	_ =	shalt  }
0x58: {  	_ =	shalt  }
0x59: {  	_ =	shalt  }
0x5a: {  	_ =	shalt  }
0x5b: {  	_ =	shalt  }
0x5c: {  	_ =	shalt  }
0x5d: {  	_ =	shalt  }
0x5e: {  	_ =	shalt  }
0x5f: {  	_ =	shalt  }
0x60: {  	_ =	shalt  }
0x61: {  	_ =	shalt  }
0x62: {  	_ =	shalt  }
0x63: {  	_ =	shalt  }
0x64: {  	_ =	shalt  }
0x65: {  	_ =	shalt  }
0x66: {  	_ =	shalt  }
0x67: {  	_ =	shalt  }
0x68: {  	_ =	shalt  }
0x69: {  	_ =	shalt  }
0x6a: {  	_ =	shalt  }
0x6b: {  	_ =	shalt  }
0x6c: {  	_ =	shalt  }
0x6d: {  	_ =	shalt  }
0x6e: {  	_ =	shalt  }
0x6f: {  	_ =	shalt  }
0x70: {  	_ =	shalt  }
0x71: {  	_ =	shalt  }
0x72: {  	_ =	shalt  }
0x73: {  	_ =	shalt  }
0x74: {  	_ =	shalt  }
0x75: {  	_ =	shalt  }
0x76: {  	_ =	shalt  }
0x77: {  	_ =	shalt  }
0x78: {  	_ =	shalt  }
0x79: {  	_ =	shalt  }
0x7a: {  	_ =	shalt  }
0x7b: {  	_ =	shalt  }
0x7c: {  	_ =	shalt  }
0x7d: {  	_ =	shalt  }
0x7e: {  	_ =	shalt  }
0x7f: {  	_ =	shalt  }
0x80: {  	_ =	shalt  }
0x81: {  	_ =	shalt  }
0x82: {  	_ =	shalt  }
0x83: {  	_ =	shalt  }
0x84: {  	_ =	shalt  }
0x85: {  	_ =	shalt  }
0x86: {  	_ =	shalt  }
0x87: {  	_ =	shalt  }
.Lfunc_end0:
.L_simem_size_0:
called_computation.1_lowered:
.L_overlay_start_0:
0x88: {  	s2 =	sld [smem:$0x3FD9]  }
0x89: {  	s3 =	sld [smem:$0x3FFE];
	_ =	sdelay $0x1  }
0x8a: {  	s1 =	srdreg.scid  }
0x8b: {  	s0 =	sand.u32 $0x1, s1  }
0x8c: {  	s17 =	sshll.u32 s0, $0xA;
	s2 =	sadd.s32 s3, s2  }
0x8d: {  	s2 =	sadd.s32 s2, s17  }
0x8e: {  	[smem:$0x3FBA] =	sst s2  }
0x8f: {  	_ = 	snop  }
0x90: {  	s2 =	sld [smem:$0x3FC9]  }
0x91: {  	s18 =	sld [smem:$0x3FC8];
	(tm) =	ssettm $0x1  }
0x92: {  	s4 =	sld [smem:$0x3FFB];
	_ =	sdelay $0x3  }
0x93: {  	_ =	strace s4  }
0x94: {  	s4 =	sld [smem:$0x3FFC];
	_ =	sdelay $0x3  }
0x95: {  	_ =	strace s4  }
0x96: {  	s4 =	sld [smem:$0x3FFD];
	_ =	sdelay $0x3  }
0x97: {  	_ =	strace s4  }
0x98: {  	_ =	strace $0x8FFFFFFF  }
0x99: {  	s19 =	sld [smem:$0x3FDB];
	_ =	sdelay $0x1  }
0x9a: {  	s5 =	simm.s32 $_scs_section_size  }
0x9b: {  	s6 =	simm.s32 $_size__tile_overlayer_lowered;
	s7 =	simm.s32 $_tile_overlayer_lowered  }
0x9c: {  	s22 =	simm.s32 $0x1BFF;
	s21 =	sshll.u32 s7, $0x1;
	s4 =	sadd.s32 s5, s19  }
0x9d: {  	s8 =	simm.s32 $0x0;
	s20 =	sshll.u32 s6, $0x1;
	s6 =	sadd.s32 s21, s4  }
0x9e: {  	[timem:s8], [sflag:s22] =	dma.local [hbm:s6], s20  }
0x9f: {  	_ =	swait.ge [sflag:s22], s20  }
0xa0: {  	s5 =	ssub.s32 $0x0, s20;
	[sflag:s22] =	ssyncset.done $0x0  }
0xa1: {  	[sflag:s22] =	ssyncadd.s32 s5;
	_ =	sdelay $0x1  }
0xa2: {  	s23 =	simm.s32 $0x1B8B  }
0xa3: {  	_ =	swait.ge [sflag:s23], $0x1  }
0xa4: {  	[sflag:s23] =	ssyncset.done $0x0  }
0xa5: {  	s25 =	simm.s32 $0x1B8E;
	s24 =	sld [smem:$0x3FFE];
	[sflag:s23] =	ssyncadd.s32 $0xFFFFFFFF  }
0xa6: {  	s26 =	simm.s32 $execute0_lowered;
	[smem:$0x3FD2] =	sst s25  }
0xa7: {  	s6 =	sshll.u32 s26, $0x1;
	_ =	strace $0x80000046;
	[dreg:$0x1] =	wrdreg $0xFFFFFFFF  }
0xa8: {  	s28 =	simm.s32 $_size_execute0_lowered;
	s4 =	sadd.s32 s4, s6;
	[dreg:$0x0] =	wrdreg $0x0  }
0xa9: {  	s6 =	sshll.u32 s28, $0x1;
	[dreg:$0x2] =	wrdreg s4  }
0xaa: {  	[dreg:$0x3] =	wrdreg s6  }
0xab: {  	[dreg:$0x4] =	wrdreg $0xC0  }
0xac: {  	_ =	task [dreg:s8], $0x5FFFF  }
0xad: {  	[dreg:$0x1] =	wrdreg $0xFFFFFFFF  }
0xae: {  	[dreg:$0x0] =	wrdreg $0x60  }
0xaf: {  	[dreg:$0x2] =	wrdreg s2  }
0xb0: {  	[dreg:$0x3] =	wrdreg s18  }
0xb1: {  	[dreg:$0x4] =	wrdreg s24  }
0xb2: {  	[dreg:$0x5] =	wrdreg $0xA  }
0xb3: {  	_ =	task.clear_ibuf [dreg:s8], $0x6FFFF;
	_ =	strace $0x90000046  }
0xb4: {  	s29 =	simm.s32 $0xA;
	_ =	strace $0x80000048  }
0xb5: {  	_ =	swait.ge [sflag:s29], $0x1  }
0xb6: {  	[sflag:s29] =	ssyncadd.s32 $0xFFFFFFFF  }
0xb7: {  	_ =	strace $0x90000048  }
0xb8: {  	_ =	sfence  }
0xb9: {  	s30 =	sld [smem:$0x0];
	_ =	sdelay $0x2  }
0xba: {  	s31 =	sshll.u32 s1, $0xD;
	s1 =	sshrl.u32 s1, $0x2  }
0xbb: {  	s3 =	sand.u32 $0x4000, s31;
	s1 =	sadd.s32 s1, s30  }
0xbc: {  	s0 =	sor.u32 s3, s0;
	s1 =	sshll.u32 s1, $0x11  }
0xbd: {  	s0 =	sor.u32 s1, s0  }
0xbe: {  	s0 =	sadd.s32 $0x8F2B, s0  }
0xbf: {  	[sflag:s0] =	ssyncadd.remote.s32 $0x1  }
0xc0: {  	_ =	sfence.sel $0xFFFF  }
0xc1: {  	[dreg:$0x0] =	wrdreg $0xFFFFFFFF;
	(pc) =	sbr.abs _section_cstart, $3  }
0xc2: {  	[dreg:$0x1] =	wrdreg $0xFFFFFFFF  }
0xc3: {  	_ =	task.clear_ibuf [dreg:s8], $0x2FFFF;
	_ =	strace $0x9FFFFFFF  }
0xc4: {  	(tm) =	ssettm $0x7FFFFFFF  }
0xc5: {  	_ =	shalt  }
tec
execute0_lowered:
.L_overlay_start_1:
0x0: {  	(tag) =	ssettag $0x1  }
0x1: {  	s0 =	rddreg [dreg:$0x0]  }
0x2: {  	s1 =	rddreg [dreg:$0x1]  }
0x3: {  	s5 =	rddreg [dreg:$0x2];
	s2 =	simm.s32 $0x0;
	s4 =	srdreg.scid  }
0x4: {  	s7 =	stileid.u32;
	s10 =	simm.s32 $0x200;
	s11 =	simm.s32 $0x80  }
0x5: {  	s12 =	simm.s32 $0x400;
	s13 =	simm.s32 $0x800;
	s14 =	simm.s32 $0x600  }
0x6: {  	s15 =	simm.s32 $0x4800;
	s16 =	simm.s32 $0x480;
	s17 =	simm.s32 $0x1800  }
0x7: {  	s18 =	simm.s32 $0x680;
	s19 =	simm.s32 $0x5800;
	s20 =	simm.s32 $0x500  }
0x8: {  	s21 =	simm.s32 $0x2800;
	s22 =	simm.s32 $0x700;
	s23 =	simm.s32 $0x6800  }
0x9: {  	s24 =	simm.s32 $0x580;
	s25 =	simm.s32 $0x3800;
	s26 =	simm.s32 $0x780  }
0xa: {  	s28 =	simm.s32 $0x7800;
	s29 =	simm.s32 $0x1;
	s30 =	simm.s32 $0x0  }
0xb: {  	[smem:$0x7FF] =	sst s2;
	s6 =	sand.u32 $0x1, s4;
	s7 =	sshll.u32 s7, $0x1  }
0xc: {  	s3 =	sadd.s32 $0x2400, s5;
	s4 =	sadd.s32 $0x3E2400, s5;
	s7 =	sor.u32 s6, s7  }
0xd: {  	_ =	strace $0x80000047;
	s6 =	ssub.s32 $0x2, s6;
	s8 =	sshll.u32 s7, $0xB  }
0xe: {  	s9 =	sshrl.u32 s6, $0x1;
	s7 =	sshll.u32 s7, $0x6;
	s8 =	sadd.s32 s8, s5  }
0xf: {  	s9 =	ssub.s32 s6, s9;
	s5 =	sadd.s32 s0, s7;
	s6 =	sadd.s32 s1, s7  }
0x10: {  	s7 =	sadd.s32 $0x7C2400, s8;
	s8 =	smax.u32 s9, $0x1;
	s9 =	simm.s32 $0x2  }
.LBB2_1:
0x11: {  	[tilespmem:s2], [sflag:$0x2] =	stream.linear.gather [hbm4b:s5+s2], $0x200, $0x38;
	[tilespmem:$0x8800] =	vst v63  }
0x12: {  	_ =	swait.ge [sflag:s9], $0x200  }
0x13: {  	[sflag:s9] =	ssyncset.done $0x0  }
0x14: {  	[sflag:s9] =	ssyncadd.s32 $0xFFFFFE00  }
0x15: {  	[tilespmem:s10], [sflag:$0x2] =	stream.linear.gather [hbm4b:s6+s2], $0x200, $0x38;
	[tilespmem:$0x8800] =	vst v63  }
0x16: {  	_ =	swait.ge [sflag:s9], $0x200  }
0x17: {  	[sflag:s9] =	ssyncset.done $0x0  }
0x18: {  	s31 =	simm.s32 $0x0;
	[sflag:s9] =	ssyncadd.s32 $0xFFFFFE00  }
0x19: {  	v0 =	vld [tilespmem:s31+$0x380]  }
0x1a: {  	v1 =	vld [tilespmem:s31+$0x0]  }
0x1b: {  	v2 =	vld [tilespmem:s31+$0x80]  }
0x1c: {  	v3 =	vld [tilespmem:s31+$0x100]  }
0x1d: {  	v5 =	vld [tilespmem:s31+$0x180]  }
0x1e: {  	v6 =	vld [tilespmem:s31+$0x200]  }
0x1f: {  	v7 =	vld [tilespmem:s31+$0x280]  }
0x20: {  	v10 =	vld [tilespmem:s31+$0x300]  }
0x21: {  	v4 =	vshll.u32 v0, $0x2  }
0x22: {  	v8 =	vand.u32 $0xFFFFC000, v0;
	v0 =	vshrl.u32 v0, $0xC;
	v9 =	vshll.u32 v1, $0x2  }
0x23: {  	v11 =	vshll.u32 v3, $0x2;
	v12 =	vand.u32 $0xFFFFC000, v2;
	v19 =	vand.u32 $0xFFFFC000, v3  }
0x24: {  	v3 =	vshrl.u32 v3, $0xC;
	v20 =	vand.u32 $0xFFFFC000, v5;
	v21 =	vand.u32 $0xFFFFC000, v6  }
0x25: {  	v14 =	vand.u32 $0xFFFFC000, v7;
	v15 =	vand.u32 $0xFFFFC000, v10;
	v4 =	vand.u32 $0x3FFC, v4  }
0x26: {  	v0 =	vand.u32 $0x3, v0;
	v9 =	vand.u32 $0x3FFC, v9;
	v16 =	vand.u32 $0x3FFC, v11  }
0x27: {  	v11 =	vand.u32 $0xFFFFC000, v1;
	v4 =	vor.u32 v8, v4;
	v8 =	vshll.u32 v2, $0x2  }
0x28: {  	v2 =	vshrl.u32 v2, $0xC;
	v11 =	vor.u32 v11, v9;
	v13 =	vor.u32 v0, v4  }
0x29: {  	v8 =	vand.u32 $0x3FFC, v8;
	v0 =	vshll.u32 v5, $0x2;
	v4 =	vshll.u32 v7, $0x2  }
0x2a: {  	v5 =	vshrl.u32 v5, $0xC;
	v7 =	vshrl.u32 v7, $0xC;
	v17 =	vand.u32 $0x3FFC, v0  }
0x2b: {  	v0 =	vshll.u32 v6, $0x2;
	v6 =	vshrl.u32 v6, $0xC;
	v8 =	vor.u32 v12, v8  }
0x2c: {  	v12 =	vshrl.u32 v10, $0xC;
	[tilespmem:s31+$0x780] =	vst v13;
	v13 =	vor.u32 v19, v16;
	v18 =	vand.u32 $0x3FFC, v0  }
0x2d: {  	v0 =	vshrl.u32 v1, $0xC;
	v1 =	vand.u32 $0x3FFC, v4;
	v4 =	vshll.u32 v10, $0x2  }
0x2e: {  	s0 =	simm.s32 $0x10;
	s1 =	simm.s32 $0x80;
	v9 =	vor.u32 v20, v17;
	v4 =	vand.u32 $0x3FFC, v4;
	v10 =	vor.u32 v21, v18  }
.LBB2_2:
0x2f: {  	p0 =	sne.s32 s1, $0x1C0;
	v16 =	vld [tilespmem:s0+$0x380];
	v0 =	vand.u32 $0x3, v0;
	v1 =	vor.u32 v14, v1;
	v4 =	vor.u32 v15, v4  }
0x30: {  	v2 =	vand.u32 $0x3, v2;
	v3 =	vand.u32 $0x3, v3;
	v5 =	vand.u32 $0x3, v5;
	v14 =	vld [tilespmem:s0+$0x0]  }
0x31: {  	v6 =	vand.u32 $0x3, v6;
	v7 =	vand.u32 $0x3, v7;
	v12 =	vand.u32 $0x3, v12;
	v15 =	vld [tilespmem:s0+$0x80]  }
0x32: {  	v0 =	vor.u32 v0, v11;
	v2 =	vor.u32 v2, v8;
	v3 =	vor.u32 v3, v13;
	v17 =	vld [tilespmem:s0+$0x100]  }
0x33: {  	v1 =	vor.u32 v7, v1;
	v8 =	vld [tilespmem:s0+$0x180];
	[tilespmem:s31+$0x400] =	vst v0;
	v0 =	vor.u32 v5, v9;
	v5 =	vor.u32 v6, v10  }
0x34: {  	v6 =	vld [tilespmem:s0+$0x200];
	v7 =	vshll.u32 v16, $0x2;
	[tilespmem:s31+$0x480] =	vst v2;
	v2 =	vor.u32 v12, v4  }
0x35: {  	v4 =	vand.u32 $0xFFFFC000, v16;
	v10 =	vshrl.u32 v16, $0xC;
	v9 =	vld [tilespmem:s0+$0x280];
	v7 =	vand.u32 $0x3FFC, v7;
	[tilespmem:s31+$0x500] =	vst v3  }
0x36: {  	v3 =	vshll.u32 v14, $0x2;
	v12 =	vld [tilespmem:s0+$0x300];
	v4 =	vor.u32 v4, v7;
	v7 =	vand.u32 $0x3, v10;
	[tilespmem:s31+$0x580] =	vst v0  }
0x37: {  	v0 =	vshll.u32 v15, $0x2;
	v10 =	vshll.u32 v17, $0x2;
	v4 =	vor.u32 v7, v4;
	[tilespmem:s31+$0x600] =	vst v5  }
0x38: {  	v11 =	vand.u32 $0x3FFC, v3;
	v13 =	vand.u32 $0x3FFC, v0;
	v0 =	vshll.u32 v8, $0x2;
	[tilespmem:s0+$0x780] =	vst v4  }
0x39: {  	v10 =	vand.u32 $0x3FFC, v10;
	v16 =	vand.u32 $0x3FFC, v0;
	v0 =	vshll.u32 v6, $0x2;
	[tilespmem:s31+$0x680] =	vst v1  }
0x3a: {  	v18 =	vand.u32 $0xFFFFC000, v14;
	v19 =	vand.u32 $0x3FFC, v0;
	v1 =	vshll.u32 v9, $0x2;
	[tilespmem:s31+$0x700] =	vst v2;
	s31 =	smov.u32 s0  }
0x3b: {  	v0 =	vshrl.u32 v14, $0xC;
	v1 =	vand.u32 $0x3FFC, v1;
	v3 =	vshll.u32 v12, $0x2  }
0x3c: {  	v20 =	vand.u32 $0xFFFFC000, v15;
	v2 =	vshrl.u32 v15, $0xC;
	v4 =	vand.u32 $0x3FFC, v3  }
.Ltmp0:
0x3d: {  	v21 =	vand.u32 $0xFFFFC000, v17;
	v3 =	vshrl.u32 v17, $0xC;
	v17 =	vand.u32 $0xFFFFC000, v8;
	(pc) =	sbr.rel @p0 .LBB2_2-.Ltmp0, $4  }
0x3e: {  	v5 =	vshrl.u32 v8, $0xC;
	v22 =	vand.u32 $0xFFFFC000, v6;
	v6 =	vshrl.u32 v6, $0xC  }
0x3f: {  	v14 =	vand.u32 $0xFFFFC000, v9;
	v7 =	vshrl.u32 v9, $0xC;
	v15 =	vand.u32 $0xFFFFC000, v12  }
0x40: {  	v11 =	vor.u32 v18, v11;
	v12 =	vshrl.u32 v12, $0xC;
	v8 =	vor.u32 v20, v13  }
0x41: {  	s0 =	sshra.s32 s1, $0x2;
	s1 =	sadd.s32 $0x40, s1;
	v13 =	vor.u32 v21, v10;
	v10 =	vor.u32 v22, v19;
	v9 =	vor.u32 v17, v16  }
0x42: {  	v16 =	vld [tilespmem:s0+$0x380];
	v0 =	vand.u32 $0x3, v0;
	v1 =	vor.u32 v14, v1  }
0x43: {  	v17 =	vld [tilespmem:s0+$0x0];
	v4 =	vor.u32 v15, v4;
	v2 =	vand.u32 $0x3, v2;
	v3 =	vand.u32 $0x3, v3  }
0x44: {  	v14 =	vld [tilespmem:s0+$0x100];
	v5 =	vand.u32 $0x3, v5;
	v6 =	vand.u32 $0x3, v6;
	v0 =	vor.u32 v0, v11  }
0x45: {  	v18 =	vld [tilespmem:s0+$0x80];
	v2 =	vor.u32 v2, v8;
	v3 =	vor.u32 v3, v13;
	v5 =	vor.u32 v5, v9  }
0x46: {  	v11 =	vld [tilespmem:s0+$0x180];
	v6 =	vor.u32 v6, v10;
	[tilespmem:s31+$0x400] =	vst v0;
	v0 =	vand.u32 $0x3, v7;
	v7 =	vand.u32 $0x3, v12  }
0x47: {  	v8 =	vld [tilespmem:s0+$0x200];
	[tilespmem:s31+$0x480] =	vst v2;
	v0 =	vor.u32 v0, v1;
	v2 =	vor.u32 v7, v4;
	v1 =	vshll.u32 v16, $0x2  }
0x48: {  	v4 =	vld [tilespmem:s0+$0x280];
	[tilespmem:s31+$0x500] =	vst v3;
	v7 =	vand.u32 $0xFFFFC000, v16;
	v9 =	vshrl.u32 v16, $0xC;
	v3 =	vshll.u32 v17, $0x2  }
0x49: {  	v12 =	vshll.u32 v14, $0x2;
	v15 =	vand.u32 $0xFFFFC000, v17;
	v17 =	vshrl.u32 v17, $0xC  }
0x4a: {  	v10 =	vld [tilespmem:s0+$0x300];
	v20 =	vand.u32 $0xFFFFC000, v18;
	[tilespmem:s31+$0x580] =	vst v5;
	v5 =	vand.u32 $0xFFFFC000, v14;
	v14 =	vshrl.u32 v14, $0xC  }
0x4b: {  	v1 =	vand.u32 $0x3FFC, v1;
	v3 =	vand.u32 $0x3FFC, v3;
	v12 =	vand.u32 $0x3FFC, v12  }
0x4c: {  	[tilespmem:s31+$0x600] =	vst v6;
	v21 =	vand.u32 $0xFFFFC000, v11;
	v6 =	vshrl.u32 v11, $0xC;
	v1 =	vor.u32 v7, v1  }
0x4d: {  	v7 =	vand.u32 $0x3, v9;
	v9 =	vshll.u32 v18, $0x2;
	v18 =	vshrl.u32 v18, $0xC  }
0x4e: {  	v5 =	vor.u32 v5, v12;
	v12 =	vand.u32 $0x3, v14;
	v6 =	vand.u32 $0x3, v6  }
0x4f: {  	v1 =	vor.u32 v7, v1;
	v7 =	vand.u32 $0x3FFC, v9;
	v9 =	vshll.u32 v11, $0x2  }
0x50: {  	v13 =	vshll.u32 v8, $0x2;
	v11 =	vand.u32 $0xFFFFC000, v8;
	v8 =	vshrl.u32 v8, $0xC  }
0x51: {  	v5 =	vor.u32 v12, v5;
	v9 =	vand.u32 $0x3FFC, v9;
	v13 =	vand.u32 $0x3FFC, v13  }
0x52: {  	v63 =	vshll.u32 v4, $0x2;
	[tilespmem:s0+$0x780] =	vst v1;
	v1 =	vor.u32 v15, v3;
	v3 =	vand.u32 $0xFFFFC000, v4  }
0x53: {  	v4 =	vshrl.u32 v4, $0xC;
	v7 =	vor.u32 v20, v7;
	v15 =	vand.u32 $0x3, v17;
	[tilespmem:s31+$0x680] =	vst v0  }
0x54: {  	v8 =	vand.u32 $0x3, v8;
	v19 =	vshll.u32 v10, $0x2;
	[tilespmem:s31+$0x700] =	vst v2;
	v1 =	vor.u32 v15, v1  }
0x55: {  	v0 =	vand.u32 $0xFFFFC000, v10;
	v2 =	vshrl.u32 v10, $0xC;
	v10 =	vand.u32 $0x3, v18;
	[tilespmem:s0+$0x400] =	vst v1  }
0x56: {  	v16 =	vand.u32 $0x3FFC, v63;
	v7 =	vor.u32 v10, v7;
	v1 =	vor.u32 v21, v9;
	[tilespmem:s0+$0x500] =	vst v5  }
0x57: {  	v4 =	vand.u32 $0x3, v4;
	[tilespmem:s0+$0x480] =	vst v7;
	v7 =	vor.u32 v11, v13;
	v1 =	vor.u32 v6, v1  }
0x58: {  	v19 =	vand.u32 $0x3FFC, v19;
	v3 =	vor.u32 v3, v16;
	v5 =	vor.u32 v8, v7;
	[tilespmem:s0+$0x580] =	vst v1  }
0x59: {  	v0 =	vor.u32 v0, v19;
	v1 =	vand.u32 $0x3, v2;
	v2 =	vor.u32 v4, v3;
	[tilespmem:s0+$0x600] =	vst v5  }
0x5a: {  	v0 =	vor.u32 v1, v0;
	[tilespmem:s0+$0x680] =	vst v2  }
0x5b: {  	[tilespmem:s0+$0x700] =	vst v0  }
0x5c: {  	[tilespmem:s13], [sflag:$0x1] =	stream.indirect.gather [hbm4b:s3+s11], $0x20, s12, s11, $0xb8;
	[tilespmem:$0x8800] =	vst v63  }
0x5d: {  	_ = 	snop  }
0x5e: {  	[tilespmem:s15], [sflag:$0x1] =	stream.indirect.gather [hbm4b:s4+s11], $0x20, s14, s11, $0xb8;
	[tilespmem:$0x8800] =	vst v63  }
0x5f: {  	_ = 	snop  }
0x60: {  	[tilespmem:s17], [sflag:$0x1] =	stream.indirect.gather [hbm4b:s3+s11], $0x20, s16, s11, $0xb8;
	[tilespmem:$0x8800] =	vst v63  }
0x61: {  	_ = 	snop  }
0x62: {  	[tilespmem:s19], [sflag:$0x1] =	stream.indirect.gather [hbm4b:s4+s11], $0x20, s18, s11, $0xb8;
	[tilespmem:$0x8800] =	vst v63  }
0x63: {  	_ = 	snop  }
0x64: {  	[tilespmem:s21], [sflag:$0x1] =	stream.indirect.gather [hbm4b:s3+s11], $0x20, s20, s11, $0xb8;
	[tilespmem:$0x8800] =	vst v63  }
0x65: {  	_ = 	snop  }
0x66: {  	[tilespmem:s23], [sflag:$0x1] =	stream.indirect.gather [hbm4b:s4+s11], $0x20, s22, s11, $0xb8;
	[tilespmem:$0x8800] =	vst v63  }
0x67: {  	_ = 	snop  }
0x68: {  	[tilespmem:s25], [sflag:$0x1] =	stream.indirect.gather [hbm4b:s3+s11], $0x20, s24, s11, $0xb8;
	[tilespmem:$0x8800] =	vst v63  }
0x69: {  	_ = 	snop  }
0x6a: {  	[tilespmem:s28], [sflag:$0x1] =	stream.indirect.gather [hbm4b:s4+s11], $0x20, s26, s11, $0xb8;
	[tilespmem:$0x8800] =	vst v63  }
0x6b: {  	_ =	swait.ge [sflag:s29], $0x1000  }
0x6c: {  	[sflag:s29] =	ssyncset.done $0x0  }
0x6d: {  	[sflag:s29] =	ssyncadd.s32 $0xFFFFF000  }
0x6e: {  	_ =	swait.ge [sflag:s29], $0x1000  }
0x6f: {  	[sflag:s29] =	ssyncset.done $0x0  }
0x70: {  	[sflag:s29] =	ssyncadd.s32 $0xFFFFF000  }
0x71: {  	_ =	swait.ge [sflag:s29], $0x1000  }
0x72: {  	[sflag:s29] =	ssyncset.done $0x0  }
0x73: {  	[sflag:s29] =	ssyncadd.s32 $0xFFFFF000  }
0x74: {  	_ =	swait.ge [sflag:s29], $0x1000  }
0x75: {  	[sflag:s29] =	ssyncset.done $0x0  }
0x76: {  	[sflag:s29] =	ssyncadd.s32 $0xFFFFF000  }
0x77: {  	_ =	swait.ge [sflag:s29], $0x1000  }
0x78: {  	[sflag:s29] =	ssyncset.done $0x0  }
0x79: {  	[sflag:s29] =	ssyncadd.s32 $0xFFFFF000  }
0x7a: {  	_ =	swait.ge [sflag:s29], $0x1000  }
0x7b: {  	[sflag:s29] =	ssyncset.done $0x0  }
0x7c: {  	[sflag:s29] =	ssyncadd.s32 $0xFFFFF000  }
0x7d: {  	_ =	swait.ge [sflag:s29], $0x1000  }
0x7e: {  	[sflag:s29] =	ssyncset.done $0x0  }
0x7f: {  	[sflag:s29] =	ssyncadd.s32 $0xFFFFF000  }
0x80: {  	_ =	swait.ge [sflag:s29], $0x1000  }
0x81: {  	[sflag:s29] =	ssyncset.done $0x0  }
0x82: {  	s0 =	simm.s32 $0xFFFFF000;
	[sflag:s29] =	ssyncadd.s32 $0xFFFFF000  }
0x83: {  	v7 =	vld [tilespmem:s0+$0x5800]  }
0x84: {  	v11 =	vld [tilespmem:s0+$0x5810]  }
0x85: {  	v5 =	vld [tilespmem:s0+$0x6800]  }
0x86: {  	v4 =	vld [tilespmem:s0+$0x6810]  }
0x87: {  	v3 =	vld [tilespmem:s0+$0x7800]  }
0x88: {  	v2 =	vld [tilespmem:s0+$0x7810]  }
0x89: {  	v1 =	vld [tilespmem:s0+$0x8800]  }
0x8a: {  	v0 =	vld [tilespmem:s0+$0x8810]  }
0x8b: {  	v12 =	vld [tilespmem:s0+$0x1800]  }
0x8c: {  	v13 =	vld [tilespmem:s0+$0x1810]  }
0x8d: {  	v10 =	vld [tilespmem:s0+$0x2800]  }
0x8e: {  	v9 =	vld [tilespmem:s0+$0x2810]  }
0x8f: {  	v8 =	vld [tilespmem:s0+$0x3800]  }
0x90: {  	v6 =	vld [tilespmem:s0+$0x3810];
	v12 =	vmul.f32 v7, v12  }
0x91: {  	s1 =	simm.s32 $0xFFFFC080;
	v11 =	vmul.f32 v11, v13;
	v7 =	vld [tilespmem:s0+$0x4800]  }
.LBB2_4:
0x92: {  	s31 =	sshra.s32 s1, $0x2;
	p0 =	sne.s32 s1, $0xFFFFFF80;
	[tilespmem:s0+$0x1800] =	vst v12;
	v5 =	vmul.f32 v5, v10;
	v10 =	vld [tilespmem:s0+$0x4810]  }
0x93: {  	v12 =	vld [tilespmem:s31+$0x5800];
	[tilespmem:s0+$0x1810] =	vst v11;
	v4 =	vmul.f32 v4, v9  }
0x94: {  	v11 =	vld [tilespmem:s31+$0x5810];
	[tilespmem:s0+$0x2800] =	vst v5;
	v3 =	vmul.f32 v3, v8  }
0x95: {  	v5 =	vld [tilespmem:s31+$0x6800];
	[tilespmem:s0+$0x2810] =	vst v4;
	v2 =	vmul.f32 v2, v6  }
0x96: {  	v4 =	vld [tilespmem:s31+$0x6810];
	[tilespmem:s0+$0x3800] =	vst v3;
	v1 =	vmul.f32 v1, v7  }
0x97: {  	v3 =	vld [tilespmem:s31+$0x7800];
	[tilespmem:s0+$0x3810] =	vst v2;
	v0 =	vmul.f32 v0, v10  }
0x98: {  	v2 =	vld [tilespmem:s31+$0x7810];
	[tilespmem:s0+$0x4800] =	vst v1  }
0x99: {  	v1 =	vld [tilespmem:s31+$0x8800];
	[tilespmem:s0+$0x4810] =	vst v0;
	s0 =	smov.u32 s31  }
0x9a: {  	v0 =	vld [tilespmem:s0+$0x8810]  }
0x9b: {  	v6 =	vld [tilespmem:s0+$0x1800]  }
0x9c: {  	v7 =	vld [tilespmem:s0+$0x1810]  }
.Ltmp1:
0x9d: {  	v10 =	vld [tilespmem:s0+$0x2800];
	(pc) =	sbr.rel @p0 .LBB2_4-.Ltmp1, $4  }
0x9e: {  	v9 =	vld [tilespmem:s0+$0x2810]  }
0x9f: {  	v8 =	vld [tilespmem:s0+$0x3800]  }
0xa0: {  	v12 =	vmul.f32 v12, v6;
	v6 =	vld [tilespmem:s0+$0x3810]  }
0xa1: {  	s1 =	sadd.s32 $0x80, s1;
	v11 =	vmul.f32 v11, v7;
	v7 =	vld [tilespmem:s0+$0x4800]  }
0xa2: {  	[tilespmem:s0+$0x1800] =	vst v12;
	v5 =	vmul.f32 v5, v10;
	v63 =	vld [tilespmem:s0+$0x4810]  }
0xa3: {  	[tilespmem:s0+$0x1810] =	vst v11;
	v4 =	vmul.f32 v4, v9  }
0xa4: {  	[tilespmem:s0+$0x2800] =	vst v5;
	v3 =	vmul.f32 v3, v8  }
0xa5: {  	[tilespmem:s0+$0x2810] =	vst v4;
	v2 =	vmul.f32 v2, v6  }
0xa6: {  	[tilespmem:s0+$0x3800] =	vst v3;
	v1 =	vmul.f32 v1, v7  }
0xa7: {  	s30 =	sadd.s32 $0x1, s30;
	[tilespmem:s0+$0x3810] =	vst v2;
	v0 =	vmul.f32 v0, v63  }
0xa8: {  	p0 =	sne.s32 s30, s8;
	[tilespmem:s0+$0x4800] =	vst v1  }
.Ltmp2:
0xa9: {  	[tilespmem:s0+$0x4810] =	vst v0;
	(pc) =	sbr.rel @p0 .LBB2_1-.Ltmp2, $4  }
0xaa: {  	[hbm4b:s7+s2] =	stream.linear.scatter [tilespmem:s13], [sflag:$0x2], $0x4000, $0x38;
	[tilespmem:$0x8800] =	vst v63  }
0xab: {  	_ =	swait.ge [sflag:s9], $0x4000  }
0xac: {  	[sflag:s9] =	ssyncset.done $0x0  }
0xad: {  	[sflag:s9] =	ssyncadd.s32 $0xFFFFC000  }
0xae: {  	_ =	sfence.sel $0x180000  }
0xaf: {  	[bflag:$0x0] =	sbarrier.arrive $0xFFFF  }
0xb0: {  	_ =	strace $0x90000047  }
0xb1: {  	s0 =	stileid.u32;
	[bflag:$0x2] =	sbarrier.arrive $0xFFFF  }
0xb2: {  	p0 =	sne.s32 s0, $0x0;
	s0 =	rddreg [dreg:$0x3]  }
0xb3: {  	s0 =	sadd.s32 @!p0 $0x100000, s0  }
0xb4: {  	[sflag:s0] =	ssyncadd.tile.s32 @!p0 $0x1;
	_ =	shalt  }
.Lfunc_end2:
_tile_overlayer_lowered:
.L_overlay_start_2:
0xb5: {  	(tag) =	ssettag $0x2  }
0xb6: {  	s0 =	rddreg [dreg:$0x0];
	s2 =	stileid.u32  }
0xb7: {  	s1 =	rddreg [dreg:$0x1];
	p0 =	sne.s32 s2, $0x0  }
0xb8: {  	s3 =	rddreg [dreg:$0x2];
	[bflag:$0x3] =	sbarrier.arrive $0xFFFF;
	s2 =	simm.s32 @!p0 $0x1C02  }
0xb9: {  	[timem:s3], [sflag:s2] =	dma.local @!p0 [hbm:s0], s1  }
0xba: {  	s0 =	simm.s32 @!p0 $0x2  }
0xbb: {  	_ =	swait.ge @!p0 [sflag:s0], s1  }
0xbc: {  	s1 =	ssub.s32 @!p0 $0x0, s1;
	[sflag:s0] =	ssyncset.done @!p0 $0x0  }
0xbd: {  	[sflag:s0] =	ssyncadd.s32 @!p0 s1  }
0xbe: {  	[bflag:$0x3] =	sbarrier.arrive $0xFFFF  }
0xbf: {  	_ =	shalt  }

</sc_bundles>
